<compile_context>
chip_gen: v7x
topology: tpu7x:2x2x1
jax: 0.10.2.dev20260603
libtpu: 0.0.44.dev20260713+nightly
codegen_flags: <defaults>
</compile_context>

<pallas_src>
import functools

import jax
import jax.numpy as jnp
from jax import lax
from jax.experimental import pallas as pl
from jax.experimental.pallas import tpu as pltpu
from jax.experimental.pallas import tpu_sc as plsc

_K = 1000
_KP = 1024
_D = 128
_B = 16384
_NC = 2
_NS = 16
_NW = _NC * _NS
_BPW = _B // _NW
_CH = 128
_NCHUNK = _BPW // _CH
_VPR = _D // 16
_CROWS = 64
_CROWS_LAST = _K - 15 * _CROWS


def _sc_body(feats_hbm, labels_hbm, centers_hbm, out_hbm,
             idx_v, f0, f1, f2, f3, hist_v, ridx_v, cbuf, sbuf, nbuf, acc_v,
             s_shared, n_shared,
             fs0, fs1, fs2, fs3, ss0, ss1, ss2, ss3, csem, lsem, hsem):
    fbuf = (f0, f1, f2, f3)
    fsem = (fs0, fs1, fs2, fs3)
    ssem = (ss0, ss1, ss2, ss3)
    sid = lax.axis_index("s")
    wid = sid * _NC + lax.axis_index("c")

    lpend = pltpu.async_copy(
        labels_hbm.at[pl.ds(wid * _NCHUNK, _NCHUNK)], idx_v, lsem)
    fpend = [
        pltpu.async_copy(
            feats_hbm.at[pl.ds(wid * _BPW + c * _CH, _CH)], fbuf[c], fsem[c])
        for c in range(_NCHUNK)
    ]
    cpend = pltpu.async_copy(
        centers_hbm.at[pl.ds(sid * _CROWS, _CROWS)], cbuf, csem)

    for r in range(2 * _KP // _D):
        def hzero(i, _, r=r):
            hist_v[r, pl.ds(i * 16, 16)] = jnp.zeros((16,), jnp.float32)
            return 0

        lax.fori_loop(0, _D // 16, hzero, 0)

    ridx_v[...] = lax.iota(jnp.int32, 16)
    for k in range(_CROWS // 16):
        pltpu.sync_copy(
            hist_v, s_shared.at[pl.ds(sid * _CROWS + k * 16, 16)])

    @pl.when(sid == 0)
    def _():
        pltpu.sync_copy(hist_v, n_shared)

    lpend.wait()
    ones = jnp.ones((16,), jnp.float32)
    for c in range(_NCHUNK):
        def hadd(g, _, c=c):
            lab = idx_v[c, pl.ds(g * 16, 16)]
            row = lax.shift_right_logical(lab, 7)
            col = lax.bitwise_and(lab, 127)
            plsc.addupdate_scatter(hist_v, [row, col], ones)
            return 0

        lax.fori_loop(0, _VPR, hadd, 0)

    plsc.subcore_barrier()

    hpend = pltpu.async_copy(hist_v, n_shared.at[ridx_v], hsem, add=True)
    acc = tuple(jnp.zeros((16,), jnp.float32) for _ in range(_VPR))
    spend = []
    for c in range(_NCHUNK):
        fpend[c].wait()
        spend.append(pltpu.async_copy(
            fbuf[c], s_shared.at[idx_v.at[c]], ssem[c], add=True))

        def sqbody(it, acc, c=c):
            out = list(acc)
            for r in range(4):
                for j in range(_VPR):
                    f = fbuf[c][it * 4 + r, pl.ds(j * 16, 16)]
                    out[j] = out[j] + f * f
            return tuple(out)

        acc = lax.fori_loop(0, _CH // 4, sqbody, acc)
    for c in range(_NCHUNK):
        spend[c].wait()
    hpend.wait()
    plsc.subcore_barrier()


    def combine(nrows, acc):
        base = sid * _CROWS
        sp = pltpu.async_copy(s_shared.at[pl.ds(base, nrows)],
                              sbuf.at[pl.ds(0, nrows)], fs0)
        np_ = pltpu.async_copy(n_shared, nbuf, fs1)
        sp.wait()
        np_.wait()

        def body(i, acc):
            out = list(acc)
            c = base + i
            rowv = jnp.full((16,), lax.shift_right_logical(c, 7), jnp.int32)
            colv = jnp.full((16,), lax.bitwise_and(c, 127), jnp.int32)
            n = plsc.load_gather(nbuf, [rowv, colv])
            for j in range(_VPR):
                cc = cbuf[i, pl.ds(j * 16, 16)]
                ss = sbuf[i, pl.ds(j * 16, 16)]
                t = n * cc - (ss + ss)
                out[j] = out[j] + cc * t
            return tuple(out)

        return lax.fori_loop(0, nrows, body, acc)

    cpend.wait()

    @pl.when(sid < 15)
    def _():
        acc2 = combine(_CROWS, acc)
        total = acc2[0]
        for j in range(1, _VPR):
            total = total + acc2[j]
        acc_v[...] = total

    @pl.when(sid == 15)
    def _():
        acc2 = combine(_CROWS_LAST, acc)
        total = acc2[0]
        for j in range(1, _VPR):
            total = total + acc2[j]
        acc_v[...] = total

    pltpu.sync_copy(acc_v, out_hbm.at[wid])


@jax.jit
def kernel(feats, labels, centers_weight):
    labels2d = jnp.squeeze(labels).astype(jnp.int32).reshape(_B // _CH, _CH)
    mesh = plsc.VectorSubcoreMesh(core_axis_name="c", subcore_axis_name="s")
    sc_fn = functools.partial(
        pl.kernel,
        mesh=mesh,
        out_type=jax.ShapeDtypeStruct((_NW, 16), jnp.float32),
        compiler_params=pltpu.CompilerParams(
            needs_layout_passes=False, skip_device_barrier=True),
        scratch_types=[
            pltpu.VMEM((_NCHUNK, _CH), jnp.int32),
            pltpu.VMEM((_CH, _D), jnp.float32),
            pltpu.VMEM((_CH, _D), jnp.float32),
            pltpu.VMEM((_CH, _D), jnp.float32),
            pltpu.VMEM((_CH, _D), jnp.float32),
            pltpu.VMEM((2 * _KP // _D, _D), jnp.float32),
            pltpu.VMEM((16,), jnp.int32),
            pltpu.VMEM((_CROWS, _D), jnp.float32),
            pltpu.VMEM((_CROWS, _D), jnp.float32),
            pltpu.VMEM((2 * _KP // _D, _D), jnp.float32),
            pltpu.VMEM((16,), jnp.float32),
            pltpu.VMEM_SHARED((_KP, _D), jnp.float32),
            pltpu.VMEM_SHARED((2 * _KP // _D, _D), jnp.float32),
            pltpu.SemaphoreType.DMA,
            pltpu.SemaphoreType.DMA,
            pltpu.SemaphoreType.DMA,
            pltpu.SemaphoreType.DMA,
            pltpu.SemaphoreType.DMA,
            pltpu.SemaphoreType.DMA,
            pltpu.SemaphoreType.DMA,
            pltpu.SemaphoreType.DMA,
            pltpu.SemaphoreType.DMA,
            pltpu.SemaphoreType.DMA,
            pltpu.SemaphoreType.DMA,
        ],
    )(_sc_body)
    partials = sc_fn(feats, labels2d, centers_weight)
    return jnp.sum(partials) / jnp.float32(_B * _D)

# --- scband reference (transcript-rebuilt; emitter-appended) ---
"""Pipeline reference for scband-center-loss-58308476011048 (READ-ONLY COPY).

The authoritative reference and input builder live on the scoring server;
editing this copy changes nothing except your own understanding.
"""

import jax, jax.numpy as jnp
import numpy as np

NUM_CLASSES = 1000
FEATURE_DIM = 128
BATCH = 16384


def setup_inputs(seed: int = 0) -> dict:
    key = jax.random.key(seed)
    k1, k2, k3 = jax.random.split(key, 3)
    feats = jax.random.normal(k1, (BATCH, FEATURE_DIM), dtype=jnp.float32)
    labels = jax.random.randint(k2, (BATCH,), 0, NUM_CLASSES, dtype=jnp.int32)
    # learned parameter: centers embedding table, default nn.Embedding init ~ N(0,1)
    centers_weight = jax.random.normal(k3, (NUM_CLASSES, FEATURE_DIM), dtype=jnp.float32)
    return {"feats": feats, "labels": labels, "centers_weight": centers_weight}


def reference(feats, labels, centers_weight):
    # centers = self.centers(labels.squeeze())  -> embedding gather
    labels = jnp.squeeze(labels)
    centers = jnp.take(centers_weight, labels, axis=0)
    # nn.MSELoss() with default reduction='mean'
    loss = jnp.mean((feats - centers) ** 2)
    return loss

if __name__ == "__main__":
    import jax
    _d = setup_inputs()
    print(jax.jit(kernel)(*tuple(_d.values())))

</pallas_src>

<mosaic_0001>
#map = affine_map<(d0, d1) -> (0, 0)>
module attributes {stable_mosaic.version = 14 : i64} {
  func.func @_sc_body(%arg0: i32, %arg1: i32, %arg2: memref<16384x128xf32, #tpu.memory_space<hbm>>, %arg3: memref<128x128xi32, #tpu.memory_space<hbm>>, %arg4: memref<1000x128xf32, #tpu.memory_space<hbm>>, %arg5: memref<32x16xf32, #tpu.memory_space<hbm>>, %arg6: memref<4x128xi32, #tpu.memory_space<vmem>>, %arg7: memref<128x128xf32, #tpu.memory_space<vmem>>, %arg8: memref<128x128xf32, #tpu.memory_space<vmem>>, %arg9: memref<128x128xf32, #tpu.memory_space<vmem>>, %arg10: memref<128x128xf32, #tpu.memory_space<vmem>>, %arg11: memref<16x128xf32, #tpu.memory_space<vmem>>, %arg12: memref<16xi32, #tpu.memory_space<vmem>>, %arg13: memref<64x128xf32, #tpu.memory_space<vmem>>, %arg14: memref<64x128xf32, #tpu.memory_space<vmem>>, %arg15: memref<16x128xf32, #tpu.memory_space<vmem>>, %arg16: memref<16xf32, #tpu.memory_space<vmem>>, %arg17: memref<1024x128xf32, #tpu.memory_space<vmem_shared>>, %arg18: memref<16x128xf32, #tpu.memory_space<vmem_shared>>, %arg19: memref<!tpu.dma_semaphore, #tpu.memory_space<semaphore_mem>>, %arg20: memref<!tpu.dma_semaphore, #tpu.memory_space<semaphore_mem>>, %arg21: memref<!tpu.dma_semaphore, #tpu.memory_space<semaphore_mem>>, %arg22: memref<!tpu.dma_semaphore, #tpu.memory_space<semaphore_mem>>, %arg23: memref<!tpu.dma_semaphore, #tpu.memory_space<semaphore_mem>>, %arg24: memref<!tpu.dma_semaphore, #tpu.memory_space<semaphore_mem>>, %arg25: memref<!tpu.dma_semaphore, #tpu.memory_space<semaphore_mem>>, %arg26: memref<!tpu.dma_semaphore, #tpu.memory_space<semaphore_mem>>, %arg27: memref<!tpu.dma_semaphore, #tpu.memory_space<semaphore_mem>>, %arg28: memref<!tpu.dma_semaphore, #tpu.memory_space<semaphore_mem>>, %arg29: memref<!tpu.dma_semaphore, #tpu.memory_space<semaphore_mem>>) attributes {dimension_semantics = [#tpu.dimension_semantics<core_parallel>, #tpu.dimension_semantics<subcore_parallel>], iteration_bounds = array<i64: 2, 16>, scalar_prefetch = 0 : i64, scratch_operands = 24 : i64, tpu.core_type = #tpu.core_type<sc_vector_subcore>, window_params = [{transform_indices = #map}, {transform_indices = #map}, {transform_indices = #map}, {transform_indices = #map}]} {
    %mul3A = arith.constant 2 : i32
    %mul3A_0 = arith.muli %arg1, %mul3A : i32
    %add3A = arith.addi %mul3A_0, %arg0 : i32
    %mul3A_1 = arith.constant 4 : i32
    %mul3A_2 = arith.muli %add3A, %mul3A_1 : i32
    %dma_start3A = arith.constant 0 : i32
    %dma_start3A_3 = tpu.memref_slice %arg3[%mul3A_2, %dma_start3A] : memref<128x128xi32, #tpu.memory_space<hbm>> -> memref<4x128xi32, #tpu.memory_space<hbm>>
    %dma_start3A_4 = arith.constant 0 : i32
    %dma_start3A_5 = tpu.memref_slice %arg3[%mul3A_2, %dma_start3A_4] : memref<128x128xi32, #tpu.memory_space<hbm>> -> memref<4x128xi32, #tpu.memory_space<hbm>>
    tpu.enqueue_dma source(%dma_start3A_5 : memref<4x128xi32, #tpu.memory_space<hbm>>) target(%arg6 : memref<4x128xi32, #tpu.memory_space<vmem>>) target_semaphore(%arg28 : memref<!tpu.dma_semaphore, #tpu.memory_space<semaphore_mem>>)
    %mul3A_6 = arith.constant 512 : i32
    %mul3A_7 = arith.muli %add3A, %mul3A_6 : i32
    %add3A_8 = arith.constant 0 : i32
    %add3A_9 = arith.addi %mul3A_7, %add3A_8 : i32
    %dma_start3A_10 = arith.constant 0 : i32
    %dma_start3A_11 = tpu.memref_slice %arg2[%add3A_9, %dma_start3A_10] : memref<16384x128xf32, #tpu.memory_space<hbm>> -> memref<128x128xf32, #tpu.memory_space<hbm>>
    %dma_start3A_12 = arith.constant 0 : i32
    %dma_start3A_13 = tpu.memref_slice %arg2[%add3A_9, %dma_start3A_12] : memref<16384x128xf32, #tpu.memory_space<hbm>> -> memref<128x128xf32, #tpu.memory_space<hbm>>
    tpu.enqueue_dma source(%dma_start3A_13 : memref<128x128xf32, #tpu.memory_space<hbm>>) target(%arg7 : memref<128x128xf32, #tpu.memory_space<vmem>>) target_semaphore(%arg19 : memref<!tpu.dma_semaphore, #tpu.memory_space<semaphore_mem>>)
    %mul3A_14 = arith.constant 512 : i32
    %mul3A_15 = arith.muli %add3A, %mul3A_14 : i32
    %add3A_16 = arith.constant 128 : i32
    %add3A_17 = arith.addi %mul3A_15, %add3A_16 : i32
    %dma_start3A_18 = arith.constant 0 : i32
    %dma_start3A_19 = tpu.memref_slice %arg2[%add3A_17, %dma_start3A_18] : memref<16384x128xf32, #tpu.memory_space<hbm>> -> memref<128x128xf32, #tpu.memory_space<hbm>>
    %dma_start3A_20 = arith.constant 0 : i32
    %dma_start3A_21 = tpu.memref_slice %arg2[%add3A_17, %dma_start3A_20] : memref<16384x128xf32, #tpu.memory_space<hbm>> -> memref<128x128xf32, #tpu.memory_space<hbm>>
    tpu.enqueue_dma source(%dma_start3A_21 : memref<128x128xf32, #tpu.memory_space<hbm>>) target(%arg8 : memref<128x128xf32, #tpu.memory_space<vmem>>) target_semaphore(%arg20 : memref<!tpu.dma_semaphore, #tpu.memory_space<semaphore_mem>>)
    %mul3A_22 = arith.constant 512 : i32
    %mul3A_23 = arith.muli %add3A, %mul3A_22 : i32
    %add3A_24 = arith.constant 256 : i32
    %add3A_25 = arith.addi %mul3A_23, %add3A_24 : i32
    %dma_start3A_26 = arith.constant 0 : i32
    %dma_start3A_27 = tpu.memref_slice %arg2[%add3A_25, %dma_start3A_26] : memref<16384x128xf32, #tpu.memory_space<hbm>> -> memref<128x128xf32, #tpu.memory_space<hbm>>
    %dma_start3A_28 = arith.constant 0 : i32
    %dma_start3A_29 = tpu.memref_slice %arg2[%add3A_25, %dma_start3A_28] : memref<16384x128xf32, #tpu.memory_space<hbm>> -> memref<128x128xf32, #tpu.memory_space<hbm>>
    tpu.enqueue_dma source(%dma_start3A_29 : memref<128x128xf32, #tpu.memory_space<hbm>>) target(%arg9 : memref<128x128xf32, #tpu.memory_space<vmem>>) target_semaphore(%arg21 : memref<!tpu.dma_semaphore, #tpu.memory_space<semaphore_mem>>)
    %mul3A_30 = arith.constant 512 : i32
    %mul3A_31 = arith.muli %add3A, %mul3A_30 : i32
    %add3A_32 = arith.constant 384 : i32
    %add3A_33 = arith.addi %mul3A_31, %add3A_32 : i32
    %dma_start3A_34 = arith.constant 0 : i32
    %dma_start3A_35 = tpu.memref_slice %arg2[%add3A_33, %dma_start3A_34] : memref<16384x128xf32, #tpu.memory_space<hbm>> -> memref<128x128xf32, #tpu.memory_space<hbm>>
    %dma_start3A_36 = arith.constant 0 : i32
    %dma_start3A_37 = tpu.memref_slice %arg2[%add3A_33, %dma_start3A_36] : memref<16384x128xf32, #tpu.memory_space<hbm>> -> memref<128x128xf32, #tpu.memory_space<hbm>>
    tpu.enqueue_dma source(%dma_start3A_37 : memref<128x128xf32, #tpu.memory_space<hbm>>) target(%arg10 : memref<128x128xf32, #tpu.memory_space<vmem>>) target_semaphore(%arg22 : memref<!tpu.dma_semaphore, #tpu.memory_space<semaphore_mem>>)
    %mul3A_38 = arith.constant 64 : i32
    %mul3A_39 = arith.muli %arg1, %mul3A_38 : i32
    %dma_start3A_40 = arith.constant 0 : i32
    %dma_start3A_41 = tpu.memref_slice %arg4[%mul3A_39, %dma_start3A_40] : memref<1000x128xf32, #tpu.memory_space<hbm>> -> memref<64x128xf32, #tpu.memory_space<hbm>>
    %dma_start3A_42 = arith.constant 0 : i32
    %dma_start3A_43 = tpu.memref_slice %arg4[%mul3A_39, %dma_start3A_42] : memref<1000x128xf32, #tpu.memory_space<hbm>> -> memref<64x128xf32, #tpu.memory_space<hbm>>
    tpu.enqueue_dma source(%dma_start3A_43 : memref<64x128xf32, #tpu.memory_space<hbm>>) target(%arg13 : memref<64x128xf32, #tpu.memory_space<vmem>>) target_semaphore(%arg27 : memref<!tpu.dma_semaphore, #tpu.memory_space<semaphore_mem>>)
    %scan3A = arith.constant 0 : i32
    %scan3A_44 = arith.constant 0 : i32
    %scan3A_45 = arith.constant 8 : i32
    %scan3A_46 = arith.addi %scan3A_44, %scan3A_45 : i32
    %scan3A_47 = arith.constant 1 : i32
    %scan3A_48 = scf.for %scan3A_338 = %scan3A_44 to %scan3A_46 step %scan3A_47 iter_args(%scan3A_339 = %scan3A) -> (i32)  : i32 {
      %broadcast_in_dim3A_340 = arith.constant 0.000000e+00 : f32
      %broadcast_in_dim3A_341 = vector.broadcast %broadcast_in_dim3A_340 : f32 to vector<16xf32>
      %mul3A_342 = arith.constant 16 : i32
      %mul3A_343 = arith.muli %scan3A_338, %mul3A_342 : i32
      %swap3A_344 = arith.constant 0 : i32
      %swap3A_345 = arith.index_cast %swap3A_344 : i32 to index
      %swap3A_346 = arith.index_cast %mul3A_343 : i32 to index
      %swap3A_347 = tpu.vector_load %arg11[%swap3A_345, %swap3A_346] {strides = array<i32>} : memref<16x128xf32, #tpu.memory_space<vmem>>, vector<16xf32>,
      tpu.vector_store %arg11[%swap3A_345, %swap3A_346], %broadcast_in_dim3A_341 {strides = array<i32>} : memref<16x128xf32, #tpu.memory_space<vmem>>, vector<16xf32>,
      %scan3A_348 = arith.constant 0 : i32
      scf.yield %scan3A_348 : i32
    }
    %scan3A_49 = arith.constant 8 : i32
    %scan3A_50 = arith.constant 0 : i32
    %scan3A_51 = arith.constant 0 : i32
    %scan3A_52 = arith.constant 8 : i32
    %scan3A_53 = arith.addi %scan3A_51, %scan3A_52 : i32
    %scan3A_54 = arith.constant 1 : i32
    %scan3A_55 = scf.for %scan3A_338 = %scan3A_51 to %scan3A_53 step %scan3A_54 iter_args(%scan3A_339 = %scan3A_50) -> (i32)  : i32 {
      %broadcast_in_dim3A_340 = arith.constant 0.000000e+00 : f32
      %broadcast_in_dim3A_341 = vector.broadcast %broadcast_in_dim3A_340 : f32 to vector<16xf32>
      %mul3A_342 = arith.constant 16 : i32
      %mul3A_343 = arith.muli %scan3A_338, %mul3A_342 : i32
      %swap3A_344 = arith.constant 1 : i32
      %swap3A_345 = arith.index_cast %swap3A_344 : i32 to index
      %swap3A_346 = arith.index_cast %mul3A_343 : i32 to index
      %swap3A_347 = tpu.vector_load %arg11[%swap3A_345, %swap3A_346] {strides = array<i32>} : memref<16x128xf32, #tpu.memory_space<vmem>>, vector<16xf32>,
      tpu.vector_store %arg11[%swap3A_345, %swap3A_346], %broadcast_in_dim3A_341 {strides = array<i32>} : memref<16x128xf32, #tpu.memory_space<vmem>>, vector<16xf32>,
      %scan3A_348 = arith.constant 0 : i32
      scf.yield %scan3A_348 : i32
    }
    %scan3A_56 = arith.constant 8 : i32
    %scan3A_57 = arith.constant 0 : i32
    %scan3A_58 = arith.constant 0 : i32
    %scan3A_59 = arith.constant 8 : i32
    %scan3A_60 = arith.addi %scan3A_58, %scan3A_59 : i32
    %scan3A_61 = arith.constant 1 : i32
    %scan3A_62 = scf.for %scan3A_338 = %scan3A_58 to %scan3A_60 step %scan3A_61 iter_args(%scan3A_339 = %scan3A_57) -> (i32)  : i32 {
      %broadcast_in_dim3A_340 = arith.constant 0.000000e+00 : f32
      %broadcast_in_dim3A_341 = vector.broadcast %broadcast_in_dim3A_340 : f32 to vector<16xf32>
      %mul3A_342 = arith.constant 16 : i32
      %mul3A_343 = arith.muli %scan3A_338, %mul3A_342 : i32
      %swap3A_344 = arith.constant 2 : i32
      %swap3A_345 = arith.index_cast %swap3A_344 : i32 to index
      %swap3A_346 = arith.index_cast %mul3A_343 : i32 to index
      %swap3A_347 = tpu.vector_load %arg11[%swap3A_345, %swap3A_346] {strides = array<i32>} : memref<16x128xf32, #tpu.memory_space<vmem>>, vector<16xf32>,
      tpu.vector_store %arg11[%swap3A_345, %swap3A_346], %broadcast_in_dim3A_341 {strides = array<i32>} : memref<16x128xf32, #tpu.memory_space<vmem>>, vector<16xf32>,
      %scan3A_348 = arith.constant 0 : i32
      scf.yield %scan3A_348 : i32
    }
    %scan3A_63 = arith.constant 8 : i32
    %scan3A_64 = arith.constant 0 : i32
    %scan3A_65 = arith.constant 0 : i32
    %scan3A_66 = arith.constant 8 : i32
    %scan3A_67 = arith.addi %scan3A_65, %scan3A_66 : i32
    %scan3A_68 = arith.constant 1 : i32
    %scan3A_69 = scf.for %scan3A_338 = %scan3A_65 to %scan3A_67 step %scan3A_68 iter_args(%scan3A_339 = %scan3A_64) -> (i32)  : i32 {
      %broadcast_in_dim3A_340 = arith.constant 0.000000e+00 : f32
      %broadcast_in_dim3A_341 = vector.broadcast %broadcast_in_dim3A_340 : f32 to vector<16xf32>
      %mul3A_342 = arith.constant 16 : i32
      %mul3A_343 = arith.muli %scan3A_338, %mul3A_342 : i32
      %swap3A_344 = arith.constant 3 : i32
      %swap3A_345 = arith.index_cast %swap3A_344 : i32 to index
      %swap3A_346 = arith.index_cast %mul3A_343 : i32 to index
      %swap3A_347 = tpu.vector_load %arg11[%swap3A_345, %swap3A_346] {strides = array<i32>} : memref<16x128xf32, #tpu.memory_space<vmem>>, vector<16xf32>,
      tpu.vector_store %arg11[%swap3A_345, %swap3A_346], %broadcast_in_dim3A_341 {strides = array<i32>} : memref<16x128xf32, #tpu.memory_space<vmem>>, vector<16xf32>,
      %scan3A_348 = arith.constant 0 : i32
      scf.yield %scan3A_348 : i32
    }
    %scan3A_70 = arith.constant 8 : i32
    %scan3A_71 = arith.constant 0 : i32
    %scan3A_72 = arith.constant 0 : i32
    %scan3A_73 = arith.constant 8 : i32
    %scan3A_74 = arith.addi %scan3A_72, %scan3A_73 : i32
    %scan3A_75 = arith.constant 1 : i32
    %scan3A_76 = scf.for %scan3A_338 = %scan3A_72 to %scan3A_74 step %scan3A_75 iter_args(%scan3A_339 = %scan3A_71) -> (i32)  : i32 {
      %broadcast_in_dim3A_340 = arith.constant 0.000000e+00 : f32
      %broadcast_in_dim3A_341 = vector.broadcast %broadcast_in_dim3A_340 : f32 to vector<16xf32>
      %mul3A_342 = arith.constant 16 : i32
      %mul3A_343 = arith.muli %scan3A_338, %mul3A_342 : i32
      %swap3A_344 = arith.constant 4 : i32
      %swap3A_345 = arith.index_cast %swap3A_344 : i32 to index
      %swap3A_346 = arith.index_cast %mul3A_343 : i32 to index
      %swap3A_347 = tpu.vector_load %arg11[%swap3A_345, %swap3A_346] {strides = array<i32>} : memref<16x128xf32, #tpu.memory_space<vmem>>, vector<16xf32>,
      tpu.vector_store %arg11[%swap3A_345, %swap3A_346], %broadcast_in_dim3A_341 {strides = array<i32>} : memref<16x128xf32, #tpu.memory_space<vmem>>, vector<16xf32>,
      %scan3A_348 = arith.constant 0 : i32
      scf.yield %scan3A_348 : i32
    }
    %scan3A_77 = arith.constant 8 : i32
    %scan3A_78 = arith.constant 0 : i32
    %scan3A_79 = arith.constant 0 : i32
    %scan3A_80 = arith.constant 8 : i32
    %scan3A_81 = arith.addi %scan3A_79, %scan3A_80 : i32
    %scan3A_82 = arith.constant 1 : i32
    %scan3A_83 = scf.for %scan3A_338 = %scan3A_79 to %scan3A_81 step %scan3A_82 iter_args(%scan3A_339 = %scan3A_78) -> (i32)  : i32 {
      %broadcast_in_dim3A_340 = arith.constant 0.000000e+00 : f32
      %broadcast_in_dim3A_341 = vector.broadcast %broadcast_in_dim3A_340 : f32 to vector<16xf32>
      %mul3A_342 = arith.constant 16 : i32
      %mul3A_343 = arith.muli %scan3A_338, %mul3A_342 : i32
      %swap3A_344 = arith.constant 5 : i32
      %swap3A_345 = arith.index_cast %swap3A_344 : i32 to index
      %swap3A_346 = arith.index_cast %mul3A_343 : i32 to index
      %swap3A_347 = tpu.vector_load %arg11[%swap3A_345, %swap3A_346] {strides = array<i32>} : memref<16x128xf32, #tpu.memory_space<vmem>>, vector<16xf32>,
      tpu.vector_store %arg11[%swap3A_345, %swap3A_346], %broadcast_in_dim3A_341 {strides = array<i32>} : memref<16x128xf32, #tpu.memory_space<vmem>>, vector<16xf32>,
      %scan3A_348 = arith.constant 0 : i32
      scf.yield %scan3A_348 : i32
    }
    %scan3A_84 = arith.constant 8 : i32
    %scan3A_85 = arith.constant 0 : i32
    %scan3A_86 = arith.constant 0 : i32
    %scan3A_87 = arith.constant 8 : i32
    %scan3A_88 = arith.addi %scan3A_86, %scan3A_87 : i32
    %scan3A_89 = arith.constant 1 : i32
    %scan3A_90 = scf.for %scan3A_338 = %scan3A_86 to %scan3A_88 step %scan3A_89 iter_args(%scan3A_339 = %scan3A_85) -> (i32)  : i32 {
      %broadcast_in_dim3A_340 = arith.constant 0.000000e+00 : f32
      %broadcast_in_dim3A_341 = vector.broadcast %broadcast_in_dim3A_340 : f32 to vector<16xf32>
      %mul3A_342 = arith.constant 16 : i32
      %mul3A_343 = arith.muli %scan3A_338, %mul3A_342 : i32
      %swap3A_344 = arith.constant 6 : i32
      %swap3A_345 = arith.index_cast %swap3A_344 : i32 to index
      %swap3A_346 = arith.index_cast %mul3A_343 : i32 to index
      %swap3A_347 = tpu.vector_load %arg11[%swap3A_345, %swap3A_346] {strides = array<i32>} : memref<16x128xf32, #tpu.memory_space<vmem>>, vector<16xf32>,
      tpu.vector_store %arg11[%swap3A_345, %swap3A_346], %broadcast_in_dim3A_341 {strides = array<i32>} : memref<16x128xf32, #tpu.memory_space<vmem>>, vector<16xf32>,
      %scan3A_348 = arith.constant 0 : i32
      scf.yield %scan3A_348 : i32
    }
    %scan3A_91 = arith.constant 8 : i32
    %scan3A_92 = arith.constant 0 : i32
    %scan3A_93 = arith.constant 0 : i32
    %scan3A_94 = arith.constant 8 : i32
    %scan3A_95 = arith.addi %scan3A_93, %scan3A_94 : i32
    %scan3A_96 = arith.constant 1 : i32
    %scan3A_97 = scf.for %scan3A_338 = %scan3A_93 to %scan3A_95 step %scan3A_96 iter_args(%scan3A_339 = %scan3A_92) -> (i32)  : i32 {
      %broadcast_in_dim3A_340 = arith.constant 0.000000e+00 : f32
      %broadcast_in_dim3A_341 = vector.broadcast %broadcast_in_dim3A_340 : f32 to vector<16xf32>
      %mul3A_342 = arith.constant 16 : i32
      %mul3A_343 = arith.muli %scan3A_338, %mul3A_342 : i32
      %swap3A_344 = arith.constant 7 : i32
      %swap3A_345 = arith.index_cast %swap3A_344 : i32 to index
      %swap3A_346 = arith.index_cast %mul3A_343 : i32 to index
      %swap3A_347 = tpu.vector_load %arg11[%swap3A_345, %swap3A_346] {strides = array<i32>} : memref<16x128xf32, #tpu.memory_space<vmem>>, vector<16xf32>,
      tpu.vector_store %arg11[%swap3A_345, %swap3A_346], %broadcast_in_dim3A_341 {strides = array<i32>} : memref<16x128xf32, #tpu.memory_space<vmem>>, vector<16xf32>,
      %scan3A_348 = arith.constant 0 : i32
      scf.yield %scan3A_348 : i32
    }
    %scan3A_98 = arith.constant 8 : i32
    %scan3A_99 = arith.constant 0 : i32
    %scan3A_100 = arith.constant 0 : i32
    %scan3A_101 = arith.constant 8 : i32
    %scan3A_102 = arith.addi %scan3A_100, %scan3A_101 : i32
    %scan3A_103 = arith.constant 1 : i32
    %scan3A_104 = scf.for %scan3A_338 = %scan3A_100 to %scan3A_102 step %scan3A_103 iter_args(%scan3A_339 = %scan3A_99) -> (i32)  : i32 {
      %broadcast_in_dim3A_340 = arith.constant 0.000000e+00 : f32
      %broadcast_in_dim3A_341 = vector.broadcast %broadcast_in_dim3A_340 : f32 to vector<16xf32>
      %mul3A_342 = arith.constant 16 : i32
      %mul3A_343 = arith.muli %scan3A_338, %mul3A_342 : i32
      %swap3A_344 = arith.constant 8 : i32
      %swap3A_345 = arith.index_cast %swap3A_344 : i32 to index
      %swap3A_346 = arith.index_cast %mul3A_343 : i32 to index
      %swap3A_347 = tpu.vector_load %arg11[%swap3A_345, %swap3A_346] {strides = array<i32>} : memref<16x128xf32, #tpu.memory_space<vmem>>, vector<16xf32>,
      tpu.vector_store %arg11[%swap3A_345, %swap3A_346], %broadcast_in_dim3A_341 {strides = array<i32>} : memref<16x128xf32, #tpu.memory_space<vmem>>, vector<16xf32>,
      %scan3A_348 = arith.constant 0 : i32
      scf.yield %scan3A_348 : i32
    }
    %scan3A_105 = arith.constant 8 : i32
    %scan3A_106 = arith.constant 0 : i32
    %scan3A_107 = arith.constant 0 : i32
    %scan3A_108 = arith.constant 8 : i32
    %scan3A_109 = arith.addi %scan3A_107, %scan3A_108 : i32
    %scan3A_110 = arith.constant 1 : i32
    %scan3A_111 = scf.for %scan3A_338 = %scan3A_107 to %scan3A_109 step %scan3A_110 iter_args(%scan3A_339 = %scan3A_106) -> (i32)  : i32 {
      %broadcast_in_dim3A_340 = arith.constant 0.000000e+00 : f32
      %broadcast_in_dim3A_341 = vector.broadcast %broadcast_in_dim3A_340 : f32 to vector<16xf32>
      %mul3A_342 = arith.constant 16 : i32
      %mul3A_343 = arith.muli %scan3A_338, %mul3A_342 : i32
      %swap3A_344 = arith.constant 9 : i32
      %swap3A_345 = arith.index_cast %swap3A_344 : i32 to index
      %swap3A_346 = arith.index_cast %mul3A_343 : i32 to index
      %swap3A_347 = tpu.vector_load %arg11[%swap3A_345, %swap3A_346] {strides = array<i32>} : memref<16x128xf32, #tpu.memory_space<vmem>>, vector<16xf32>,
      tpu.vector_store %arg11[%swap3A_345, %swap3A_346], %broadcast_in_dim3A_341 {strides = array<i32>} : memref<16x128xf32, #tpu.memory_space<vmem>>, vector<16xf32>,
      %scan3A_348 = arith.constant 0 : i32
      scf.yield %scan3A_348 : i32
    }
    %scan3A_112 = arith.constant 8 : i32
    %scan3A_113 = arith.constant 0 : i32
    %scan3A_114 = arith.constant 0 : i32
    %scan3A_115 = arith.constant 8 : i32
    %scan3A_116 = arith.addi %scan3A_114, %scan3A_115 : i32
    %scan3A_117 = arith.constant 1 : i32
    %scan3A_118 = scf.for %scan3A_338 = %scan3A_114 to %scan3A_116 step %scan3A_117 iter_args(%scan3A_339 = %scan3A_113) -> (i32)  : i32 {
      %broadcast_in_dim3A_340 = arith.constant 0.000000e+00 : f32
      %broadcast_in_dim3A_341 = vector.broadcast %broadcast_in_dim3A_340 : f32 to vector<16xf32>
      %mul3A_342 = arith.constant 16 : i32
      %mul3A_343 = arith.muli %scan3A_338, %mul3A_342 : i32
      %swap3A_344 = arith.constant 10 : i32
      %swap3A_345 = arith.index_cast %swap3A_344 : i32 to index
      %swap3A_346 = arith.index_cast %mul3A_343 : i32 to index
      %swap3A_347 = tpu.vector_load %arg11[%swap3A_345, %swap3A_346] {strides = array<i32>} : memref<16x128xf32, #tpu.memory_space<vmem>>, vector<16xf32>,
      tpu.vector_store %arg11[%swap3A_345, %swap3A_346], %broadcast_in_dim3A_341 {strides = array<i32>} : memref<16x128xf32, #tpu.memory_space<vmem>>, vector<16xf32>,
      %scan3A_348 = arith.constant 0 : i32
      scf.yield %scan3A_348 : i32
    }
    %scan3A_119 = arith.constant 8 : i32
    %scan3A_120 = arith.constant 0 : i32
    %scan3A_121 = arith.constant 0 : i32
    %scan3A_122 = arith.constant 8 : i32
    %scan3A_123 = arith.addi %scan3A_121, %scan3A_122 : i32
    %scan3A_124 = arith.constant 1 : i32
    %scan3A_125 = scf.for %scan3A_338 = %scan3A_121 to %scan3A_123 step %scan3A_124 iter_args(%scan3A_339 = %scan3A_120) -> (i32)  : i32 {
      %broadcast_in_dim3A_340 = arith.constant 0.000000e+00 : f32
      %broadcast_in_dim3A_341 = vector.broadcast %broadcast_in_dim3A_340 : f32 to vector<16xf32>
      %mul3A_342 = arith.constant 16 : i32
      %mul3A_343 = arith.muli %scan3A_338, %mul3A_342 : i32
      %swap3A_344 = arith.constant 11 : i32
      %swap3A_345 = arith.index_cast %swap3A_344 : i32 to index
      %swap3A_346 = arith.index_cast %mul3A_343 : i32 to index
      %swap3A_347 = tpu.vector_load %arg11[%swap3A_345, %swap3A_346] {strides = array<i32>} : memref<16x128xf32, #tpu.memory_space<vmem>>, vector<16xf32>,
      tpu.vector_store %arg11[%swap3A_345, %swap3A_346], %broadcast_in_dim3A_341 {strides = array<i32>} : memref<16x128xf32, #tpu.memory_space<vmem>>, vector<16xf32>,
      %scan3A_348 = arith.constant 0 : i32
      scf.yield %scan3A_348 : i32
    }
    %scan3A_126 = arith.constant 8 : i32
    %scan3A_127 = arith.constant 0 : i32
    %scan3A_128 = arith.constant 0 : i32
    %scan3A_129 = arith.constant 8 : i32
    %scan3A_130 = arith.addi %scan3A_128, %scan3A_129 : i32
    %scan3A_131 = arith.constant 1 : i32
    %scan3A_132 = scf.for %scan3A_338 = %scan3A_128 to %scan3A_130 step %scan3A_131 iter_args(%scan3A_339 = %scan3A_127) -> (i32)  : i32 {
      %broadcast_in_dim3A_340 = arith.constant 0.000000e+00 : f32
      %broadcast_in_dim3A_341 = vector.broadcast %broadcast_in_dim3A_340 : f32 to vector<16xf32>
      %mul3A_342 = arith.constant 16 : i32
      %mul3A_343 = arith.muli %scan3A_338, %mul3A_342 : i32
      %swap3A_344 = arith.constant 12 : i32
      %swap3A_345 = arith.index_cast %swap3A_344 : i32 to index
      %swap3A_346 = arith.index_cast %mul3A_343 : i32 to index
      %swap3A_347 = tpu.vector_load %arg11[%swap3A_345, %swap3A_346] {strides = array<i32>} : memref<16x128xf32, #tpu.memory_space<vmem>>, vector<16xf32>,
      tpu.vector_store %arg11[%swap3A_345, %swap3A_346], %broadcast_in_dim3A_341 {strides = array<i32>} : memref<16x128xf32, #tpu.memory_space<vmem>>, vector<16xf32>,
      %scan3A_348 = arith.constant 0 : i32
      scf.yield %scan3A_348 : i32
    }
    %scan3A_133 = arith.constant 8 : i32
    %scan3A_134 = arith.constant 0 : i32
    %scan3A_135 = arith.constant 0 : i32
    %scan3A_136 = arith.constant 8 : i32
    %scan3A_137 = arith.addi %scan3A_135, %scan3A_136 : i32
    %scan3A_138 = arith.constant 1 : i32
    %scan3A_139 = scf.for %scan3A_338 = %scan3A_135 to %scan3A_137 step %scan3A_138 iter_args(%scan3A_339 = %scan3A_134) -> (i32)  : i32 {
      %broadcast_in_dim3A_340 = arith.constant 0.000000e+00 : f32
      %broadcast_in_dim3A_341 = vector.broadcast %broadcast_in_dim3A_340 : f32 to vector<16xf32>
      %mul3A_342 = arith.constant 16 : i32
      %mul3A_343 = arith.muli %scan3A_338, %mul3A_342 : i32
      %swap3A_344 = arith.constant 13 : i32
      %swap3A_345 = arith.index_cast %swap3A_344 : i32 to index
      %swap3A_346 = arith.index_cast %mul3A_343 : i32 to index
      %swap3A_347 = tpu.vector_load %arg11[%swap3A_345, %swap3A_346] {strides = array<i32>} : memref<16x128xf32, #tpu.memory_space<vmem>>, vector<16xf32>,
      tpu.vector_store %arg11[%swap3A_345, %swap3A_346], %broadcast_in_dim3A_341 {strides = array<i32>} : memref<16x128xf32, #tpu.memory_space<vmem>>, vector<16xf32>,
      %scan3A_348 = arith.constant 0 : i32
      scf.yield %scan3A_348 : i32
    }
    %scan3A_140 = arith.constant 8 : i32
    %scan3A_141 = arith.constant 0 : i32
    %scan3A_142 = arith.constant 0 : i32
    %scan3A_143 = arith.constant 8 : i32
    %scan3A_144 = arith.addi %scan3A_142, %scan3A_143 : i32
    %scan3A_145 = arith.constant 1 : i32
    %scan3A_146 = scf.for %scan3A_338 = %scan3A_142 to %scan3A_144 step %scan3A_145 iter_args(%scan3A_339 = %scan3A_141) -> (i32)  : i32 {
      %broadcast_in_dim3A_340 = arith.constant 0.000000e+00 : f32
      %broadcast_in_dim3A_341 = vector.broadcast %broadcast_in_dim3A_340 : f32 to vector<16xf32>
      %mul3A_342 = arith.constant 16 : i32
      %mul3A_343 = arith.muli %scan3A_338, %mul3A_342 : i32
      %swap3A_344 = arith.constant 14 : i32
      %swap3A_345 = arith.index_cast %swap3A_344 : i32 to index
      %swap3A_346 = arith.index_cast %mul3A_343 : i32 to index
      %swap3A_347 = tpu.vector_load %arg11[%swap3A_345, %swap3A_346] {strides = array<i32>} : memref<16x128xf32, #tpu.memory_space<vmem>>, vector<16xf32>,
      tpu.vector_store %arg11[%swap3A_345, %swap3A_346], %broadcast_in_dim3A_341 {strides = array<i32>} : memref<16x128xf32, #tpu.memory_space<vmem>>, vector<16xf32>,
      %scan3A_348 = arith.constant 0 : i32
      scf.yield %scan3A_348 : i32
    }
    %scan3A_147 = arith.constant 8 : i32
    %scan3A_148 = arith.constant 0 : i32
    %scan3A_149 = arith.constant 0 : i32
    %scan3A_150 = arith.constant 8 : i32
    %scan3A_151 = arith.addi %scan3A_149, %scan3A_150 : i32
    %scan3A_152 = arith.constant 1 : i32
    %scan3A_153 = scf.for %scan3A_338 = %scan3A_149 to %scan3A_151 step %scan3A_152 iter_args(%scan3A_339 = %scan3A_148) -> (i32)  : i32 {
      %broadcast_in_dim3A_340 = arith.constant 0.000000e+00 : f32
      %broadcast_in_dim3A_341 = vector.broadcast %broadcast_in_dim3A_340 : f32 to vector<16xf32>
      %mul3A_342 = arith.constant 16 : i32
      %mul3A_343 = arith.muli %scan3A_338, %mul3A_342 : i32
      %swap3A_344 = arith.constant 15 : i32
      %swap3A_345 = arith.index_cast %swap3A_344 : i32 to index
      %swap3A_346 = arith.index_cast %mul3A_343 : i32 to index
      %swap3A_347 = tpu.vector_load %arg11[%swap3A_345, %swap3A_346] {strides = array<i32>} : memref<16x128xf32, #tpu.memory_space<vmem>>, vector<16xf32>,
      tpu.vector_store %arg11[%swap3A_345, %swap3A_346], %broadcast_in_dim3A_341 {strides = array<i32>} : memref<16x128xf32, #tpu.memory_space<vmem>>, vector<16xf32>,
      %scan3A_348 = arith.constant 0 : i32
      scf.yield %scan3A_348 : i32
    }
    %scan3A_154 = arith.constant 8 : i32
    %iota3A = tpu.iota {dimensions = array<i32: 0>} : vector<16xi32>
    %swap3A = arith.constant 0 : index
    %swap3A_155 = tpu.vector_load %arg12[%swap3A] {strides = array<i32>} : memref<16xi32, #tpu.memory_space<vmem>>, vector<16xi32>,
    tpu.vector_store %arg12[%swap3A], %iota3A {strides = array<i32>} : memref<16xi32, #tpu.memory_space<vmem>>, vector<16xi32>,
    %mul3A_156 = arith.constant 64 : i32
    %mul3A_157 = arith.muli %arg1, %mul3A_156 : i32
    %add3A_158 = arith.constant 0 : i32
    %add3A_159 = arith.addi %mul3A_157, %add3A_158 : i32
    "tpu.region"() ({
      %run_scoped3A = tpu.sem_alloc : memref<!tpu.dma_semaphore, #tpu.memory_space<semaphore_mem>>
      %dma_start3A_338 = arith.constant 0 : i32
      %dma_start3A_339 = tpu.memref_slice %arg17[%add3A_159, %dma_start3A_338] : memref<1024x128xf32, #tpu.memory_space<vmem_shared>> -> memref<16x128xf32, #tpu.memory_space<vmem_shared>>
      %dma_start3A_340 = arith.constant 0 : i32
      %dma_start3A_341 = tpu.memref_slice %arg17[%add3A_159, %dma_start3A_340] : memref<1024x128xf32, #tpu.memory_space<vmem_shared>> -> memref<16x128xf32, #tpu.memory_space<vmem_shared>>
      tpu.enqueue_dma source(%arg11 : memref<16x128xf32, #tpu.memory_space<vmem>>) target(%dma_start3A_341 : memref<16x128xf32, #tpu.memory_space<vmem_shared>>) target_semaphore(%run_scoped3A : memref<!tpu.dma_semaphore, #tpu.memory_space<semaphore_mem>>)
      %dma_wait3A_342 = arith.constant 0 : i32
      %dma_wait3A_343 = tpu.memref_slice %arg17[%add3A_159, %dma_wait3A_342] : memref<1024x128xf32, #tpu.memory_space<vmem_shared>> -> memref<16x128xf32, #tpu.memory_space<vmem_shared>>
      %dma_wait3A_344 = arith.constant 0 : i32
      %dma_wait3A_345 = tpu.memref_slice %arg17[%add3A_159, %dma_wait3A_344] : memref<1024x128xf32, #tpu.memory_space<vmem_shared>> -> memref<16x128xf32, #tpu.memory_space<vmem_shared>>
      tpu.wait_dma2 semaphore(%run_scoped3A : memref<!tpu.dma_semaphore, #tpu.memory_space<semaphore_mem>>) src(%arg11 : memref<16x128xf32, #tpu.memory_space<vmem>>) dst(%dma_wait3A_345 : memref<16x128xf32, #tpu.memory_space<vmem_shared>>)
      tpu.yield
    }) : () -> ()
    %mul3A_160 = arith.constant 64 : i32
    %mul3A_161 = arith.muli %arg1, %mul3A_160 : i32
    %add3A_162 = arith.constant 16 : i32
    %add3A_163 = arith.addi %mul3A_161, %add3A_162 : i32
    "tpu.region"() ({
      %run_scoped3A = tpu.sem_alloc : memref<!tpu.dma_semaphore, #tpu.memory_space<semaphore_mem>>
      %dma_start3A_338 = arith.constant 0 : i32
      %dma_start3A_339 = tpu.memref_slice %arg17[%add3A_163, %dma_start3A_338] : memref<1024x128xf32, #tpu.memory_space<vmem_shared>> -> memref<16x128xf32, #tpu.memory_space<vmem_shared>>
      %dma_start3A_340 = arith.constant 0 : i32
      %dma_start3A_341 = tpu.memref_slice %arg17[%add3A_163, %dma_start3A_340] : memref<1024x128xf32, #tpu.memory_space<vmem_shared>> -> memref<16x128xf32, #tpu.memory_space<vmem_shared>>
      tpu.enqueue_dma source(%arg11 : memref<16x128xf32, #tpu.memory_space<vmem>>) target(%dma_start3A_341 : memref<16x128xf32, #tpu.memory_space<vmem_shared>>) target_semaphore(%run_scoped3A : memref<!tpu.dma_semaphore, #tpu.memory_space<semaphore_mem>>)
      %dma_wait3A_342 = arith.constant 0 : i32
      %dma_wait3A_343 = tpu.memref_slice %arg17[%add3A_163, %dma_wait3A_342] : memref<1024x128xf32, #tpu.memory_space<vmem_shared>> -> memref<16x128xf32, #tpu.memory_space<vmem_shared>>
      %dma_wait3A_344 = arith.constant 0 : i32
      %dma_wait3A_345 = tpu.memref_slice %arg17[%add3A_163, %dma_wait3A_344] : memref<1024x128xf32, #tpu.memory_space<vmem_shared>> -> memref<16x128xf32, #tpu.memory_space<vmem_shared>>
      tpu.wait_dma2 semaphore(%run_scoped3A : memref<!tpu.dma_semaphore, #tpu.memory_space<semaphore_mem>>) src(%arg11 : memref<16x128xf32, #tpu.memory_space<vmem>>) dst(%dma_wait3A_345 : memref<16x128xf32, #tpu.memory_space<vmem_shared>>)
      tpu.yield
    }) : () -> ()
    %mul3A_164 = arith.constant 64 : i32
    %mul3A_165 = arith.muli %arg1, %mul3A_164 : i32
    %add3A_166 = arith.constant 32 : i32
    %add3A_167 = arith.addi %mul3A_165, %add3A_166 : i32
    "tpu.region"() ({
      %run_scoped3A = tpu.sem_alloc : memref<!tpu.dma_semaphore, #tpu.memory_space<semaphore_mem>>
      %dma_start3A_338 = arith.constant 0 : i32
      %dma_start3A_339 = tpu.memref_slice %arg17[%add3A_167, %dma_start3A_338] : memref<1024x128xf32, #tpu.memory_space<vmem_shared>> -> memref<16x128xf32, #tpu.memory_space<vmem_shared>>
      %dma_start3A_340 = arith.constant 0 : i32
      %dma_start3A_341 = tpu.memref_slice %arg17[%add3A_167, %dma_start3A_340] : memref<1024x128xf32, #tpu.memory_space<vmem_shared>> -> memref<16x128xf32, #tpu.memory_space<vmem_shared>>
      tpu.enqueue_dma source(%arg11 : memref<16x128xf32, #tpu.memory_space<vmem>>) target(%dma_start3A_341 : memref<16x128xf32, #tpu.memory_space<vmem_shared>>) target_semaphore(%run_scoped3A : memref<!tpu.dma_semaphore, #tpu.memory_space<semaphore_mem>>)
      %dma_wait3A_342 = arith.constant 0 : i32
      %dma_wait3A_343 = tpu.memref_slice %arg17[%add3A_167, %dma_wait3A_342] : memref<1024x128xf32, #tpu.memory_space<vmem_shared>> -> memref<16x128xf32, #tpu.memory_space<vmem_shared>>
      %dma_wait3A_344 = arith.constant 0 : i32
      %dma_wait3A_345 = tpu.memref_slice %arg17[%add3A_167, %dma_wait3A_344] : memref<1024x128xf32, #tpu.memory_space<vmem_shared>> -> memref<16x128xf32, #tpu.memory_space<vmem_shared>>
      tpu.wait_dma2 semaphore(%run_scoped3A : memref<!tpu.dma_semaphore, #tpu.memory_space<semaphore_mem>>) src(%arg11 : memref<16x128xf32, #tpu.memory_space<vmem>>) dst(%dma_wait3A_345 : memref<16x128xf32, #tpu.memory_space<vmem_shared>>)
      tpu.yield
    }) : () -> ()
    %mul3A_168 = arith.constant 64 : i32
    %mul3A_169 = arith.muli %arg1, %mul3A_168 : i32
    %add3A_170 = arith.constant 48 : i32
    %add3A_171 = arith.addi %mul3A_169, %add3A_170 : i32
    "tpu.region"() ({
      %run_scoped3A = tpu.sem_alloc : memref<!tpu.dma_semaphore, #tpu.memory_space<semaphore_mem>>
      %dma_start3A_338 = arith.constant 0 : i32
      %dma_start3A_339 = tpu.memref_slice %arg17[%add3A_171, %dma_start3A_338] : memref<1024x128xf32, #tpu.memory_space<vmem_shared>> -> memref<16x128xf32, #tpu.memory_space<vmem_shared>>
      %dma_start3A_340 = arith.constant 0 : i32
      %dma_start3A_341 = tpu.memref_slice %arg17[%add3A_171, %dma_start3A_340] : memref<1024x128xf32, #tpu.memory_space<vmem_shared>> -> memref<16x128xf32, #tpu.memory_space<vmem_shared>>
      tpu.enqueue_dma source(%arg11 : memref<16x128xf32, #tpu.memory_space<vmem>>) target(%dma_start3A_341 : memref<16x128xf32, #tpu.memory_space<vmem_shared>>) target_semaphore(%run_scoped3A : memref<!tpu.dma_semaphore, #tpu.memory_space<semaphore_mem>>)
      %dma_wait3A_342 = arith.constant 0 : i32
      %dma_wait3A_343 = tpu.memref_slice %arg17[%add3A_171, %dma_wait3A_342] : memref<1024x128xf32, #tpu.memory_space<vmem_shared>> -> memref<16x128xf32, #tpu.memory_space<vmem_shared>>
      %dma_wait3A_344 = arith.constant 0 : i32
      %dma_wait3A_345 = tpu.memref_slice %arg17[%add3A_171, %dma_wait3A_344] : memref<1024x128xf32, #tpu.memory_space<vmem_shared>> -> memref<16x128xf32, #tpu.memory_space<vmem_shared>>
      tpu.wait_dma2 semaphore(%run_scoped3A : memref<!tpu.dma_semaphore, #tpu.memory_space<semaphore_mem>>) src(%arg11 : memref<16x128xf32, #tpu.memory_space<vmem>>) dst(%dma_wait3A_345 : memref<16x128xf32, #tpu.memory_space<vmem_shared>>)
      tpu.yield
    }) : () -> ()
    %eq3A = arith.constant 0 : i32
    %eq3A_172 = arith.cmpi eq, %arg1, %eq3A : i32
    %convert_element_type3A = arith.extui %eq3A_172 : i1 to i32
    %cond3A = arith.constant 0 : i32
    %cond3A_173 = arith.cmpi ne, %convert_element_type3A, %cond3A : i32
    scf.if %cond3A_173 {
      "tpu.region"() ({
        %run_scoped3A = tpu.sem_alloc : memref<!tpu.dma_semaphore, #tpu.memory_space<semaphore_mem>>
        tpu.enqueue_dma source(%arg11 : memref<16x128xf32, #tpu.memory_space<vmem>>) target(%arg18 : memref<16x128xf32, #tpu.memory_space<vmem_shared>>) target_semaphore(%run_scoped3A : memref<!tpu.dma_semaphore, #tpu.memory_space<semaphore_mem>>)
        tpu.wait_dma2 semaphore(%run_scoped3A : memref<!tpu.dma_semaphore, #tpu.memory_space<semaphore_mem>>) src(%arg11 : memref<16x128xf32, #tpu.memory_space<vmem>>) dst(%arg18 : memref<16x128xf32, #tpu.memory_space<vmem_shared>>)
        tpu.yield
      }) : () -> ()
    } else {
    }
    %dma_wait3A = arith.constant 0 : i32
    %dma_wait3A_174 = tpu.memref_slice %arg3[%mul3A_2, %dma_wait3A] : memref<128x128xi32, #tpu.memory_space<hbm>> -> memref<4x128xi32, #tpu.memory_space<hbm>>
    %dma_wait3A_175 = arith.constant 0 : i32
    %dma_wait3A_176 = tpu.memref_slice %arg3[%mul3A_2, %dma_wait3A_175] : memref<128x128xi32, #tpu.memory_space<hbm>> -> memref<4x128xi32, #tpu.memory_space<hbm>>
    tpu.wait_dma2 semaphore(%arg28 : memref<!tpu.dma_semaphore, #tpu.memory_space<semaphore_mem>>) src(%dma_wait3A_176 : memref<4x128xi32, #tpu.memory_space<hbm>>) dst(%arg6 : memref<4x128xi32, #tpu.memory_space<vmem>>)
    %broadcast_in_dim3A = arith.constant 1.000000e+00 : f32
    %broadcast_in_dim3A_177 = vector.broadcast %broadcast_in_dim3A : f32 to vector<16xf32>
    %scan3A_178 = arith.constant 0 : i32
    %scan3A_179 = arith.constant 0 : i32
    %scan3A_180 = arith.constant 8 : i32
    %scan3A_181 = arith.addi %scan3A_179, %scan3A_180 : i32
    %scan3A_182 = arith.constant 1 : i32
    %scan3A_183 = scf.for %scan3A_338 = %scan3A_179 to %scan3A_181 step %scan3A_182 iter_args(%scan3A_339 = %scan3A_178) -> (i32)  : i32 {
      %mul3A_340 = arith.constant 16 : i32
      %mul3A_341 = arith.muli %scan3A_338, %mul3A_340 : i32
      %get3A = arith.constant 0 : i32
      %get3A_342 = arith.index_cast %get3A : i32 to index
      %get3A_343 = arith.index_cast %mul3A_341 : i32 to index
      %get3A_344 = tpu.vector_load %arg6[%get3A_342, %get3A_343] {strides = array<i32>} : memref<4x128xi32, #tpu.memory_space<vmem>>, vector<16xi32>,
      %shift_right_logical3A = arith.constant 7 : i32
      %shift_right_logical3A_345 = vector.broadcast %shift_right_logical3A : i32 to vector<16xi32>
      %shift_right_logical3A_346 = arith.shrui %get3A_344, %shift_right_logical3A_345 : vector<16xi32>
      %and3A = arith.constant 127 : i32
      %and3A_347 = vector.broadcast %and3A : i32 to vector<16xi32>
      %and3A_348 = arith.andi %get3A_344, %and3A_347 : vector<16xi32>
      tpu.vector_store_idx %arg11[%shift_right_logical3A_346, %and3A_348], %broadcast_in_dim3A_177 {add = true} : memref<16x128xf32, #tpu.memory_space<vmem>>[vector<16xi32>, vector<16xi32>], vector<16xf32>,
      %scan3A_349 = arith.constant 0 : i32
      scf.yield %scan3A_349 : i32
    }
    %scan3A_184 = arith.constant 8 : i32
    %scan3A_185 = arith.constant 0 : i32
    %scan3A_186 = arith.constant 0 : i32
    %scan3A_187 = arith.constant 8 : i32
    %scan3A_188 = arith.addi %scan3A_186, %scan3A_187 : i32
    %scan3A_189 = arith.constant 1 : i32
    %scan3A_190 = scf.for %scan3A_338 = %scan3A_186 to %scan3A_188 step %scan3A_189 iter_args(%scan3A_339 = %scan3A_185) -> (i32)  : i32 {
      %mul3A_340 = arith.constant 16 : i32
      %mul3A_341 = arith.muli %scan3A_338, %mul3A_340 : i32
      %get3A = arith.constant 1 : i32
      %get3A_342 = arith.index_cast %get3A : i32 to index
      %get3A_343 = arith.index_cast %mul3A_341 : i32 to index
      %get3A_344 = tpu.vector_load %arg6[%get3A_342, %get3A_343] {strides = array<i32>} : memref<4x128xi32, #tpu.memory_space<vmem>>, vector<16xi32>,
      %shift_right_logical3A = arith.constant 7 : i32
      %shift_right_logical3A_345 = vector.broadcast %shift_right_logical3A : i32 to vector<16xi32>
      %shift_right_logical3A_346 = arith.shrui %get3A_344, %shift_right_logical3A_345 : vector<16xi32>
      %and3A = arith.constant 127 : i32
      %and3A_347 = vector.broadcast %and3A : i32 to vector<16xi32>
      %and3A_348 = arith.andi %get3A_344, %and3A_347 : vector<16xi32>
      tpu.vector_store_idx %arg11[%shift_right_logical3A_346, %and3A_348], %broadcast_in_dim3A_177 {add = true} : memref<16x128xf32, #tpu.memory_space<vmem>>[vector<16xi32>, vector<16xi32>], vector<16xf32>,
      %scan3A_349 = arith.constant 0 : i32
      scf.yield %scan3A_349 : i32
    }
    %scan3A_191 = arith.constant 8 : i32
    %scan3A_192 = arith.constant 0 : i32
    %scan3A_193 = arith.constant 0 : i32
    %scan3A_194 = arith.constant 8 : i32
    %scan3A_195 = arith.addi %scan3A_193, %scan3A_194 : i32
    %scan3A_196 = arith.constant 1 : i32
    %scan3A_197 = scf.for %scan3A_338 = %scan3A_193 to %scan3A_195 step %scan3A_196 iter_args(%scan3A_339 = %scan3A_192) -> (i32)  : i32 {
      %mul3A_340 = arith.constant 16 : i32
      %mul3A_341 = arith.muli %scan3A_338, %mul3A_340 : i32
      %get3A = arith.constant 2 : i32
      %get3A_342 = arith.index_cast %get3A : i32 to index
      %get3A_343 = arith.index_cast %mul3A_341 : i32 to index
      %get3A_344 = tpu.vector_load %arg6[%get3A_342, %get3A_343] {strides = array<i32>} : memref<4x128xi32, #tpu.memory_space<vmem>>, vector<16xi32>,
      %shift_right_logical3A = arith.constant 7 : i32
      %shift_right_logical3A_345 = vector.broadcast %shift_right_logical3A : i32 to vector<16xi32>
      %shift_right_logical3A_346 = arith.shrui %get3A_344, %shift_right_logical3A_345 : vector<16xi32>
      %and3A = arith.constant 127 : i32
      %and3A_347 = vector.broadcast %and3A : i32 to vector<16xi32>
      %and3A_348 = arith.andi %get3A_344, %and3A_347 : vector<16xi32>
      tpu.vector_store_idx %arg11[%shift_right_logical3A_346, %and3A_348], %broadcast_in_dim3A_177 {add = true} : memref<16x128xf32, #tpu.memory_space<vmem>>[vector<16xi32>, vector<16xi32>], vector<16xf32>,
      %scan3A_349 = arith.constant 0 : i32
      scf.yield %scan3A_349 : i32
    }
    %scan3A_198 = arith.constant 8 : i32
    %scan3A_199 = arith.constant 0 : i32
    %scan3A_200 = arith.constant 0 : i32
    %scan3A_201 = arith.constant 8 : i32
    %scan3A_202 = arith.addi %scan3A_200, %scan3A_201 : i32
    %scan3A_203 = arith.constant 1 : i32
    %scan3A_204 = scf.for %scan3A_338 = %scan3A_200 to %scan3A_202 step %scan3A_203 iter_args(%scan3A_339 = %scan3A_199) -> (i32)  : i32 {
      %mul3A_340 = arith.constant 16 : i32
      %mul3A_341 = arith.muli %scan3A_338, %mul3A_340 : i32
      %get3A = arith.constant 3 : i32
      %get3A_342 = arith.index_cast %get3A : i32 to index
      %get3A_343 = arith.index_cast %mul3A_341 : i32 to index
      %get3A_344 = tpu.vector_load %arg6[%get3A_342, %get3A_343] {strides = array<i32>} : memref<4x128xi32, #tpu.memory_space<vmem>>, vector<16xi32>,
      %shift_right_logical3A = arith.constant 7 : i32
      %shift_right_logical3A_345 = vector.broadcast %shift_right_logical3A : i32 to vector<16xi32>
      %shift_right_logical3A_346 = arith.shrui %get3A_344, %shift_right_logical3A_345 : vector<16xi32>
      %and3A = arith.constant 127 : i32
      %and3A_347 = vector.broadcast %and3A : i32 to vector<16xi32>
      %and3A_348 = arith.andi %get3A_344, %and3A_347 : vector<16xi32>
      tpu.vector_store_idx %arg11[%shift_right_logical3A_346, %and3A_348], %broadcast_in_dim3A_177 {add = true} : memref<16x128xf32, #tpu.memory_space<vmem>>[vector<16xi32>, vector<16xi32>], vector<16xf32>,
      %scan3A_349 = arith.constant 0 : i32
      scf.yield %scan3A_349 : i32
    }
    %scan3A_205 = arith.constant 8 : i32
    %barrier3A = arith.constant 0 : index
    tpu.barrier barrier_id(%barrier3A)
    %dma_start3A_206 = arith.constant 0 : i32
    %dma_start3A_207 = arith.constant 0 : i32
    %dma_start3A_208 = tpu.memref_slice %arg18[%dma_start3A_206, %dma_start3A_207] : memref<16x128xf32, #tpu.memory_space<vmem_shared>> -> memref<16x128xf32, #tpu.memory_space<vmem_shared>>
    tpu.enqueue_indirect_dma source(%arg11 : memref<16x128xf32, #tpu.memory_space<vmem>>) target(%dma_start3A_208 : memref<16x128xf32, #tpu.memory_space<vmem_shared>>) offsets(%arg12 : memref<16xi32, #tpu.memory_space<vmem>>) semaphore(%arg29 : memref<!tpu.dma_semaphore, #tpu.memory_space<semaphore_mem>>) {add = true}
    %broadcast_in_dim3A_209 = arith.constant 0.000000e+00 : f32
    %broadcast_in_dim3A_210 = vector.broadcast %broadcast_in_dim3A_209 : f32 to vector<16xf32>
    %broadcast_in_dim3A_211 = arith.constant 0.000000e+00 : f32
    %broadcast_in_dim3A_212 = vector.broadcast %broadcast_in_dim3A_211 : f32 to vector<16xf32>
    %broadcast_in_dim3A_213 = arith.constant 0.000000e+00 : f32
    %broadcast_in_dim3A_214 = vector.broadcast %broadcast_in_dim3A_213 : f32 to vector<16xf32>
    %broadcast_in_dim3A_215 = arith.constant 0.000000e+00 : f32
    %broadcast_in_dim3A_216 = vector.broadcast %broadcast_in_dim3A_215 : f32 to vector<16xf32>
    %broadcast_in_dim3A_217 = arith.constant 0.000000e+00 : f32
    %broadcast_in_dim3A_218 = vector.broadcast %broadcast_in_dim3A_217 : f32 to vector<16xf32>
    %broadcast_in_dim3A_219 = arith.constant 0.000000e+00 : f32
    %broadcast_in_dim3A_220 = vector.broadcast %broadcast_in_dim3A_219 : f32 to vector<16xf32>
    %broadcast_in_dim3A_221 = arith.constant 0.000000e+00 : f32
    %broadcast_in_dim3A_222 = vector.broadcast %broadcast_in_dim3A_221 : f32 to vector<16xf32>
    %broadcast_in_dim3A_223 = arith.constant 0.000000e+00 : f32
    %broadcast_in_dim3A_224 = vector.broadcast %broadcast_in_dim3A_223 : f32 to vector<16xf32>
    %dma_wait3A_225 = arith.constant 0 : i32
    %dma_wait3A_226 = tpu.memref_slice %arg2[%add3A_9, %dma_wait3A_225] : memref<16384x128xf32, #tpu.memory_space<hbm>> -> memref<128x128xf32, #tpu.memory_space<hbm>>
    %dma_wait3A_227 = arith.constant 0 : i32
    %dma_wait3A_228 = tpu.memref_slice %arg2[%add3A_9, %dma_wait3A_227] : memref<16384x128xf32, #tpu.memory_space<hbm>> -> memref<128x128xf32, #tpu.memory_space<hbm>>
    tpu.wait_dma2 semaphore(%arg19 : memref<!tpu.dma_semaphore, #tpu.memory_space<semaphore_mem>>) src(%dma_wait3A_228 : memref<128x128xf32, #tpu.memory_space<hbm>>) dst(%arg7 : memref<128x128xf32, #tpu.memory_space<vmem>>)
    %dma_start3A_229 = arith.constant 0 : i32
    %dma_start3A_230 = arith.constant 0 : i32
    %dma_start3A_231 = tpu.memref_slice %arg6[%dma_start3A_229, %dma_start3A_230] : memref<4x128xi32, #tpu.memory_space<vmem>> -> memref<1x128xi32, #tpu.memory_space<vmem>>
    %dma_start3A_232 = tpu.memref_squeeze %dma_start3A_231 : memref<1x128xi32, #tpu.memory_space<vmem>> -> memref<128xi32, #tpu.memory_space<vmem>>
    %dma_start3A_233 = arith.constant 0 : i32
    %dma_start3A_234 = arith.constant 0 : i32
    %dma_start3A_235 = tpu.memref_slice %arg17[%dma_start3A_233, %dma_start3A_234] : memref<1024x128xf32, #tpu.memory_space<vmem_shared>> -> memref<1024x128xf32, #tpu.memory_space<vmem_shared>>
    tpu.enqueue_indirect_dma source(%arg7 : memref<128x128xf32, #tpu.memory_space<vmem>>) target(%dma_start3A_235 : memref<1024x128xf32, #tpu.memory_space<vmem_shared>>) offsets(%dma_start3A_232 : memref<128xi32, #tpu.memory_space<vmem>>) semaphore(%arg23 : memref<!tpu.dma_semaphore, #tpu.memory_space<semaphore_mem>>) {add = true}
    %scan3A_236 = arith.constant 0 : i32
    %scan3A_237 = arith.constant 32 : i32
    %scan3A_238 = arith.addi %scan3A_236, %scan3A_237 : i32
    %scan3A_239 = arith.constant 1 : i32
    %scan3A_240:8 = scf.for %scan3A_338 = %scan3A_236 to %scan3A_238 step %scan3A_239 iter_args(%scan3A_339 = %broadcast_in_dim3A_210, %scan3A_340 = %broadcast_in_dim3A_212, %scan3A_341 = %broadcast_in_dim3A_214, %scan3A_342 = %broadcast_in_dim3A_216, %scan3A_343 = %broadcast_in_dim3A_218, %scan3A_344 = %broadcast_in_dim3A_220, %scan3A_345 = %broadcast_in_dim3A_222, %scan3A_346 = %broadcast_in_dim3A_224) -> (vector<16xf32>, vector<16xf32>, vector<16xf32>, vector<16xf32>, vector<16xf32>, vector<16xf32>, vector<16xf32>, vector<16xf32>)  : i32 {
      %mul3A_347 = arith.constant 4 : i32
      %mul3A_348 = arith.muli %scan3A_338, %mul3A_347 : i32
      %add3A_349 = arith.constant 0 : i32
      %add3A_350 = arith.addi %mul3A_348, %add3A_349 : i32
      %get3A = arith.index_cast %add3A_350 : i32 to index
      %get3A_351 = arith.constant 0 : index
      %get3A_352 = tpu.vector_load %arg7[%get3A, %get3A_351] {strides = array<i32>} : memref<128x128xf32, #tpu.memory_space<vmem>>, vector<16xf32>,
      %mul3A_353 = arith.mulf %get3A_352, %get3A_352 : vector<16xf32>
      %add3A_354 = arith.addf %scan3A_339, %mul3A_353 : vector<16xf32>
      %mul3A_355 = arith.constant 4 : i32
      %mul3A_356 = arith.muli %scan3A_338, %mul3A_355 : i32
      %add3A_357 = arith.constant 0 : i32
      %add3A_358 = arith.addi %mul3A_356, %add3A_357 : i32
      %get3A_359 = arith.index_cast %add3A_358 : i32 to index
      %get3A_360 = arith.constant 16 : index
      %get3A_361 = tpu.vector_load %arg7[%get3A_359, %get3A_360] {strides = array<i32>} : memref<128x128xf32, #tpu.memory_space<vmem>>, vector<16xf32>,
      %mul3A_362 = arith.mulf %get3A_361, %get3A_361 : vector<16xf32>
      %add3A_363 = arith.addf %scan3A_340, %mul3A_362 : vector<16xf32>
      %mul3A_364 = arith.constant 4 : i32
      %mul3A_365 = arith.muli %scan3A_338, %mul3A_364 : i32
      %add3A_366 = arith.constant 0 : i32
      %add3A_367 = arith.addi %mul3A_365, %add3A_366 : i32
      %get3A_368 = arith.index_cast %add3A_367 : i32 to index
      %get3A_369 = arith.constant 32 : index
      %get3A_370 = tpu.vector_load %arg7[%get3A_368, %get3A_369] {strides = array<i32>} : memref<128x128xf32, #tpu.memory_space<vmem>>, vector<16xf32>,
      %mul3A_371 = arith.mulf %get3A_370, %get3A_370 : vector<16xf32>
      %add3A_372 = arith.addf %scan3A_341, %mul3A_371 : vector<16xf32>
      %mul3A_373 = arith.constant 4 : i32
      %mul3A_374 = arith.muli %scan3A_338, %mul3A_373 : i32
      %add3A_375 = arith.constant 0 : i32
      %add3A_376 = arith.addi %mul3A_374, %add3A_375 : i32
      %get3A_377 = arith.index_cast %add3A_376 : i32 to index
      %get3A_378 = arith.constant 48 : index
      %get3A_379 = tpu.vector_load %arg7[%get3A_377, %get3A_378] {strides = array<i32>} : memref<128x128xf32, #tpu.memory_space<vmem>>, vector<16xf32>,
      %mul3A_380 = arith.mulf %get3A_379, %get3A_379 : vector<16xf32>
      %add3A_381 = arith.addf %scan3A_342, %mul3A_380 : vector<16xf32>
      %mul3A_382 = arith.constant 4 : i32
      %mul3A_383 = arith.muli %scan3A_338, %mul3A_382 : i32
      %add3A_384 = arith.constant 0 : i32
      %add3A_385 = arith.addi %mul3A_383, %add3A_384 : i32
      %get3A_386 = arith.index_cast %add3A_385 : i32 to index
      %get3A_387 = arith.constant 64 : index
      %get3A_388 = tpu.vector_load %arg7[%get3A_386, %get3A_387] {strides = array<i32>} : memref<128x128xf32, #tpu.memory_space<vmem>>, vector<16xf32>,
      %mul3A_389 = arith.mulf %get3A_388, %get3A_388 : vector<16xf32>
      %add3A_390 = arith.addf %scan3A_343, %mul3A_389 : vector<16xf32>
      %mul3A_391 = arith.constant 4 : i32
      %mul3A_392 = arith.muli %scan3A_338, %mul3A_391 : i32
      %add3A_393 = arith.constant 0 : i32
      %add3A_394 = arith.addi %mul3A_392, %add3A_393 : i32
      %get3A_395 = arith.index_cast %add3A_394 : i32 to index
      %get3A_396 = arith.constant 80 : index
      %get3A_397 = tpu.vector_load %arg7[%get3A_395, %get3A_396] {strides = array<i32>} : memref<128x128xf32, #tpu.memory_space<vmem>>, vector<16xf32>,
      %mul3A_398 = arith.mulf %get3A_397, %get3A_397 : vector<16xf32>
      %add3A_399 = arith.addf %scan3A_344, %mul3A_398 : vector<16xf32>
      %mul3A_400 = arith.constant 4 : i32
      %mul3A_401 = arith.muli %scan3A_338, %mul3A_400 : i32
      %add3A_402 = arith.constant 0 : i32
      %add3A_403 = arith.addi %mul3A_401, %add3A_402 : i32
      %get3A_404 = arith.index_cast %add3A_403 : i32 to index
      %get3A_405 = arith.constant 96 : index
      %get3A_406 = tpu.vector_load %arg7[%get3A_404, %get3A_405] {strides = array<i32>} : memref<128x128xf32, #tpu.memory_space<vmem>>, vector<16xf32>,
      %mul3A_407 = arith.mulf %get3A_406, %get3A_406 : vector<16xf32>
      %add3A_408 = arith.addf %scan3A_345, %mul3A_407 : vector<16xf32>
      %mul3A_409 = arith.constant 4 : i32
      %mul3A_410 = arith.muli %scan3A_338, %mul3A_409 : i32
      %add3A_411 = arith.constant 0 : i32
      %add3A_412 = arith.addi %mul3A_410, %add3A_411 : i32
      %get3A_413 = arith.index_cast %add3A_412 : i32 to index
      %get3A_414 = arith.constant 112 : index
      %get3A_415 = tpu.vector_load %arg7[%get3A_413, %get3A_414] {strides = array<i32>} : memref<128x128xf32, #tpu.memory_space<vmem>>, vector<16xf32>,
      %mul3A_416 = arith.mulf %get3A_415, %get3A_415 : vector<16xf32>
      %add3A_417 = arith.addf %scan3A_346, %mul3A_416 : vector<16xf32>
      %mul3A_418 = arith.constant 4 : i32
      %mul3A_419 = arith.muli %scan3A_338, %mul3A_418 : i32
      %add3A_420 = arith.constant 1 : i32
      %add3A_421 = arith.addi %mul3A_419, %add3A_420 : i32
      %get3A_422 = arith.index_cast %add3A_421 : i32 to index
      %get3A_423 = arith.constant 0 : index
      %get3A_424 = tpu.vector_load %arg7[%get3A_422, %get3A_423] {strides = array<i32>} : memref<128x128xf32, #tpu.memory_space<vmem>>, vector<16xf32>,
      %mul3A_425 = arith.mulf %get3A_424, %get3A_424 : vector<16xf32>
      %add3A_426 = arith.addf %add3A_354, %mul3A_425 : vector<16xf32>
      %mul3A_427 = arith.constant 4 : i32
      %mul3A_428 = arith.muli %scan3A_338, %mul3A_427 : i32
      %add3A_429 = arith.constant 1 : i32
      %add3A_430 = arith.addi %mul3A_428, %add3A_429 : i32
      %get3A_431 = arith.index_cast %add3A_430 : i32 to index
      %get3A_432 = arith.constant 16 : index
      %get3A_433 = tpu.vector_load %arg7[%get3A_431, %get3A_432] {strides = array<i32>} : memref<128x128xf32, #tpu.memory_space<vmem>>, vector<16xf32>,
      %mul3A_434 = arith.mulf %get3A_433, %get3A_433 : vector<16xf32>
      %add3A_435 = arith.addf %add3A_363, %mul3A_434 : vector<16xf32>
      %mul3A_436 = arith.constant 4 : i32
      %mul3A_437 = arith.muli %scan3A_338, %mul3A_436 : i32
      %add3A_438 = arith.constant 1 : i32
      %add3A_439 = arith.addi %mul3A_437, %add3A_438 : i32
      %get3A_440 = arith.index_cast %add3A_439 : i32 to index
      %get3A_441 = arith.constant 32 : index
      %get3A_442 = tpu.vector_load %arg7[%get3A_440, %get3A_441] {strides = array<i32>} : memref<128x128xf32, #tpu.memory_space<vmem>>, vector<16xf32>,
      %mul3A_443 = arith.mulf %get3A_442, %get3A_442 : vector<16xf32>
      %add3A_444 = arith.addf %add3A_372, %mul3A_443 : vector<16xf32>
      %mul3A_445 = arith.constant 4 : i32
      %mul3A_446 = arith.muli %scan3A_338, %mul3A_445 : i32
      %add3A_447 = arith.constant 1 : i32
      %add3A_448 = arith.addi %mul3A_446, %add3A_447 : i32
      %get3A_449 = arith.index_cast %add3A_448 : i32 to index
      %get3A_450 = arith.constant 48 : index
      %get3A_451 = tpu.vector_load %arg7[%get3A_449, %get3A_450] {strides = array<i32>} : memref<128x128xf32, #tpu.memory_space<vmem>>, vector<16xf32>,
      %mul3A_452 = arith.mulf %get3A_451, %get3A_451 : vector<16xf32>
      %add3A_453 = arith.addf %add3A_381, %mul3A_452 : vector<16xf32>
      %mul3A_454 = arith.constant 4 : i32
      %mul3A_455 = arith.muli %scan3A_338, %mul3A_454 : i32
      %add3A_456 = arith.constant 1 : i32
      %add3A_457 = arith.addi %mul3A_455, %add3A_456 : i32
      %get3A_458 = arith.index_cast %add3A_457 : i32 to index
      %get3A_459 = arith.constant 64 : index
      %get3A_460 = tpu.vector_load %arg7[%get3A_458, %get3A_459] {strides = array<i32>} : memref<128x128xf32, #tpu.memory_space<vmem>>, vector<16xf32>,
      %mul3A_461 = arith.mulf %get3A_460, %get3A_460 : vector<16xf32>
      %add3A_462 = arith.addf %add3A_390, %mul3A_461 : vector<16xf32>
      %mul3A_463 = arith.constant 4 : i32
      %mul3A_464 = arith.muli %scan3A_338, %mul3A_463 : i32
      %add3A_465 = arith.constant 1 : i32
      %add3A_466 = arith.addi %mul3A_464, %add3A_465 : i32
      %get3A_467 = arith.index_cast %add3A_466 : i32 to index
      %get3A_468 = arith.constant 80 : index
      %get3A_469 = tpu.vector_load %arg7[%get3A_467, %get3A_468] {strides = array<i32>} : memref<128x128xf32, #tpu.memory_space<vmem>>, vector<16xf32>,
      %mul3A_470 = arith.mulf %get3A_469, %get3A_469 : vector<16xf32>
      %add3A_471 = arith.addf %add3A_399, %mul3A_470 : vector<16xf32>
      %mul3A_472 = arith.constant 4 : i32
      %mul3A_473 = arith.muli %scan3A_338, %mul3A_472 : i32
      %add3A_474 = arith.constant 1 : i32
      %add3A_475 = arith.addi %mul3A_473, %add3A_474 : i32
      %get3A_476 = arith.index_cast %add3A_475 : i32 to index
      %get3A_477 = arith.constant 96 : index
      %get3A_478 = tpu.vector_load %arg7[%get3A_476, %get3A_477] {strides = array<i32>} : memref<128x128xf32, #tpu.memory_space<vmem>>, vector<16xf32>,
      %mul3A_479 = arith.mulf %get3A_478, %get3A_478 : vector<16xf32>
      %add3A_480 = arith.addf %add3A_408, %mul3A_479 : vector<16xf32>
      %mul3A_481 = arith.constant 4 : i32
      %mul3A_482 = arith.muli %scan3A_338, %mul3A_481 : i32
      %add3A_483 = arith.constant 1 : i32
      %add3A_484 = arith.addi %mul3A_482, %add3A_483 : i32
      %get3A_485 = arith.index_cast %add3A_484 : i32 to index
      %get3A_486 = arith.constant 112 : index
      %get3A_487 = tpu.vector_load %arg7[%get3A_485, %get3A_486] {strides = array<i32>} : memref<128x128xf32, #tpu.memory_space<vmem>>, vector<16xf32>,
      %mul3A_488 = arith.mulf %get3A_487, %get3A_487 : vector<16xf32>
      %add3A_489 = arith.addf %add3A_417, %mul3A_488 : vector<16xf32>
      %mul3A_490 = arith.constant 4 : i32
      %mul3A_491 = arith.muli %scan3A_338, %mul3A_490 : i32
      %add3A_492 = arith.constant 2 : i32
      %add3A_493 = arith.addi %mul3A_491, %add3A_492 : i32
      %get3A_494 = arith.index_cast %add3A_493 : i32 to index
      %get3A_495 = arith.constant 0 : index
      %get3A_496 = tpu.vector_load %arg7[%get3A_494, %get3A_495] {strides = array<i32>} : memref<128x128xf32, #tpu.memory_space<vmem>>, vector<16xf32>,
      %mul3A_497 = arith.mulf %get3A_496, %get3A_496 : vector<16xf32>
      %add3A_498 = arith.addf %add3A_426, %mul3A_497 : vector<16xf32>
      %mul3A_499 = arith.constant 4 : i32
      %mul3A_500 = arith.muli %scan3A_338, %mul3A_499 : i32
      %add3A_501 = arith.constant 2 : i32
      %add3A_502 = arith.addi %mul3A_500, %add3A_501 : i32
      %get3A_503 = arith.index_cast %add3A_502 : i32 to index
      %get3A_504 = arith.constant 16 : index
      %get3A_505 = tpu.vector_load %arg7[%get3A_503, %get3A_504] {strides = array<i32>} : memref<128x128xf32, #tpu.memory_space<vmem>>, vector<16xf32>,
      %mul3A_506 = arith.mulf %get3A_505, %get3A_505 : vector<16xf32>
      %add3A_507 = arith.addf %add3A_435, %mul3A_506 : vector<16xf32>
      %mul3A_508 = arith.constant 4 : i32
      %mul3A_509 = arith.muli %scan3A_338, %mul3A_508 : i32
      %add3A_510 = arith.constant 2 : i32
      %add3A_511 = arith.addi %mul3A_509, %add3A_510 : i32
      %get3A_512 = arith.index_cast %add3A_511 : i32 to index
      %get3A_513 = arith.constant 32 : index
      %get3A_514 = tpu.vector_load %arg7[%get3A_512, %get3A_513] {strides = array<i32>} : memref<128x128xf32, #tpu.memory_space<vmem>>, vector<16xf32>,
      %mul3A_515 = arith.mulf %get3A_514, %get3A_514 : vector<16xf32>
      %add3A_516 = arith.addf %add3A_444, %mul3A_515 : vector<16xf32>
      %mul3A_517 = arith.constant 4 : i32
      %mul3A_518 = arith.muli %scan3A_338, %mul3A_517 : i32
      %add3A_519 = arith.constant 2 : i32
      %add3A_520 = arith.addi %mul3A_518, %add3A_519 : i32
      %get3A_521 = arith.index_cast %add3A_520 : i32 to index
      %get3A_522 = arith.constant 48 : index
      %get3A_523 = tpu.vector_load %arg7[%get3A_521, %get3A_522] {strides = array<i32>} : memref<128x128xf32, #tpu.memory_space<vmem>>, vector<16xf32>,
      %mul3A_524 = arith.mulf %get3A_523, %get3A_523 : vector<16xf32>
      %add3A_525 = arith.addf %add3A_453, %mul3A_524 : vector<16xf32>
      %mul3A_526 = arith.constant 4 : i32
      %mul3A_527 = arith.muli %scan3A_338, %mul3A_526 : i32
      %add3A_528 = arith.constant 2 : i32
      %add3A_529 = arith.addi %mul3A_527, %add3A_528 : i32
      %get3A_530 = arith.index_cast %add3A_529 : i32 to index
      %get3A_531 = arith.constant 64 : index
      %get3A_532 = tpu.vector_load %arg7[%get3A_530, %get3A_531] {strides = array<i32>} : memref<128x128xf32, #tpu.memory_space<vmem>>, vector<16xf32>,
      %mul3A_533 = arith.mulf %get3A_532, %get3A_532 : vector<16xf32>
      %add3A_534 = arith.addf %add3A_462, %mul3A_533 : vector<16xf32>
      %mul3A_535 = arith.constant 4 : i32
      %mul3A_536 = arith.muli %scan3A_338, %mul3A_535 : i32
      %add3A_537 = arith.constant 2 : i32
      %add3A_538 = arith.addi %mul3A_536, %add3A_537 : i32
      %get3A_539 = arith.index_cast %add3A_538 : i32 to index
      %get3A_540 = arith.constant 80 : index
      %get3A_541 = tpu.vector_load %arg7[%get3A_539, %get3A_540] {strides = array<i32>} : memref<128x128xf32, #tpu.memory_space<vmem>>, vector<16xf32>,
      %mul3A_542 = arith.mulf %get3A_541, %get3A_541 : vector<16xf32>
      %add3A_543 = arith.addf %add3A_471, %mul3A_542 : vector<16xf32>
      %mul3A_544 = arith.constant 4 : i32
      %mul3A_545 = arith.muli %scan3A_338, %mul3A_544 : i32
      %add3A_546 = arith.constant 2 : i32
      %add3A_547 = arith.addi %mul3A_545, %add3A_546 : i32
      %get3A_548 = arith.index_cast %add3A_547 : i32 to index
      %get3A_549 = arith.constant 96 : index
      %get3A_550 = tpu.vector_load %arg7[%get3A_548, %get3A_549] {strides = array<i32>} : memref<128x128xf32, #tpu.memory_space<vmem>>, vector<16xf32>,
      %mul3A_551 = arith.mulf %get3A_550, %get3A_550 : vector<16xf32>
      %add3A_552 = arith.addf %add3A_480, %mul3A_551 : vector<16xf32>
      %mul3A_553 = arith.constant 4 : i32
      %mul3A_554 = arith.muli %scan3A_338, %mul3A_553 : i32
      %add3A_555 = arith.constant 2 : i32
      %add3A_556 = arith.addi %mul3A_554, %add3A_555 : i32
      %get3A_557 = arith.index_cast %add3A_556 : i32 to index
      %get3A_558 = arith.constant 112 : index
      %get3A_559 = tpu.vector_load %arg7[%get3A_557, %get3A_558] {strides = array<i32>} : memref<128x128xf32, #tpu.memory_space<vmem>>, vector<16xf32>,
      %mul3A_560 = arith.mulf %get3A_559, %get3A_559 : vector<16xf32>
      %add3A_561 = arith.addf %add3A_489, %mul3A_560 : vector<16xf32>
      %mul3A_562 = arith.constant 4 : i32
      %mul3A_563 = arith.muli %scan3A_338, %mul3A_562 : i32
      %add3A_564 = arith.constant 3 : i32
      %add3A_565 = arith.addi %mul3A_563, %add3A_564 : i32
      %get3A_566 = arith.index_cast %add3A_565 : i32 to index
      %get3A_567 = arith.constant 0 : index
      %get3A_568 = tpu.vector_load %arg7[%get3A_566, %get3A_567] {strides = array<i32>} : memref<128x128xf32, #tpu.memory_space<vmem>>, vector<16xf32>,
      %mul3A_569 = arith.mulf %get3A_568, %get3A_568 : vector<16xf32>
      %add3A_570 = arith.addf %add3A_498, %mul3A_569 : vector<16xf32>
      %mul3A_571 = arith.constant 4 : i32
      %mul3A_572 = arith.muli %scan3A_338, %mul3A_571 : i32
      %add3A_573 = arith.constant 3 : i32
      %add3A_574 = arith.addi %mul3A_572, %add3A_573 : i32
      %get3A_575 = arith.index_cast %add3A_574 : i32 to index
      %get3A_576 = arith.constant 16 : index
      %get3A_577 = tpu.vector_load %arg7[%get3A_575, %get3A_576] {strides = array<i32>} : memref<128x128xf32, #tpu.memory_space<vmem>>, vector<16xf32>,
      %mul3A_578 = arith.mulf %get3A_577, %get3A_577 : vector<16xf32>
      %add3A_579 = arith.addf %add3A_507, %mul3A_578 : vector<16xf32>
      %mul3A_580 = arith.constant 4 : i32
      %mul3A_581 = arith.muli %scan3A_338, %mul3A_580 : i32
      %add3A_582 = arith.constant 3 : i32
      %add3A_583 = arith.addi %mul3A_581, %add3A_582 : i32
      %get3A_584 = arith.index_cast %add3A_583 : i32 to index
      %get3A_585 = arith.constant 32 : index
      %get3A_586 = tpu.vector_load %arg7[%get3A_584, %get3A_585] {strides = array<i32>} : memref<128x128xf32, #tpu.memory_space<vmem>>, vector<16xf32>,
      %mul3A_587 = arith.mulf %get3A_586, %get3A_586 : vector<16xf32>
      %add3A_588 = arith.addf %add3A_516, %mul3A_587 : vector<16xf32>
      %mul3A_589 = arith.constant 4 : i32
      %mul3A_590 = arith.muli %scan3A_338, %mul3A_589 : i32
      %add3A_591 = arith.constant 3 : i32
      %add3A_592 = arith.addi %mul3A_590, %add3A_591 : i32
      %get3A_593 = arith.index_cast %add3A_592 : i32 to index
      %get3A_594 = arith.constant 48 : index
      %get3A_595 = tpu.vector_load %arg7[%get3A_593, %get3A_594] {strides = array<i32>} : memref<128x128xf32, #tpu.memory_space<vmem>>, vector<16xf32>,
      %mul3A_596 = arith.mulf %get3A_595, %get3A_595 : vector<16xf32>
      %add3A_597 = arith.addf %add3A_525, %mul3A_596 : vector<16xf32>
      %mul3A_598 = arith.constant 4 : i32
      %mul3A_599 = arith.muli %scan3A_338, %mul3A_598 : i32
      %add3A_600 = arith.constant 3 : i32
      %add3A_601 = arith.addi %mul3A_599, %add3A_600 : i32
      %get3A_602 = arith.index_cast %add3A_601 : i32 to index
      %get3A_603 = arith.constant 64 : index
      %get3A_604 = tpu.vector_load %arg7[%get3A_602, %get3A_603] {strides = array<i32>} : memref<128x128xf32, #tpu.memory_space<vmem>>, vector<16xf32>,
      %mul3A_605 = arith.mulf %get3A_604, %get3A_604 : vector<16xf32>
      %add3A_606 = arith.addf %add3A_534, %mul3A_605 : vector<16xf32>
      %mul3A_607 = arith.constant 4 : i32
      %mul3A_608 = arith.muli %scan3A_338, %mul3A_607 : i32
      %add3A_609 = arith.constant 3 : i32
      %add3A_610 = arith.addi %mul3A_608, %add3A_609 : i32
      %get3A_611 = arith.index_cast %add3A_610 : i32 to index
      %get3A_612 = arith.constant 80 : index
      %get3A_613 = tpu.vector_load %arg7[%get3A_611, %get3A_612] {strides = array<i32>} : memref<128x128xf32, #tpu.memory_space<vmem>>, vector<16xf32>,
      %mul3A_614 = arith.mulf %get3A_613, %get3A_613 : vector<16xf32>
      %add3A_615 = arith.addf %add3A_543, %mul3A_614 : vector<16xf32>
      %mul3A_616 = arith.constant 4 : i32
      %mul3A_617 = arith.muli %scan3A_338, %mul3A_616 : i32
      %add3A_618 = arith.constant 3 : i32
      %add3A_619 = arith.addi %mul3A_617, %add3A_618 : i32
      %get3A_620 = arith.index_cast %add3A_619 : i32 to index
      %get3A_621 = arith.constant 96 : index
      %get3A_622 = tpu.vector_load %arg7[%get3A_620, %get3A_621] {strides = array<i32>} : memref<128x128xf32, #tpu.memory_space<vmem>>, vector<16xf32>,
      %mul3A_623 = arith.mulf %get3A_622, %get3A_622 : vector<16xf32>
      %add3A_624 = arith.addf %add3A_552, %mul3A_623 : vector<16xf32>
      %mul3A_625 = arith.constant 4 : i32
      %mul3A_626 = arith.muli %scan3A_338, %mul3A_625 : i32
      %add3A_627 = arith.constant 3 : i32
      %add3A_628 = arith.addi %mul3A_626, %add3A_627 : i32
      %get3A_629 = arith.index_cast %add3A_628 : i32 to index
      %get3A_630 = arith.constant 112 : index
      %get3A_631 = tpu.vector_load %arg7[%get3A_629, %get3A_630] {strides = array<i32>} : memref<128x128xf32, #tpu.memory_space<vmem>>, vector<16xf32>,
      %mul3A_632 = arith.mulf %get3A_631, %get3A_631 : vector<16xf32>
      %add3A_633 = arith.addf %add3A_561, %mul3A_632 : vector<16xf32>
      scf.yield %add3A_570, %add3A_579, %add3A_588, %add3A_597, %add3A_606, %add3A_615, %add3A_624, %add3A_633 : vector<16xf32>, vector<16xf32>, vector<16xf32>, vector<16xf32>, vector<16xf32>, vector<16xf32>, vector<16xf32>, vector<16xf32>
    }
    %scan3A_241 = arith.constant 32 : i32
    %dma_wait3A_242 = arith.constant 0 : i32
    %dma_wait3A_243 = tpu.memref_slice %arg2[%add3A_17, %dma_wait3A_242] : memref<16384x128xf32, #tpu.memory_space<hbm>> -> memref<128x128xf32, #tpu.memory_space<hbm>>
    %dma_wait3A_244 = arith.constant 0 : i32
    %dma_wait3A_245 = tpu.memref_slice %arg2[%add3A_17, %dma_wait3A_244] : memref<16384x128xf32, #tpu.memory_space<hbm>> -> memref<128x128xf32, #tpu.memory_space<hbm>>
    tpu.wait_dma2 semaphore(%arg20 : memref<!tpu.dma_semaphore, #tpu.memory_space<semaphore_mem>>) src(%dma_wait3A_245 : memref<128x128xf32, #tpu.memory_space<hbm>>) dst(%arg8 : memref<128x128xf32, #tpu.memory_space<vmem>>)
    %dma_start3A_246 = arith.constant 1 : i32
    %dma_start3A_247 = arith.constant 0 : i32
    %dma_start3A_248 = tpu.memref_slice %arg6[%dma_start3A_246, %dma_start3A_247] : memref<4x128xi32, #tpu.memory_space<vmem>> -> memref<1x128xi32, #tpu.memory_space<vmem>>
    %dma_start3A_249 = tpu.memref_squeeze %dma_start3A_248 : memref<1x128xi32, #tpu.memory_space<vmem>> -> memref<128xi32, #tpu.memory_space<vmem>>
    %dma_start3A_250 = arith.constant 0 : i32
    %dma_start3A_251 = arith.constant 0 : i32
    %dma_start3A_252 = tpu.memref_slice %arg17[%dma_start3A_250, %dma_start3A_251] : memref<1024x128xf32, #tpu.memory_space<vmem_shared>> -> memref<1024x128xf32, #tpu.memory_space<vmem_shared>>
    tpu.enqueue_indirect_dma source(%arg8 : memref<128x128xf32, #tpu.memory_space<vmem>>) target(%dma_start3A_252 : memref<1024x128xf32, #tpu.memory_space<vmem_shared>>) offsets(%dma_start3A_249 : memref<128xi32, #tpu.memory_space<vmem>>) semaphore(%arg24 : memref<!tpu.dma_semaphore, #tpu.memory_space<semaphore_mem>>) {add = true}
    %scan3A_253 = arith.constant 0 : i32
    %scan3A_254 = arith.constant 32 : i32
    %scan3A_255 = arith.addi %scan3A_253, %scan3A_254 : i32
    %scan3A_256 = arith.constant 1 : i32
    %scan3A_257:8 = scf.for %scan3A_338 = %scan3A_253 to %scan3A_255 step %scan3A_256 iter_args(%scan3A_339 = %scan3A_240#0, %scan3A_340 = %scan3A_240#1, %scan3A_341 = %scan3A_240#2, %scan3A_342 = %scan3A_240#3, %scan3A_343 = %scan3A_240#4, %scan3A_344 = %scan3A_240#5, %scan3A_345 = %scan3A_240#6, %scan3A_346 = %scan3A_240#7) -> (vector<16xf32>, vector<16xf32>, vector<16xf32>, vector<16xf32>, vector<16xf32>, vector<16xf32>, vector<16xf32>, vector<16xf32>)  : i32 {
      %mul3A_347 = arith.constant 4 : i32
      %mul3A_348 = arith.muli %scan3A_338, %mul3A_347 : i32
      %add3A_349 = arith.constant 0 : i32
      %add3A_350 = arith.addi %mul3A_348, %add3A_349 : i32
      %get3A = arith.index_cast %add3A_350 : i32 to index
      %get3A_351 = arith.constant 0 : index
      %get3A_352 = tpu.vector_load %arg8[%get3A, %get3A_351] {strides = array<i32>} : memref<128x128xf32, #tpu.memory_space<vmem>>, vector<16xf32>,
      %mul3A_353 = arith.mulf %get3A_352, %get3A_352 : vector<16xf32>
      %add3A_354 = arith.addf %scan3A_339, %mul3A_353 : vector<16xf32>
      %mul3A_355 = arith.constant 4 : i32
      %mul3A_356 = arith.muli %scan3A_338, %mul3A_355 : i32
      %add3A_357 = arith.constant 0 : i32
      %add3A_358 = arith.addi %mul3A_356, %add3A_357 : i32
      %get3A_359 = arith.index_cast %add3A_358 : i32 to index
      %get3A_360 = arith.constant 16 : index
      %get3A_361 = tpu.vector_load %arg8[%get3A_359, %get3A_360] {strides = array<i32>} : memref<128x128xf32, #tpu.memory_space<vmem>>, vector<16xf32>,
      %mul3A_362 = arith.mulf %get3A_361, %get3A_361 : vector<16xf32>
      %add3A_363 = arith.addf %scan3A_340, %mul3A_362 : vector<16xf32>
      %mul3A_364 = arith.constant 4 : i32
      %mul3A_365 = arith.muli %scan3A_338, %mul3A_364 : i32
      %add3A_366 = arith.constant 0 : i32
      %add3A_367 = arith.addi %mul3A_365, %add3A_366 : i32
      %get3A_368 = arith.index_cast %add3A_367 : i32 to index
      %get3A_369 = arith.constant 32 : index
      %get3A_370 = tpu.vector_load %arg8[%get3A_368, %get3A_369] {strides = array<i32>} : memref<128x128xf32, #tpu.memory_space<vmem>>, vector<16xf32>,
      %mul3A_371 = arith.mulf %get3A_370, %get3A_370 : vector<16xf32>
      %add3A_372 = arith.addf %scan3A_341, %mul3A_371 : vector<16xf32>
      %mul3A_373 = arith.constant 4 : i32
      %mul3A_374 = arith.muli %scan3A_338, %mul3A_373 : i32
      %add3A_375 = arith.constant 0 : i32
      %add3A_376 = arith.addi %mul3A_374, %add3A_375 : i32
      %get3A_377 = arith.index_cast %add3A_376 : i32 to index
      %get3A_378 = arith.constant 48 : index
      %get3A_379 = tpu.vector_load %arg8[%get3A_377, %get3A_378] {strides = array<i32>} : memref<128x128xf32, #tpu.memory_space<vmem>>, vector<16xf32>,
      %mul3A_380 = arith.mulf %get3A_379, %get3A_379 : vector<16xf32>
      %add3A_381 = arith.addf %scan3A_342, %mul3A_380 : vector<16xf32>
      %mul3A_382 = arith.constant 4 : i32
      %mul3A_383 = arith.muli %scan3A_338, %mul3A_382 : i32
      %add3A_384 = arith.constant 0 : i32
      %add3A_385 = arith.addi %mul3A_383, %add3A_384 : i32
      %get3A_386 = arith.index_cast %add3A_385 : i32 to index
      %get3A_387 = arith.constant 64 : index
      %get3A_388 = tpu.vector_load %arg8[%get3A_386, %get3A_387] {strides = array<i32>} : memref<128x128xf32, #tpu.memory_space<vmem>>, vector<16xf32>,
      %mul3A_389 = arith.mulf %get3A_388, %get3A_388 : vector<16xf32>
      %add3A_390 = arith.addf %scan3A_343, %mul3A_389 : vector<16xf32>
      %mul3A_391 = arith.constant 4 : i32
      %mul3A_392 = arith.muli %scan3A_338, %mul3A_391 : i32
      %add3A_393 = arith.constant 0 : i32
      %add3A_394 = arith.addi %mul3A_392, %add3A_393 : i32
      %get3A_395 = arith.index_cast %add3A_394 : i32 to index
      %get3A_396 = arith.constant 80 : index
      %get3A_397 = tpu.vector_load %arg8[%get3A_395, %get3A_396] {strides = array<i32>} : memref<128x128xf32, #tpu.memory_space<vmem>>, vector<16xf32>,
      %mul3A_398 = arith.mulf %get3A_397, %get3A_397 : vector<16xf32>
      %add3A_399 = arith.addf %scan3A_344, %mul3A_398 : vector<16xf32>
      %mul3A_400 = arith.constant 4 : i32
      %mul3A_401 = arith.muli %scan3A_338, %mul3A_400 : i32
      %add3A_402 = arith.constant 0 : i32
      %add3A_403 = arith.addi %mul3A_401, %add3A_402 : i32
      %get3A_404 = arith.index_cast %add3A_403 : i32 to index
      %get3A_405 = arith.constant 96 : index
      %get3A_406 = tpu.vector_load %arg8[%get3A_404, %get3A_405] {strides = array<i32>} : memref<128x128xf32, #tpu.memory_space<vmem>>, vector<16xf32>,
      %mul3A_407 = arith.mulf %get3A_406, %get3A_406 : vector<16xf32>
      %add3A_408 = arith.addf %scan3A_345, %mul3A_407 : vector<16xf32>
      %mul3A_409 = arith.constant 4 : i32
      %mul3A_410 = arith.muli %scan3A_338, %mul3A_409 : i32
      %add3A_411 = arith.constant 0 : i32
      %add3A_412 = arith.addi %mul3A_410, %add3A_411 : i32
      %get3A_413 = arith.index_cast %add3A_412 : i32 to index
      %get3A_414 = arith.constant 112 : index
      %get3A_415 = tpu.vector_load %arg8[%get3A_413, %get3A_414] {strides = array<i32>} : memref<128x128xf32, #tpu.memory_space<vmem>>, vector<16xf32>,
      %mul3A_416 = arith.mulf %get3A_415, %get3A_415 : vector<16xf32>
      %add3A_417 = arith.addf %scan3A_346, %mul3A_416 : vector<16xf32>
      %mul3A_418 = arith.constant 4 : i32
      %mul3A_419 = arith.muli %scan3A_338, %mul3A_418 : i32
      %add3A_420 = arith.constant 1 : i32
      %add3A_421 = arith.addi %mul3A_419, %add3A_420 : i32
      %get3A_422 = arith.index_cast %add3A_421 : i32 to index
      %get3A_423 = arith.constant 0 : index
      %get3A_424 = tpu.vector_load %arg8[%get3A_422, %get3A_423] {strides = array<i32>} : memref<128x128xf32, #tpu.memory_space<vmem>>, vector<16xf32>,
      %mul3A_425 = arith.mulf %get3A_424, %get3A_424 : vector<16xf32>
      %add3A_426 = arith.addf %add3A_354, %mul3A_425 : vector<16xf32>
      %mul3A_427 = arith.constant 4 : i32
      %mul3A_428 = arith.muli %scan3A_338, %mul3A_427 : i32
      %add3A_429 = arith.constant 1 : i32
      %add3A_430 = arith.addi %mul3A_428, %add3A_429 : i32
      %get3A_431 = arith.index_cast %add3A_430 : i32 to index
      %get3A_432 = arith.constant 16 : index
      %get3A_433 = tpu.vector_load %arg8[%get3A_431, %get3A_432] {strides = array<i32>} : memref<128x128xf32, #tpu.memory_space<vmem>>, vector<16xf32>,
      %mul3A_434 = arith.mulf %get3A_433, %get3A_433 : vector<16xf32>
      %add3A_435 = arith.addf %add3A_363, %mul3A_434 : vector<16xf32>
      %mul3A_436 = arith.constant 4 : i32
      %mul3A_437 = arith.muli %scan3A_338, %mul3A_436 : i32
      %add3A_438 = arith.constant 1 : i32
      %add3A_439 = arith.addi %mul3A_437, %add3A_438 : i32
      %get3A_440 = arith.index_cast %add3A_439 : i32 to index
      %get3A_441 = arith.constant 32 : index
      %get3A_442 = tpu.vector_load %arg8[%get3A_440, %get3A_441] {strides = array<i32>} : memref<128x128xf32, #tpu.memory_space<vmem>>, vector<16xf32>,
      %mul3A_443 = arith.mulf %get3A_442, %get3A_442 : vector<16xf32>
      %add3A_444 = arith.addf %add3A_372, %mul3A_443 : vector<16xf32>
      %mul3A_445 = arith.constant 4 : i32
      %mul3A_446 = arith.muli %scan3A_338, %mul3A_445 : i32
      %add3A_447 = arith.constant 1 : i32
      %add3A_448 = arith.addi %mul3A_446, %add3A_447 : i32
      %get3A_449 = arith.index_cast %add3A_448 : i32 to index
      %get3A_450 = arith.constant 48 : index
      %get3A_451 = tpu.vector_load %arg8[%get3A_449, %get3A_450] {strides = array<i32>} : memref<128x128xf32, #tpu.memory_space<vmem>>, vector<16xf32>,
      %mul3A_452 = arith.mulf %get3A_451, %get3A_451 : vector<16xf32>
      %add3A_453 = arith.addf %add3A_381, %mul3A_452 : vector<16xf32>
      %mul3A_454 = arith.constant 4 : i32
      %mul3A_455 = arith.muli %scan3A_338, %mul3A_454 : i32
      %add3A_456 = arith.constant 1 : i32
      %add3A_457 = arith.addi %mul3A_455, %add3A_456 : i32
      %get3A_458 = arith.index_cast %add3A_457 : i32 to index
      %get3A_459 = arith.constant 64 : index
      %get3A_460 = tpu.vector_load %arg8[%get3A_458, %get3A_459] {strides = array<i32>} : memref<128x128xf32, #tpu.memory_space<vmem>>, vector<16xf32>,
      %mul3A_461 = arith.mulf %get3A_460, %get3A_460 : vector<16xf32>
      %add3A_462 = arith.addf %add3A_390, %mul3A_461 : vector<16xf32>
      %mul3A_463 = arith.constant 4 : i32
      %mul3A_464 = arith.muli %scan3A_338, %mul3A_463 : i32
      %add3A_465 = arith.constant 1 : i32
      %add3A_466 = arith.addi %mul3A_464, %add3A_465 : i32
      %get3A_467 = arith.index_cast %add3A_466 : i32 to index
      %get3A_468 = arith.constant 80 : index
      %get3A_469 = tpu.vector_load %arg8[%get3A_467, %get3A_468] {strides = array<i32>} : memref<128x128xf32, #tpu.memory_space<vmem>>, vector<16xf32>,
      %mul3A_470 = arith.mulf %get3A_469, %get3A_469 : vector<16xf32>
      %add3A_471 = arith.addf %add3A_399, %mul3A_470 : vector<16xf32>
      %mul3A_472 = arith.constant 4 : i32
      %mul3A_473 = arith.muli %scan3A_338, %mul3A_472 : i32
      %add3A_474 = arith.constant 1 : i32
      %add3A_475 = arith.addi %mul3A_473, %add3A_474 : i32
      %get3A_476 = arith.index_cast %add3A_475 : i32 to index
      %get3A_477 = arith.constant 96 : index
      %get3A_478 = tpu.vector_load %arg8[%get3A_476, %get3A_477] {strides = array<i32>} : memref<128x128xf32, #tpu.memory_space<vmem>>, vector<16xf32>,
      %mul3A_479 = arith.mulf %get3A_478, %get3A_478 : vector<16xf32>
      %add3A_480 = arith.addf %add3A_408, %mul3A_479 : vector<16xf32>
      %mul3A_481 = arith.constant 4 : i32
      %mul3A_482 = arith.muli %scan3A_338, %mul3A_481 : i32
      %add3A_483 = arith.constant 1 : i32
      %add3A_484 = arith.addi %mul3A_482, %add3A_483 : i32
      %get3A_485 = arith.index_cast %add3A_484 : i32 to index
      %get3A_486 = arith.constant 112 : index
      %get3A_487 = tpu.vector_load %arg8[%get3A_485, %get3A_486] {strides = array<i32>} : memref<128x128xf32, #tpu.memory_space<vmem>>, vector<16xf32>,
      %mul3A_488 = arith.mulf %get3A_487, %get3A_487 : vector<16xf32>
      %add3A_489 = arith.addf %add3A_417, %mul3A_488 : vector<16xf32>
      %mul3A_490 = arith.constant 4 : i32
      %mul3A_491 = arith.muli %scan3A_338, %mul3A_490 : i32
      %add3A_492 = arith.constant 2 : i32
      %add3A_493 = arith.addi %mul3A_491, %add3A_492 : i32
      %get3A_494 = arith.index_cast %add3A_493 : i32 to index
      %get3A_495 = arith.constant 0 : index
      %get3A_496 = tpu.vector_load %arg8[%get3A_494, %get3A_495] {strides = array<i32>} : memref<128x128xf32, #tpu.memory_space<vmem>>, vector<16xf32>,
      %mul3A_497 = arith.mulf %get3A_496, %get3A_496 : vector<16xf32>
      %add3A_498 = arith.addf %add3A_426, %mul3A_497 : vector<16xf32>
      %mul3A_499 = arith.constant 4 : i32
      %mul3A_500 = arith.muli %scan3A_338, %mul3A_499 : i32
      %add3A_501 = arith.constant 2 : i32
      %add3A_502 = arith.addi %mul3A_500, %add3A_501 : i32
      %get3A_503 = arith.index_cast %add3A_502 : i32 to index
      %get3A_504 = arith.constant 16 : index
      %get3A_505 = tpu.vector_load %arg8[%get3A_503, %get3A_504] {strides = array<i32>} : memref<128x128xf32, #tpu.memory_space<vmem>>, vector<16xf32>,
      %mul3A_506 = arith.mulf %get3A_505, %get3A_505 : vector<16xf32>
      %add3A_507 = arith.addf %add3A_435, %mul3A_506 : vector<16xf32>
      %mul3A_508 = arith.constant 4 : i32
      %mul3A_509 = arith.muli %scan3A_338, %mul3A_508 : i32
      %add3A_510 = arith.constant 2 : i32
      %add3A_511 = arith.addi %mul3A_509, %add3A_510 : i32
      %get3A_512 = arith.index_cast %add3A_511 : i32 to index
      %get3A_513 = arith.constant 32 : index
      %get3A_514 = tpu.vector_load %arg8[%get3A_512, %get3A_513] {strides = array<i32>} : memref<128x128xf32, #tpu.memory_space<vmem>>, vector<16xf32>,
      %mul3A_515 = arith.mulf %get3A_514, %get3A_514 : vector<16xf32>
      %add3A_516 = arith.addf %add3A_444, %mul3A_515 : vector<16xf32>
      %mul3A_517 = arith.constant 4 : i32
      %mul3A_518 = arith.muli %scan3A_338, %mul3A_517 : i32
      %add3A_519 = arith.constant 2 : i32
      %add3A_520 = arith.addi %mul3A_518, %add3A_519 : i32
      %get3A_521 = arith.index_cast %add3A_520 : i32 to index
      %get3A_522 = arith.constant 48 : index
      %get3A_523 = tpu.vector_load %arg8[%get3A_521, %get3A_522] {strides = array<i32>} : memref<128x128xf32, #tpu.memory_space<vmem>>, vector<16xf32>,
      %mul3A_524 = arith.mulf %get3A_523, %get3A_523 : vector<16xf32>
      %add3A_525 = arith.addf %add3A_453, %mul3A_524 : vector<16xf32>
      %mul3A_526 = arith.constant 4 : i32
      %mul3A_527 = arith.muli %scan3A_338, %mul3A_526 : i32
      %add3A_528 = arith.constant 2 : i32
      %add3A_529 = arith.addi %mul3A_527, %add3A_528 : i32
      %get3A_530 = arith.index_cast %add3A_529 : i32 to index
      %get3A_531 = arith.constant 64 : index
      %get3A_532 = tpu.vector_load %arg8[%get3A_530, %get3A_531] {strides = array<i32>} : memref<128x128xf32, #tpu.memory_space<vmem>>, vector<16xf32>,
      %mul3A_533 = arith.mulf %get3A_532, %get3A_532 : vector<16xf32>
      %add3A_534 = arith.addf %add3A_462, %mul3A_533 : vector<16xf32>
      %mul3A_535 = arith.constant 4 : i32
      %mul3A_536 = arith.muli %scan3A_338, %mul3A_535 : i32
      %add3A_537 = arith.constant 2 : i32
      %add3A_538 = arith.addi %mul3A_536, %add3A_537 : i32
      %get3A_539 = arith.index_cast %add3A_538 : i32 to index
      %get3A_540 = arith.constant 80 : index
      %get3A_541 = tpu.vector_load %arg8[%get3A_539, %get3A_540] {strides = array<i32>} : memref<128x128xf32, #tpu.memory_space<vmem>>, vector<16xf32>,
      %mul3A_542 = arith.mulf %get3A_541, %get3A_541 : vector<16xf32>
      %add3A_543 = arith.addf %add3A_471, %mul3A_542 : vector<16xf32>
      %mul3A_544 = arith.constant 4 : i32
      %mul3A_545 = arith.muli %scan3A_338, %mul3A_544 : i32
      %add3A_546 = arith.constant 2 : i32
      %add3A_547 = arith.addi %mul3A_545, %add3A_546 : i32
      %get3A_548 = arith.index_cast %add3A_547 : i32 to index
      %get3A_549 = arith.constant 96 : index
      %get3A_550 = tpu.vector_load %arg8[%get3A_548, %get3A_549] {strides = array<i32>} : memref<128x128xf32, #tpu.memory_space<vmem>>, vector<16xf32>,
      %mul3A_551 = arith.mulf %get3A_550, %get3A_550 : vector<16xf32>
      %add3A_552 = arith.addf %add3A_480, %mul3A_551 : vector<16xf32>
      %mul3A_553 = arith.constant 4 : i32
      %mul3A_554 = arith.muli %scan3A_338, %mul3A_553 : i32
      %add3A_555 = arith.constant 2 : i32
      %add3A_556 = arith.addi %mul3A_554, %add3A_555 : i32
      %get3A_557 = arith.index_cast %add3A_556 : i32 to index
      %get3A_558 = arith.constant 112 : index
      %get3A_559 = tpu.vector_load %arg8[%get3A_557, %get3A_558] {strides = array<i32>} : memref<128x128xf32, #tpu.memory_space<vmem>>, vector<16xf32>,
      %mul3A_560 = arith.mulf %get3A_559, %get3A_559 : vector<16xf32>
      %add3A_561 = arith.addf %add3A_489, %mul3A_560 : vector<16xf32>
      %mul3A_562 = arith.constant 4 : i32
      %mul3A_563 = arith.muli %scan3A_338, %mul3A_562 : i32
      %add3A_564 = arith.constant 3 : i32
      %add3A_565 = arith.addi %mul3A_563, %add3A_564 : i32
      %get3A_566 = arith.index_cast %add3A_565 : i32 to index
      %get3A_567 = arith.constant 0 : index
      %get3A_568 = tpu.vector_load %arg8[%get3A_566, %get3A_567] {strides = array<i32>} : memref<128x128xf32, #tpu.memory_space<vmem>>, vector<16xf32>,
      %mul3A_569 = arith.mulf %get3A_568, %get3A_568 : vector<16xf32>
      %add3A_570 = arith.addf %add3A_498, %mul3A_569 : vector<16xf32>
      %mul3A_571 = arith.constant 4 : i32
      %mul3A_572 = arith.muli %scan3A_338, %mul3A_571 : i32
      %add3A_573 = arith.constant 3 : i32
      %add3A_574 = arith.addi %mul3A_572, %add3A_573 : i32
      %get3A_575 = arith.index_cast %add3A_574 : i32 to index
      %get3A_576 = arith.constant 16 : index
      %get3A_577 = tpu.vector_load %arg8[%get3A_575, %get3A_576] {strides = array<i32>} : memref<128x128xf32, #tpu.memory_space<vmem>>, vector<16xf32>,
      %mul3A_578 = arith.mulf %get3A_577, %get3A_577 : vector<16xf32>
      %add3A_579 = arith.addf %add3A_507, %mul3A_578 : vector<16xf32>
      %mul3A_580 = arith.constant 4 : i32
      %mul3A_581 = arith.muli %scan3A_338, %mul3A_580 : i32
      %add3A_582 = arith.constant 3 : i32
      %add3A_583 = arith.addi %mul3A_581, %add3A_582 : i32
      %get3A_584 = arith.index_cast %add3A_583 : i32 to index
      %get3A_585 = arith.constant 32 : index
      %get3A_586 = tpu.vector_load %arg8[%get3A_584, %get3A_585] {strides = array<i32>} : memref<128x128xf32, #tpu.memory_space<vmem>>, vector<16xf32>,
      %mul3A_587 = arith.mulf %get3A_586, %get3A_586 : vector<16xf32>
      %add3A_588 = arith.addf %add3A_516, %mul3A_587 : vector<16xf32>
      %mul3A_589 = arith.constant 4 : i32
      %mul3A_590 = arith.muli %scan3A_338, %mul3A_589 : i32
      %add3A_591 = arith.constant 3 : i32
      %add3A_592 = arith.addi %mul3A_590, %add3A_591 : i32
      %get3A_593 = arith.index_cast %add3A_592 : i32 to index
      %get3A_594 = arith.constant 48 : index
      %get3A_595 = tpu.vector_load %arg8[%get3A_593, %get3A_594] {strides = array<i32>} : memref<128x128xf32, #tpu.memory_space<vmem>>, vector<16xf32>,
      %mul3A_596 = arith.mulf %get3A_595, %get3A_595 : vector<16xf32>
      %add3A_597 = arith.addf %add3A_525, %mul3A_596 : vector<16xf32>
      %mul3A_598 = arith.constant 4 : i32
      %mul3A_599 = arith.muli %scan3A_338, %mul3A_598 : i32
      %add3A_600 = arith.constant 3 : i32
      %add3A_601 = arith.addi %mul3A_599, %add3A_600 : i32
      %get3A_602 = arith.index_cast %add3A_601 : i32 to index
      %get3A_603 = arith.constant 64 : index
      %get3A_604 = tpu.vector_load %arg8[%get3A_602, %get3A_603] {strides = array<i32>} : memref<128x128xf32, #tpu.memory_space<vmem>>, vector<16xf32>,
      %mul3A_605 = arith.mulf %get3A_604, %get3A_604 : vector<16xf32>
      %add3A_606 = arith.addf %add3A_534, %mul3A_605 : vector<16xf32>
      %mul3A_607 = arith.constant 4 : i32
      %mul3A_608 = arith.muli %scan3A_338, %mul3A_607 : i32
      %add3A_609 = arith.constant 3 : i32
      %add3A_610 = arith.addi %mul3A_608, %add3A_609 : i32
      %get3A_611 = arith.index_cast %add3A_610 : i32 to index
      %get3A_612 = arith.constant 80 : index
      %get3A_613 = tpu.vector_load %arg8[%get3A_611, %get3A_612] {strides = array<i32>} : memref<128x128xf32, #tpu.memory_space<vmem>>, vector<16xf32>,
      %mul3A_614 = arith.mulf %get3A_613, %get3A_613 : vector<16xf32>
      %add3A_615 = arith.addf %add3A_543, %mul3A_614 : vector<16xf32>
      %mul3A_616 = arith.constant 4 : i32
      %mul3A_617 = arith.muli %scan3A_338, %mul3A_616 : i32
      %add3A_618 = arith.constant 3 : i32
      %add3A_619 = arith.addi %mul3A_617, %add3A_618 : i32
      %get3A_620 = arith.index_cast %add3A_619 : i32 to index
      %get3A_621 = arith.constant 96 : index
      %get3A_622 = tpu.vector_load %arg8[%get3A_620, %get3A_621] {strides = array<i32>} : memref<128x128xf32, #tpu.memory_space<vmem>>, vector<16xf32>,
      %mul3A_623 = arith.mulf %get3A_622, %get3A_622 : vector<16xf32>
      %add3A_624 = arith.addf %add3A_552, %mul3A_623 : vector<16xf32>
      %mul3A_625 = arith.constant 4 : i32
      %mul3A_626 = arith.muli %scan3A_338, %mul3A_625 : i32
      %add3A_627 = arith.constant 3 : i32
      %add3A_628 = arith.addi %mul3A_626, %add3A_627 : i32
      %get3A_629 = arith.index_cast %add3A_628 : i32 to index
      %get3A_630 = arith.constant 112 : index
      %get3A_631 = tpu.vector_load %arg8[%get3A_629, %get3A_630] {strides = array<i32>} : memref<128x128xf32, #tpu.memory_space<vmem>>, vector<16xf32>,
      %mul3A_632 = arith.mulf %get3A_631, %get3A_631 : vector<16xf32>
      %add3A_633 = arith.addf %add3A_561, %mul3A_632 : vector<16xf32>
      scf.yield %add3A_570, %add3A_579, %add3A_588, %add3A_597, %add3A_606, %add3A_615, %add3A_624, %add3A_633 : vector<16xf32>, vector<16xf32>, vector<16xf32>, vector<16xf32>, vector<16xf32>, vector<16xf32>, vector<16xf32>, vector<16xf32>
    }
    %scan3A_258 = arith.constant 32 : i32
    %dma_wait3A_259 = arith.constant 0 : i32
    %dma_wait3A_260 = tpu.memref_slice %arg2[%add3A_25, %dma_wait3A_259] : memref<16384x128xf32, #tpu.memory_space<hbm>> -> memref<128x128xf32, #tpu.memory_space<hbm>>
    %dma_wait3A_261 = arith.constant 0 : i32
    %dma_wait3A_262 = tpu.memref_slice %arg2[%add3A_25, %dma_wait3A_261] : memref<16384x128xf32, #tpu.memory_space<hbm>> -> memref<128x128xf32, #tpu.memory_space<hbm>>
    tpu.wait_dma2 semaphore(%arg21 : memref<!tpu.dma_semaphore, #tpu.memory_space<semaphore_mem>>) src(%dma_wait3A_262 : memref<128x128xf32, #tpu.memory_space<hbm>>) dst(%arg9 : memref<128x128xf32, #tpu.memory_space<vmem>>)
    %dma_start3A_263 = arith.constant 2 : i32
    %dma_start3A_264 = arith.constant 0 : i32
    %dma_start3A_265 = tpu.memref_slice %arg6[%dma_start3A_263, %dma_start3A_264] : memref<4x128xi32, #tpu.memory_space<vmem>> -> memref<1x128xi32, #tpu.memory_space<vmem>>
    %dma_start3A_266 = tpu.memref_squeeze %dma_start3A_265 : memref<1x128xi32, #tpu.memory_space<vmem>> -> memref<128xi32, #tpu.memory_space<vmem>>
    %dma_start3A_267 = arith.constant 0 : i32
    %dma_start3A_268 = arith.constant 0 : i32
    %dma_start3A_269 = tpu.memref_slice %arg17[%dma_start3A_267, %dma_start3A_268] : memref<1024x128xf32, #tpu.memory_space<vmem_shared>> -> memref<1024x128xf32, #tpu.memory_space<vmem_shared>>
    tpu.enqueue_indirect_dma source(%arg9 : memref<128x128xf32, #tpu.memory_space<vmem>>) target(%dma_start3A_269 : memref<1024x128xf32, #tpu.memory_space<vmem_shared>>) offsets(%dma_start3A_266 : memref<128xi32, #tpu.memory_space<vmem>>) semaphore(%arg25 : memref<!tpu.dma_semaphore, #tpu.memory_space<semaphore_mem>>) {add = true}
    %scan3A_270 = arith.constant 0 : i32
    %scan3A_271 = arith.constant 32 : i32
    %scan3A_272 = arith.addi %scan3A_270, %scan3A_271 : i32
    %scan3A_273 = arith.constant 1 : i32
    %scan3A_274:8 = scf.for %scan3A_338 = %scan3A_270 to %scan3A_272 step %scan3A_273 iter_args(%scan3A_339 = %scan3A_257#0, %scan3A_340 = %scan3A_257#1, %scan3A_341 = %scan3A_257#2, %scan3A_342 = %scan3A_257#3, %scan3A_343 = %scan3A_257#4, %scan3A_344 = %scan3A_257#5, %scan3A_345 = %scan3A_257#6, %scan3A_346 = %scan3A_257#7) -> (vector<16xf32>, vector<16xf32>, vector<16xf32>, vector<16xf32>, vector<16xf32>, vector<16xf32>, vector<16xf32>, vector<16xf32>)  : i32 {
      %mul3A_347 = arith.constant 4 : i32
      %mul3A_348 = arith.muli %scan3A_338, %mul3A_347 : i32
      %add3A_349 = arith.constant 0 : i32
      %add3A_350 = arith.addi %mul3A_348, %add3A_349 : i32
      %get3A = arith.index_cast %add3A_350 : i32 to index
      %get3A_351 = arith.constant 0 : index
      %get3A_352 = tpu.vector_load %arg9[%get3A, %get3A_351] {strides = array<i32>} : memref<128x128xf32, #tpu.memory_space<vmem>>, vector<16xf32>,
      %mul3A_353 = arith.mulf %get3A_352, %get3A_352 : vector<16xf32>
      %add3A_354 = arith.addf %scan3A_339, %mul3A_353 : vector<16xf32>
      %mul3A_355 = arith.constant 4 : i32
      %mul3A_356 = arith.muli %scan3A_338, %mul3A_355 : i32
      %add3A_357 = arith.constant 0 : i32
      %add3A_358 = arith.addi %mul3A_356, %add3A_357 : i32
      %get3A_359 = arith.index_cast %add3A_358 : i32 to index
      %get3A_360 = arith.constant 16 : index
      %get3A_361 = tpu.vector_load %arg9[%get3A_359, %get3A_360] {strides = array<i32>} : memref<128x128xf32, #tpu.memory_space<vmem>>, vector<16xf32>,
      %mul3A_362 = arith.mulf %get3A_361, %get3A_361 : vector<16xf32>
      %add3A_363 = arith.addf %scan3A_340, %mul3A_362 : vector<16xf32>
      %mul3A_364 = arith.constant 4 : i32
      %mul3A_365 = arith.muli %scan3A_338, %mul3A_364 : i32
      %add3A_366 = arith.constant 0 : i32
      %add3A_367 = arith.addi %mul3A_365, %add3A_366 : i32
      %get3A_368 = arith.index_cast %add3A_367 : i32 to index
      %get3A_369 = arith.constant 32 : index
      %get3A_370 = tpu.vector_load %arg9[%get3A_368, %get3A_369] {strides = array<i32>} : memref<128x128xf32, #tpu.memory_space<vmem>>, vector<16xf32>,
      %mul3A_371 = arith.mulf %get3A_370, %get3A_370 : vector<16xf32>
      %add3A_372 = arith.addf %scan3A_341, %mul3A_371 : vector<16xf32>
      %mul3A_373 = arith.constant 4 : i32
      %mul3A_374 = arith.muli %scan3A_338, %mul3A_373 : i32
      %add3A_375 = arith.constant 0 : i32
      %add3A_376 = arith.addi %mul3A_374, %add3A_375 : i32
      %get3A_377 = arith.index_cast %add3A_376 : i32 to index
      %get3A_378 = arith.constant 48 : index
      %get3A_379 = tpu.vector_load %arg9[%get3A_377, %get3A_378] {strides = array<i32>} : memref<128x128xf32, #tpu.memory_space<vmem>>, vector<16xf32>,
      %mul3A_380 = arith.mulf %get3A_379, %get3A_379 : vector<16xf32>
      %add3A_381 = arith.addf %scan3A_342, %mul3A_380 : vector<16xf32>
      %mul3A_382 = arith.constant 4 : i32
      %mul3A_383 = arith.muli %scan3A_338, %mul3A_382 : i32
      %add3A_384 = arith.constant 0 : i32
      %add3A_385 = arith.addi %mul3A_383, %add3A_384 : i32
      %get3A_386 = arith.index_cast %add3A_385 : i32 to index
      %get3A_387 = arith.constant 64 : index
      %get3A_388 = tpu.vector_load %arg9[%get3A_386, %get3A_387] {strides = array<i32>} : memref<128x128xf32, #tpu.memory_space<vmem>>, vector<16xf32>,
      %mul3A_389 = arith.mulf %get3A_388, %get3A_388 : vector<16xf32>
      %add3A_390 = arith.addf %scan3A_343, %mul3A_389 : vector<16xf32>
      %mul3A_391 = arith.constant 4 : i32
      %mul3A_392 = arith.muli %scan3A_338, %mul3A_391 : i32
      %add3A_393 = arith.constant 0 : i32
      %add3A_394 = arith.addi %mul3A_392, %add3A_393 : i32
      %get3A_395 = arith.index_cast %add3A_394 : i32 to index
      %get3A_396 = arith.constant 80 : index
      %get3A_397 = tpu.vector_load %arg9[%get3A_395, %get3A_396] {strides = array<i32>} : memref<128x128xf32, #tpu.memory_space<vmem>>, vector<16xf32>,
      %mul3A_398 = arith.mulf %get3A_397, %get3A_397 : vector<16xf32>
      %add3A_399 = arith.addf %scan3A_344, %mul3A_398 : vector<16xf32>
      %mul3A_400 = arith.constant 4 : i32
      %mul3A_401 = arith.muli %scan3A_338, %mul3A_400 : i32
      %add3A_402 = arith.constant 0 : i32
      %add3A_403 = arith.addi %mul3A_401, %add3A_402 : i32
      %get3A_404 = arith.index_cast %add3A_403 : i32 to index
      %get3A_405 = arith.constant 96 : index
      %get3A_406 = tpu.vector_load %arg9[%get3A_404, %get3A_405] {strides = array<i32>} : memref<128x128xf32, #tpu.memory_space<vmem>>, vector<16xf32>,
      %mul3A_407 = arith.mulf %get3A_406, %get3A_406 : vector<16xf32>
      %add3A_408 = arith.addf %scan3A_345, %mul3A_407 : vector<16xf32>
      %mul3A_409 = arith.constant 4 : i32
      %mul3A_410 = arith.muli %scan3A_338, %mul3A_409 : i32
      %add3A_411 = arith.constant 0 : i32
      %add3A_412 = arith.addi %mul3A_410, %add3A_411 : i32
      %get3A_413 = arith.index_cast %add3A_412 : i32 to index
      %get3A_414 = arith.constant 112 : index
      %get3A_415 = tpu.vector_load %arg9[%get3A_413, %get3A_414] {strides = array<i32>} : memref<128x128xf32, #tpu.memory_space<vmem>>, vector<16xf32>,
      %mul3A_416 = arith.mulf %get3A_415, %get3A_415 : vector<16xf32>
      %add3A_417 = arith.addf %scan3A_346, %mul3A_416 : vector<16xf32>
      %mul3A_418 = arith.constant 4 : i32
      %mul3A_419 = arith.muli %scan3A_338, %mul3A_418 : i32
      %add3A_420 = arith.constant 1 : i32
      %add3A_421 = arith.addi %mul3A_419, %add3A_420 : i32
      %get3A_422 = arith.index_cast %add3A_421 : i32 to index
      %get3A_423 = arith.constant 0 : index
      %get3A_424 = tpu.vector_load %arg9[%get3A_422, %get3A_423] {strides = array<i32>} : memref<128x128xf32, #tpu.memory_space<vmem>>, vector<16xf32>,
      %mul3A_425 = arith.mulf %get3A_424, %get3A_424 : vector<16xf32>
      %add3A_426 = arith.addf %add3A_354, %mul3A_425 : vector<16xf32>
      %mul3A_427 = arith.constant 4 : i32
      %mul3A_428 = arith.muli %scan3A_338, %mul3A_427 : i32
      %add3A_429 = arith.constant 1 : i32
      %add3A_430 = arith.addi %mul3A_428, %add3A_429 : i32
      %get3A_431 = arith.index_cast %add3A_430 : i32 to index
      %get3A_432 = arith.constant 16 : index
      %get3A_433 = tpu.vector_load %arg9[%get3A_431, %get3A_432] {strides = array<i32>} : memref<128x128xf32, #tpu.memory_space<vmem>>, vector<16xf32>,
      %mul3A_434 = arith.mulf %get3A_433, %get3A_433 : vector<16xf32>
      %add3A_435 = arith.addf %add3A_363, %mul3A_434 : vector<16xf32>
      %mul3A_436 = arith.constant 4 : i32
      %mul3A_437 = arith.muli %scan3A_338, %mul3A_436 : i32
      %add3A_438 = arith.constant 1 : i32
      %add3A_439 = arith.addi %mul3A_437, %add3A_438 : i32
      %get3A_440 = arith.index_cast %add3A_439 : i32 to index
      %get3A_441 = arith.constant 32 : index
      %get3A_442 = tpu.vector_load %arg9[%get3A_440, %get3A_441] {strides = array<i32>} : memref<128x128xf32, #tpu.memory_space<vmem>>, vector<16xf32>,
      %mul3A_443 = arith.mulf %get3A_442, %get3A_442 : vector<16xf32>
      %add3A_444 = arith.addf %add3A_372, %mul3A_443 : vector<16xf32>
      %mul3A_445 = arith.constant 4 : i32
      %mul3A_446 = arith.muli %scan3A_338, %mul3A_445 : i32
      %add3A_447 = arith.constant 1 : i32
      %add3A_448 = arith.addi %mul3A_446, %add3A_447 : i32
      %get3A_449 = arith.index_cast %add3A_448 : i32 to index
      %get3A_450 = arith.constant 48 : index
      %get3A_451 = tpu.vector_load %arg9[%get3A_449, %get3A_450] {strides = array<i32>} : memref<128x128xf32, #tpu.memory_space<vmem>>, vector<16xf32>,
      %mul3A_452 = arith.mulf %get3A_451, %get3A_451 : vector<16xf32>
      %add3A_453 = arith.addf %add3A_381, %mul3A_452 : vector<16xf32>
      %mul3A_454 = arith.constant 4 : i32
      %mul3A_455 = arith.muli %scan3A_338, %mul3A_454 : i32
      %add3A_456 = arith.constant 1 : i32
      %add3A_457 = arith.addi %mul3A_455, %add3A_456 : i32
      %get3A_458 = arith.index_cast %add3A_457 : i32 to index
      %get3A_459 = arith.constant 64 : index
      %get3A_460 = tpu.vector_load %arg9[%get3A_458, %get3A_459] {strides = array<i32>} : memref<128x128xf32, #tpu.memory_space<vmem>>, vector<16xf32>,
      %mul3A_461 = arith.mulf %get3A_460, %get3A_460 : vector<16xf32>
      %add3A_462 = arith.addf %add3A_390, %mul3A_461 : vector<16xf32>
      %mul3A_463 = arith.constant 4 : i32
      %mul3A_464 = arith.muli %scan3A_338, %mul3A_463 : i32
      %add3A_465 = arith.constant 1 : i32
      %add3A_466 = arith.addi %mul3A_464, %add3A_465 : i32
      %get3A_467 = arith.index_cast %add3A_466 : i32 to index
      %get3A_468 = arith.constant 80 : index
      %get3A_469 = tpu.vector_load %arg9[%get3A_467, %get3A_468] {strides = array<i32>} : memref<128x128xf32, #tpu.memory_space<vmem>>, vector<16xf32>,
      %mul3A_470 = arith.mulf %get3A_469, %get3A_469 : vector<16xf32>
      %add3A_471 = arith.addf %add3A_399, %mul3A_470 : vector<16xf32>
      %mul3A_472 = arith.constant 4 : i32
      %mul3A_473 = arith.muli %scan3A_338, %mul3A_472 : i32
      %add3A_474 = arith.constant 1 : i32
      %add3A_475 = arith.addi %mul3A_473, %add3A_474 : i32
      %get3A_476 = arith.index_cast %add3A_475 : i32 to index
      %get3A_477 = arith.constant 96 : index
      %get3A_478 = tpu.vector_load %arg9[%get3A_476, %get3A_477] {strides = array<i32>} : memref<128x128xf32, #tpu.memory_space<vmem>>, vector<16xf32>,
      %mul3A_479 = arith.mulf %get3A_478, %get3A_478 : vector<16xf32>
      %add3A_480 = arith.addf %add3A_408, %mul3A_479 : vector<16xf32>
      %mul3A_481 = arith.constant 4 : i32
      %mul3A_482 = arith.muli %scan3A_338, %mul3A_481 : i32
      %add3A_483 = arith.constant 1 : i32
      %add3A_484 = arith.addi %mul3A_482, %add3A_483 : i32
      %get3A_485 = arith.index_cast %add3A_484 : i32 to index
      %get3A_486 = arith.constant 112 : index
      %get3A_487 = tpu.vector_load %arg9[%get3A_485, %get3A_486] {strides = array<i32>} : memref<128x128xf32, #tpu.memory_space<vmem>>, vector<16xf32>,
      %mul3A_488 = arith.mulf %get3A_487, %get3A_487 : vector<16xf32>
      %add3A_489 = arith.addf %add3A_417, %mul3A_488 : vector<16xf32>
      %mul3A_490 = arith.constant 4 : i32
      %mul3A_491 = arith.muli %scan3A_338, %mul3A_490 : i32
      %add3A_492 = arith.constant 2 : i32
      %add3A_493 = arith.addi %mul3A_491, %add3A_492 : i32
      %get3A_494 = arith.index_cast %add3A_493 : i32 to index
      %get3A_495 = arith.constant 0 : index
      %get3A_496 = tpu.vector_load %arg9[%get3A_494, %get3A_495] {strides = array<i32>} : memref<128x128xf32, #tpu.memory_space<vmem>>, vector<16xf32>,
      %mul3A_497 = arith.mulf %get3A_496, %get3A_496 : vector<16xf32>
      %add3A_498 = arith.addf %add3A_426, %mul3A_497 : vector<16xf32>
      %mul3A_499 = arith.constant 4 : i32
      %mul3A_500 = arith.muli %scan3A_338, %mul3A_499 : i32
      %add3A_501 = arith.constant 2 : i32
      %add3A_502 = arith.addi %mul3A_500, %add3A_501 : i32
      %get3A_503 = arith.index_cast %add3A_502 : i32 to index
      %get3A_504 = arith.constant 16 : index
      %get3A_505 = tpu.vector_load %arg9[%get3A_503, %get3A_504] {strides = array<i32>} : memref<128x128xf32, #tpu.memory_space<vmem>>, vector<16xf32>,
      %mul3A_506 = arith.mulf %get3A_505, %get3A_505 : vector<16xf32>
      %add3A_507 = arith.addf %add3A_435, %mul3A_506 : vector<16xf32>
      %mul3A_508 = arith.constant 4 : i32
      %mul3A_509 = arith.muli %scan3A_338, %mul3A_508 : i32
      %add3A_510 = arith.constant 2 : i32
      %add3A_511 = arith.addi %mul3A_509, %add3A_510 : i32
      %get3A_512 = arith.index_cast %add3A_511 : i32 to index
      %get3A_513 = arith.constant 32 : index
      %get3A_514 = tpu.vector_load %arg9[%get3A_512, %get3A_513] {strides = array<i32>} : memref<128x128xf32, #tpu.memory_space<vmem>>, vector<16xf32>,
      %mul3A_515 = arith.mulf %get3A_514, %get3A_514 : vector<16xf32>
      %add3A_516 = arith.addf %add3A_444, %mul3A_515 : vector<16xf32>
      %mul3A_517 = arith.constant 4 : i32
      %mul3A_518 = arith.muli %scan3A_338, %mul3A_517 : i32
      %add3A_519 = arith.constant 2 : i32
      %add3A_520 = arith.addi %mul3A_518, %add3A_519 : i32
      %get3A_521 = arith.index_cast %add3A_520 : i32 to index
      %get3A_522 = arith.constant 48 : index
      %get3A_523 = tpu.vector_load %arg9[%get3A_521, %get3A_522] {strides = array<i32>} : memref<128x128xf32, #tpu.memory_space<vmem>>, vector<16xf32>,
      %mul3A_524 = arith.mulf %get3A_523, %get3A_523 : vector<16xf32>
      %add3A_525 = arith.addf %add3A_453, %mul3A_524 : vector<16xf32>
      %mul3A_526 = arith.constant 4 : i32
      %mul3A_527 = arith.muli %scan3A_338, %mul3A_526 : i32
      %add3A_528 = arith.constant 2 : i32
      %add3A_529 = arith.addi %mul3A_527, %add3A_528 : i32
      %get3A_530 = arith.index_cast %add3A_529 : i32 to index
      %get3A_531 = arith.constant 64 : index
      %get3A_532 = tpu.vector_load %arg9[%get3A_530, %get3A_531] {strides = array<i32>} : memref<128x128xf32, #tpu.memory_space<vmem>>, vector<16xf32>,
      %mul3A_533 = arith.mulf %get3A_532, %get3A_532 : vector<16xf32>
      %add3A_534 = arith.addf %add3A_462, %mul3A_533 : vector<16xf32>
      %mul3A_535 = arith.constant 4 : i32
      %mul3A_536 = arith.muli %scan3A_338, %mul3A_535 : i32
      %add3A_537 = arith.constant 2 : i32
      %add3A_538 = arith.addi %mul3A_536, %add3A_537 : i32
      %get3A_539 = arith.index_cast %add3A_538 : i32 to index
      %get3A_540 = arith.constant 80 : index
      %get3A_541 = tpu.vector_load %arg9[%get3A_539, %get3A_540] {strides = array<i32>} : memref<128x128xf32, #tpu.memory_space<vmem>>, vector<16xf32>,
      %mul3A_542 = arith.mulf %get3A_541, %get3A_541 : vector<16xf32>
      %add3A_543 = arith.addf %add3A_471, %mul3A_542 : vector<16xf32>
      %mul3A_544 = arith.constant 4 : i32
      %mul3A_545 = arith.muli %scan3A_338, %mul3A_544 : i32
      %add3A_546 = arith.constant 2 : i32
      %add3A_547 = arith.addi %mul3A_545, %add3A_546 : i32
      %get3A_548 = arith.index_cast %add3A_547 : i32 to index
      %get3A_549 = arith.constant 96 : index
      %get3A_550 = tpu.vector_load %arg9[%get3A_548, %get3A_549] {strides = array<i32>} : memref<128x128xf32, #tpu.memory_space<vmem>>, vector<16xf32>,
      %mul3A_551 = arith.mulf %get3A_550, %get3A_550 : vector<16xf32>
      %add3A_552 = arith.addf %add3A_480, %mul3A_551 : vector<16xf32>
      %mul3A_553 = arith.constant 4 : i32
      %mul3A_554 = arith.muli %scan3A_338, %mul3A_553 : i32
      %add3A_555 = arith.constant 2 : i32
      %add3A_556 = arith.addi %mul3A_554, %add3A_555 : i32
      %get3A_557 = arith.index_cast %add3A_556 : i32 to index
      %get3A_558 = arith.constant 112 : index
      %get3A_559 = tpu.vector_load %arg9[%get3A_557, %get3A_558] {strides = array<i32>} : memref<128x128xf32, #tpu.memory_space<vmem>>, vector<16xf32>,
      %mul3A_560 = arith.mulf %get3A_559, %get3A_559 : vector<16xf32>
      %add3A_561 = arith.addf %add3A_489, %mul3A_560 : vector<16xf32>
      %mul3A_562 = arith.constant 4 : i32
      %mul3A_563 = arith.muli %scan3A_338, %mul3A_562 : i32
      %add3A_564 = arith.constant 3 : i32
      %add3A_565 = arith.addi %mul3A_563, %add3A_564 : i32
      %get3A_566 = arith.index_cast %add3A_565 : i32 to index
      %get3A_567 = arith.constant 0 : index
      %get3A_568 = tpu.vector_load %arg9[%get3A_566, %get3A_567] {strides = array<i32>} : memref<128x128xf32, #tpu.memory_space<vmem>>, vector<16xf32>,
      %mul3A_569 = arith.mulf %get3A_568, %get3A_568 : vector<16xf32>
      %add3A_570 = arith.addf %add3A_498, %mul3A_569 : vector<16xf32>
      %mul3A_571 = arith.constant 4 : i32
      %mul3A_572 = arith.muli %scan3A_338, %mul3A_571 : i32
      %add3A_573 = arith.constant 3 : i32
      %add3A_574 = arith.addi %mul3A_572, %add3A_573 : i32
      %get3A_575 = arith.index_cast %add3A_574 : i32 to index
      %get3A_576 = arith.constant 16 : index
      %get3A_577 = tpu.vector_load %arg9[%get3A_575, %get3A_576] {strides = array<i32>} : memref<128x128xf32, #tpu.memory_space<vmem>>, vector<16xf32>,
      %mul3A_578 = arith.mulf %get3A_577, %get3A_577 : vector<16xf32>
      %add3A_579 = arith.addf %add3A_507, %mul3A_578 : vector<16xf32>
      %mul3A_580 = arith.constant 4 : i32
      %mul3A_581 = arith.muli %scan3A_338, %mul3A_580 : i32
      %add3A_582 = arith.constant 3 : i32
      %add3A_583 = arith.addi %mul3A_581, %add3A_582 : i32
      %get3A_584 = arith.index_cast %add3A_583 : i32 to index
      %get3A_585 = arith.constant 32 : index
      %get3A_586 = tpu.vector_load %arg9[%get3A_584, %get3A_585] {strides = array<i32>} : memref<128x128xf32, #tpu.memory_space<vmem>>, vector<16xf32>,
      %mul3A_587 = arith.mulf %get3A_586, %get3A_586 : vector<16xf32>
      %add3A_588 = arith.addf %add3A_516, %mul3A_587 : vector<16xf32>
      %mul3A_589 = arith.constant 4 : i32
      %mul3A_590 = arith.muli %scan3A_338, %mul3A_589 : i32
      %add3A_591 = arith.constant 3 : i32
      %add3A_592 = arith.addi %mul3A_590, %add3A_591 : i32
      %get3A_593 = arith.index_cast %add3A_592 : i32 to index
      %get3A_594 = arith.constant 48 : index
      %get3A_595 = tpu.vector_load %arg9[%get3A_593, %get3A_594] {strides = array<i32>} : memref<128x128xf32, #tpu.memory_space<vmem>>, vector<16xf32>,
      %mul3A_596 = arith.mulf %get3A_595, %get3A_595 : vector<16xf32>
      %add3A_597 = arith.addf %add3A_525, %mul3A_596 : vector<16xf32>
      %mul3A_598 = arith.constant 4 : i32
      %mul3A_599 = arith.muli %scan3A_338, %mul3A_598 : i32
      %add3A_600 = arith.constant 3 : i32
      %add3A_601 = arith.addi %mul3A_599, %add3A_600 : i32
      %get3A_602 = arith.index_cast %add3A_601 : i32 to index
      %get3A_603 = arith.constant 64 : index
      %get3A_604 = tpu.vector_load %arg9[%get3A_602, %get3A_603] {strides = array<i32>} : memref<128x128xf32, #tpu.memory_space<vmem>>, vector<16xf32>,
      %mul3A_605 = arith.mulf %get3A_604, %get3A_604 : vector<16xf32>
      %add3A_606 = arith.addf %add3A_534, %mul3A_605 : vector<16xf32>
      %mul3A_607 = arith.constant 4 : i32
      %mul3A_608 = arith.muli %scan3A_338, %mul3A_607 : i32
      %add3A_609 = arith.constant 3 : i32
      %add3A_610 = arith.addi %mul3A_608, %add3A_609 : i32
      %get3A_611 = arith.index_cast %add3A_610 : i32 to index
      %get3A_612 = arith.constant 80 : index
      %get3A_613 = tpu.vector_load %arg9[%get3A_611, %get3A_612] {strides = array<i32>} : memref<128x128xf32, #tpu.memory_space<vmem>>, vector<16xf32>,
      %mul3A_614 = arith.mulf %get3A_613, %get3A_613 : vector<16xf32>
      %add3A_615 = arith.addf %add3A_543, %mul3A_614 : vector<16xf32>
      %mul3A_616 = arith.constant 4 : i32
      %mul3A_617 = arith.muli %scan3A_338, %mul3A_616 : i32
      %add3A_618 = arith.constant 3 : i32
      %add3A_619 = arith.addi %mul3A_617, %add3A_618 : i32
      %get3A_620 = arith.index_cast %add3A_619 : i32 to index
      %get3A_621 = arith.constant 96 : index
      %get3A_622 = tpu.vector_load %arg9[%get3A_620, %get3A_621] {strides = array<i32>} : memref<128x128xf32, #tpu.memory_space<vmem>>, vector<16xf32>,
      %mul3A_623 = arith.mulf %get3A_622, %get3A_622 : vector<16xf32>
      %add3A_624 = arith.addf %add3A_552, %mul3A_623 : vector<16xf32>
      %mul3A_625 = arith.constant 4 : i32
      %mul3A_626 = arith.muli %scan3A_338, %mul3A_625 : i32
      %add3A_627 = arith.constant 3 : i32
      %add3A_628 = arith.addi %mul3A_626, %add3A_627 : i32
      %get3A_629 = arith.index_cast %add3A_628 : i32 to index
      %get3A_630 = arith.constant 112 : index
      %get3A_631 = tpu.vector_load %arg9[%get3A_629, %get3A_630] {strides = array<i32>} : memref<128x128xf32, #tpu.memory_space<vmem>>, vector<16xf32>,
      %mul3A_632 = arith.mulf %get3A_631, %get3A_631 : vector<16xf32>
      %add3A_633 = arith.addf %add3A_561, %mul3A_632 : vector<16xf32>
      scf.yield %add3A_570, %add3A_579, %add3A_588, %add3A_597, %add3A_606, %add3A_615, %add3A_624, %add3A_633 : vector<16xf32>, vector<16xf32>, vector<16xf32>, vector<16xf32>, vector<16xf32>, vector<16xf32>, vector<16xf32>, vector<16xf32>
    }
    %scan3A_275 = arith.constant 32 : i32
    %dma_wait3A_276 = arith.constant 0 : i32
    %dma_wait3A_277 = tpu.memref_slice %arg2[%add3A_33, %dma_wait3A_276] : memref<16384x128xf32, #tpu.memory_space<hbm>> -> memref<128x128xf32, #tpu.memory_space<hbm>>
    %dma_wait3A_278 = arith.constant 0 : i32
    %dma_wait3A_279 = tpu.memref_slice %arg2[%add3A_33, %dma_wait3A_278] : memref<16384x128xf32, #tpu.memory_space<hbm>> -> memref<128x128xf32, #tpu.memory_space<hbm>>
    tpu.wait_dma2 semaphore(%arg22 : memref<!tpu.dma_semaphore, #tpu.memory_space<semaphore_mem>>) src(%dma_wait3A_279 : memref<128x128xf32, #tpu.memory_space<hbm>>) dst(%arg10 : memref<128x128xf32, #tpu.memory_space<vmem>>)
    %dma_start3A_280 = arith.constant 3 : i32
    %dma_start3A_281 = arith.constant 0 : i32
    %dma_start3A_282 = tpu.memref_slice %arg6[%dma_start3A_280, %dma_start3A_281] : memref<4x128xi32, #tpu.memory_space<vmem>> -> memref<1x128xi32, #tpu.memory_space<vmem>>
    %dma_start3A_283 = tpu.memref_squeeze %dma_start3A_282 : memref<1x128xi32, #tpu.memory_space<vmem>> -> memref<128xi32, #tpu.memory_space<vmem>>
    %dma_start3A_284 = arith.constant 0 : i32
    %dma_start3A_285 = arith.constant 0 : i32
    %dma_start3A_286 = tpu.memref_slice %arg17[%dma_start3A_284, %dma_start3A_285] : memref<1024x128xf32, #tpu.memory_space<vmem_shared>> -> memref<1024x128xf32, #tpu.memory_space<vmem_shared>>
    tpu.enqueue_indirect_dma source(%arg10 : memref<128x128xf32, #tpu.memory_space<vmem>>) target(%dma_start3A_286 : memref<1024x128xf32, #tpu.memory_space<vmem_shared>>) offsets(%dma_start3A_283 : memref<128xi32, #tpu.memory_space<vmem>>) semaphore(%arg26 : memref<!tpu.dma_semaphore, #tpu.memory_space<semaphore_mem>>) {add = true}
    %scan3A_287 = arith.constant 0 : i32
    %scan3A_288 = arith.constant 32 : i32
    %scan3A_289 = arith.addi %scan3A_287, %scan3A_288 : i32
    %scan3A_290 = arith.constant 1 : i32
    %scan3A_291:8 = scf.for %scan3A_338 = %scan3A_287 to %scan3A_289 step %scan3A_290 iter_args(%scan3A_339 = %scan3A_274#0, %scan3A_340 = %scan3A_274#1, %scan3A_341 = %scan3A_274#2, %scan3A_342 = %scan3A_274#3, %scan3A_343 = %scan3A_274#4, %scan3A_344 = %scan3A_274#5, %scan3A_345 = %scan3A_274#6, %scan3A_346 = %scan3A_274#7) -> (vector<16xf32>, vector<16xf32>, vector<16xf32>, vector<16xf32>, vector<16xf32>, vector<16xf32>, vector<16xf32>, vector<16xf32>)  : i32 {
      %mul3A_347 = arith.constant 4 : i32
      %mul3A_348 = arith.muli %scan3A_338, %mul3A_347 : i32
      %add3A_349 = arith.constant 0 : i32
      %add3A_350 = arith.addi %mul3A_348, %add3A_349 : i32
      %get3A = arith.index_cast %add3A_350 : i32 to index
      %get3A_351 = arith.constant 0 : index
      %get3A_352 = tpu.vector_load %arg10[%get3A, %get3A_351] {strides = array<i32>} : memref<128x128xf32, #tpu.memory_space<vmem>>, vector<16xf32>,
      %mul3A_353 = arith.mulf %get3A_352, %get3A_352 : vector<16xf32>
      %add3A_354 = arith.addf %scan3A_339, %mul3A_353 : vector<16xf32>
      %mul3A_355 = arith.constant 4 : i32
      %mul3A_356 = arith.muli %scan3A_338, %mul3A_355 : i32
      %add3A_357 = arith.constant 0 : i32
      %add3A_358 = arith.addi %mul3A_356, %add3A_357 : i32
      %get3A_359 = arith.index_cast %add3A_358 : i32 to index
      %get3A_360 = arith.constant 16 : index
      %get3A_361 = tpu.vector_load %arg10[%get3A_359, %get3A_360] {strides = array<i32>} : memref<128x128xf32, #tpu.memory_space<vmem>>, vector<16xf32>,
      %mul3A_362 = arith.mulf %get3A_361, %get3A_361 : vector<16xf32>
      %add3A_363 = arith.addf %scan3A_340, %mul3A_362 : vector<16xf32>
      %mul3A_364 = arith.constant 4 : i32
      %mul3A_365 = arith.muli %scan3A_338, %mul3A_364 : i32
      %add3A_366 = arith.constant 0 : i32
      %add3A_367 = arith.addi %mul3A_365, %add3A_366 : i32
      %get3A_368 = arith.index_cast %add3A_367 : i32 to index
      %get3A_369 = arith.constant 32 : index
      %get3A_370 = tpu.vector_load %arg10[%get3A_368, %get3A_369] {strides = array<i32>} : memref<128x128xf32, #tpu.memory_space<vmem>>, vector<16xf32>,
      %mul3A_371 = arith.mulf %get3A_370, %get3A_370 : vector<16xf32>
      %add3A_372 = arith.addf %scan3A_341, %mul3A_371 : vector<16xf32>
      %mul3A_373 = arith.constant 4 : i32
      %mul3A_374 = arith.muli %scan3A_338, %mul3A_373 : i32
      %add3A_375 = arith.constant 0 : i32
      %add3A_376 = arith.addi %mul3A_374, %add3A_375 : i32
      %get3A_377 = arith.index_cast %add3A_376 : i32 to index
      %get3A_378 = arith.constant 48 : index
      %get3A_379 = tpu.vector_load %arg10[%get3A_377, %get3A_378] {strides = array<i32>} : memref<128x128xf32, #tpu.memory_space<vmem>>, vector<16xf32>,
      %mul3A_380 = arith.mulf %get3A_379, %get3A_379 : vector<16xf32>
      %add3A_381 = arith.addf %scan3A_342, %mul3A_380 : vector<16xf32>
      %mul3A_382 = arith.constant 4 : i32
      %mul3A_383 = arith.muli %scan3A_338, %mul3A_382 : i32
      %add3A_384 = arith.constant 0 : i32
      %add3A_385 = arith.addi %mul3A_383, %add3A_384 : i32
      %get3A_386 = arith.index_cast %add3A_385 : i32 to index
      %get3A_387 = arith.constant 64 : index
      %get3A_388 = tpu.vector_load %arg10[%get3A_386, %get3A_387] {strides = array<i32>} : memref<128x128xf32, #tpu.memory_space<vmem>>, vector<16xf32>,
      %mul3A_389 = arith.mulf %get3A_388, %get3A_388 : vector<16xf32>
      %add3A_390 = arith.addf %scan3A_343, %mul3A_389 : vector<16xf32>
      %mul3A_391 = arith.constant 4 : i32
      %mul3A_392 = arith.muli %scan3A_338, %mul3A_391 : i32
      %add3A_393 = arith.constant 0 : i32
      %add3A_394 = arith.addi %mul3A_392, %add3A_393 : i32
      %get3A_395 = arith.index_cast %add3A_394 : i32 to index
      %get3A_396 = arith.constant 80 : index
      %get3A_397 = tpu.vector_load %arg10[%get3A_395, %get3A_396] {strides = array<i32>} : memref<128x128xf32, #tpu.memory_space<vmem>>, vector<16xf32>,
      %mul3A_398 = arith.mulf %get3A_397, %get3A_397 : vector<16xf32>
      %add3A_399 = arith.addf %scan3A_344, %mul3A_398 : vector<16xf32>
      %mul3A_400 = arith.constant 4 : i32
      %mul3A_401 = arith.muli %scan3A_338, %mul3A_400 : i32
      %add3A_402 = arith.constant 0 : i32
      %add3A_403 = arith.addi %mul3A_401, %add3A_402 : i32
      %get3A_404 = arith.index_cast %add3A_403 : i32 to index
      %get3A_405 = arith.constant 96 : index
      %get3A_406 = tpu.vector_load %arg10[%get3A_404, %get3A_405] {strides = array<i32>} : memref<128x128xf32, #tpu.memory_space<vmem>>, vector<16xf32>,
      %mul3A_407 = arith.mulf %get3A_406, %get3A_406 : vector<16xf32>
      %add3A_408 = arith.addf %scan3A_345, %mul3A_407 : vector<16xf32>
      %mul3A_409 = arith.constant 4 : i32
      %mul3A_410 = arith.muli %scan3A_338, %mul3A_409 : i32
      %add3A_411 = arith.constant 0 : i32
      %add3A_412 = arith.addi %mul3A_410, %add3A_411 : i32
      %get3A_413 = arith.index_cast %add3A_412 : i32 to index
      %get3A_414 = arith.constant 112 : index
      %get3A_415 = tpu.vector_load %arg10[%get3A_413, %get3A_414] {strides = array<i32>} : memref<128x128xf32, #tpu.memory_space<vmem>>, vector<16xf32>,
      %mul3A_416 = arith.mulf %get3A_415, %get3A_415 : vector<16xf32>
      %add3A_417 = arith.addf %scan3A_346, %mul3A_416 : vector<16xf32>
      %mul3A_418 = arith.constant 4 : i32
      %mul3A_419 = arith.muli %scan3A_338, %mul3A_418 : i32
      %add3A_420 = arith.constant 1 : i32
      %add3A_421 = arith.addi %mul3A_419, %add3A_420 : i32
      %get3A_422 = arith.index_cast %add3A_421 : i32 to index
      %get3A_423 = arith.constant 0 : index
      %get3A_424 = tpu.vector_load %arg10[%get3A_422, %get3A_423] {strides = array<i32>} : memref<128x128xf32, #tpu.memory_space<vmem>>, vector<16xf32>,
      %mul3A_425 = arith.mulf %get3A_424, %get3A_424 : vector<16xf32>
      %add3A_426 = arith.addf %add3A_354, %mul3A_425 : vector<16xf32>
      %mul3A_427 = arith.constant 4 : i32
      %mul3A_428 = arith.muli %scan3A_338, %mul3A_427 : i32
      %add3A_429 = arith.constant 1 : i32
      %add3A_430 = arith.addi %mul3A_428, %add3A_429 : i32
      %get3A_431 = arith.index_cast %add3A_430 : i32 to index
      %get3A_432 = arith.constant 16 : index
      %get3A_433 = tpu.vector_load %arg10[%get3A_431, %get3A_432] {strides = array<i32>} : memref<128x128xf32, #tpu.memory_space<vmem>>, vector<16xf32>,
      %mul3A_434 = arith.mulf %get3A_433, %get3A_433 : vector<16xf32>
      %add3A_435 = arith.addf %add3A_363, %mul3A_434 : vector<16xf32>
      %mul3A_436 = arith.constant 4 : i32
      %mul3A_437 = arith.muli %scan3A_338, %mul3A_436 : i32
      %add3A_438 = arith.constant 1 : i32
      %add3A_439 = arith.addi %mul3A_437, %add3A_438 : i32
      %get3A_440 = arith.index_cast %add3A_439 : i32 to index
      %get3A_441 = arith.constant 32 : index
      %get3A_442 = tpu.vector_load %arg10[%get3A_440, %get3A_441] {strides = array<i32>} : memref<128x128xf32, #tpu.memory_space<vmem>>, vector<16xf32>,
      %mul3A_443 = arith.mulf %get3A_442, %get3A_442 : vector<16xf32>
      %add3A_444 = arith.addf %add3A_372, %mul3A_443 : vector<16xf32>
      %mul3A_445 = arith.constant 4 : i32
      %mul3A_446 = arith.muli %scan3A_338, %mul3A_445 : i32
      %add3A_447 = arith.constant 1 : i32
      %add3A_448 = arith.addi %mul3A_446, %add3A_447 : i32
      %get3A_449 = arith.index_cast %add3A_448 : i32 to index
      %get3A_450 = arith.constant 48 : index
      %get3A_451 = tpu.vector_load %arg10[%get3A_449, %get3A_450] {strides = array<i32>} : memref<128x128xf32, #tpu.memory_space<vmem>>, vector<16xf32>,
      %mul3A_452 = arith.mulf %get3A_451, %get3A_451 : vector<16xf32>
      %add3A_453 = arith.addf %add3A_381, %mul3A_452 : vector<16xf32>
      %mul3A_454 = arith.constant 4 : i32
      %mul3A_455 = arith.muli %scan3A_338, %mul3A_454 : i32
      %add3A_456 = arith.constant 1 : i32
      %add3A_457 = arith.addi %mul3A_455, %add3A_456 : i32
      %get3A_458 = arith.index_cast %add3A_457 : i32 to index
      %get3A_459 = arith.constant 64 : index
      %get3A_460 = tpu.vector_load %arg10[%get3A_458, %get3A_459] {strides = array<i32>} : memref<128x128xf32, #tpu.memory_space<vmem>>, vector<16xf32>,
      %mul3A_461 = arith.mulf %get3A_460, %get3A_460 : vector<16xf32>
      %add3A_462 = arith.addf %add3A_390, %mul3A_461 : vector<16xf32>
      %mul3A_463 = arith.constant 4 : i32
      %mul3A_464 = arith.muli %scan3A_338, %mul3A_463 : i32
      %add3A_465 = arith.constant 1 : i32
      %add3A_466 = arith.addi %mul3A_464, %add3A_465 : i32
      %get3A_467 = arith.index_cast %add3A_466 : i32 to index
      %get3A_468 = arith.constant 80 : index
      %get3A_469 = tpu.vector_load %arg10[%get3A_467, %get3A_468] {strides = array<i32>} : memref<128x128xf32, #tpu.memory_space<vmem>>, vector<16xf32>,
      %mul3A_470 = arith.mulf %get3A_469, %get3A_469 : vector<16xf32>
      %add3A_471 = arith.addf %add3A_399, %mul3A_470 : vector<16xf32>
      %mul3A_472 = arith.constant 4 : i32
      %mul3A_473 = arith.muli %scan3A_338, %mul3A_472 : i32
      %add3A_474 = arith.constant 1 : i32
      %add3A_475 = arith.addi %mul3A_473, %add3A_474 : i32
      %get3A_476 = arith.index_cast %add3A_475 : i32 to index
      %get3A_477 = arith.constant 96 : index
      %get3A_478 = tpu.vector_load %arg10[%get3A_476, %get3A_477] {strides = array<i32>} : memref<128x128xf32, #tpu.memory_space<vmem>>, vector<16xf32>,
      %mul3A_479 = arith.mulf %get3A_478, %get3A_478 : vector<16xf32>
      %add3A_480 = arith.addf %add3A_408, %mul3A_479 : vector<16xf32>
      %mul3A_481 = arith.constant 4 : i32
      %mul3A_482 = arith.muli %scan3A_338, %mul3A_481 : i32
      %add3A_483 = arith.constant 1 : i32
      %add3A_484 = arith.addi %mul3A_482, %add3A_483 : i32
      %get3A_485 = arith.index_cast %add3A_484 : i32 to index
      %get3A_486 = arith.constant 112 : index
      %get3A_487 = tpu.vector_load %arg10[%get3A_485, %get3A_486] {strides = array<i32>} : memref<128x128xf32, #tpu.memory_space<vmem>>, vector<16xf32>,
      %mul3A_488 = arith.mulf %get3A_487, %get3A_487 : vector<16xf32>
      %add3A_489 = arith.addf %add3A_417, %mul3A_488 : vector<16xf32>
      %mul3A_490 = arith.constant 4 : i32
      %mul3A_491 = arith.muli %scan3A_338, %mul3A_490 : i32
      %add3A_492 = arith.constant 2 : i32
      %add3A_493 = arith.addi %mul3A_491, %add3A_492 : i32
      %get3A_494 = arith.index_cast %add3A_493 : i32 to index
      %get3A_495 = arith.constant 0 : index
      %get3A_496 = tpu.vector_load %arg10[%get3A_494, %get3A_495] {strides = array<i32>} : memref<128x128xf32, #tpu.memory_space<vmem>>, vector<16xf32>,
      %mul3A_497 = arith.mulf %get3A_496, %get3A_496 : vector<16xf32>
      %add3A_498 = arith.addf %add3A_426, %mul3A_497 : vector<16xf32>
      %mul3A_499 = arith.constant 4 : i32
      %mul3A_500 = arith.muli %scan3A_338, %mul3A_499 : i32
      %add3A_501 = arith.constant 2 : i32
      %add3A_502 = arith.addi %mul3A_500, %add3A_501 : i32
      %get3A_503 = arith.index_cast %add3A_502 : i32 to index
      %get3A_504 = arith.constant 16 : index
      %get3A_505 = tpu.vector_load %arg10[%get3A_503, %get3A_504] {strides = array<i32>} : memref<128x128xf32, #tpu.memory_space<vmem>>, vector<16xf32>,
      %mul3A_506 = arith.mulf %get3A_505, %get3A_505 : vector<16xf32>
      %add3A_507 = arith.addf %add3A_435, %mul3A_506 : vector<16xf32>
      %mul3A_508 = arith.constant 4 : i32
      %mul3A_509 = arith.muli %scan3A_338, %mul3A_508 : i32
      %add3A_510 = arith.constant 2 : i32
      %add3A_511 = arith.addi %mul3A_509, %add3A_510 : i32
      %get3A_512 = arith.index_cast %add3A_511 : i32 to index
      %get3A_513 = arith.constant 32 : index
      %get3A_514 = tpu.vector_load %arg10[%get3A_512, %get3A_513] {strides = array<i32>} : memref<128x128xf32, #tpu.memory_space<vmem>>, vector<16xf32>,
      %mul3A_515 = arith.mulf %get3A_514, %get3A_514 : vector<16xf32>
      %add3A_516 = arith.addf %add3A_444, %mul3A_515 : vector<16xf32>
      %mul3A_517 = arith.constant 4 : i32
      %mul3A_518 = arith.muli %scan3A_338, %mul3A_517 : i32
      %add3A_519 = arith.constant 2 : i32
      %add3A_520 = arith.addi %mul3A_518, %add3A_519 : i32
      %get3A_521 = arith.index_cast %add3A_520 : i32 to index
      %get3A_522 = arith.constant 48 : index
      %get3A_523 = tpu.vector_load %arg10[%get3A_521, %get3A_522] {strides = array<i32>} : memref<128x128xf32, #tpu.memory_space<vmem>>, vector<16xf32>,
      %mul3A_524 = arith.mulf %get3A_523, %get3A_523 : vector<16xf32>
      %add3A_525 = arith.addf %add3A_453, %mul3A_524 : vector<16xf32>
      %mul3A_526 = arith.constant 4 : i32
      %mul3A_527 = arith.muli %scan3A_338, %mul3A_526 : i32
      %add3A_528 = arith.constant 2 : i32
      %add3A_529 = arith.addi %mul3A_527, %add3A_528 : i32
      %get3A_530 = arith.index_cast %add3A_529 : i32 to index
      %get3A_531 = arith.constant 64 : index
      %get3A_532 = tpu.vector_load %arg10[%get3A_530, %get3A_531] {strides = array<i32>} : memref<128x128xf32, #tpu.memory_space<vmem>>, vector<16xf32>,
      %mul3A_533 = arith.mulf %get3A_532, %get3A_532 : vector<16xf32>
      %add3A_534 = arith.addf %add3A_462, %mul3A_533 : vector<16xf32>
      %mul3A_535 = arith.constant 4 : i32
      %mul3A_536 = arith.muli %scan3A_338, %mul3A_535 : i32
      %add3A_537 = arith.constant 2 : i32
      %add3A_538 = arith.addi %mul3A_536, %add3A_537 : i32
      %get3A_539 = arith.index_cast %add3A_538 : i32 to index
      %get3A_540 = arith.constant 80 : index
      %get3A_541 = tpu.vector_load %arg10[%get3A_539, %get3A_540] {strides = array<i32>} : memref<128x128xf32, #tpu.memory_space<vmem>>, vector<16xf32>,
      %mul3A_542 = arith.mulf %get3A_541, %get3A_541 : vector<16xf32>
      %add3A_543 = arith.addf %add3A_471, %mul3A_542 : vector<16xf32>
      %mul3A_544 = arith.constant 4 : i32
      %mul3A_545 = arith.muli %scan3A_338, %mul3A_544 : i32
      %add3A_546 = arith.constant 2 : i32
      %add3A_547 = arith.addi %mul3A_545, %add3A_546 : i32
      %get3A_548 = arith.index_cast %add3A_547 : i32 to index
      %get3A_549 = arith.constant 96 : index
      %get3A_550 = tpu.vector_load %arg10[%get3A_548, %get3A_549] {strides = array<i32>} : memref<128x128xf32, #tpu.memory_space<vmem>>, vector<16xf32>,
      %mul3A_551 = arith.mulf %get3A_550, %get3A_550 : vector<16xf32>
      %add3A_552 = arith.addf %add3A_480, %mul3A_551 : vector<16xf32>
      %mul3A_553 = arith.constant 4 : i32
      %mul3A_554 = arith.muli %scan3A_338, %mul3A_553 : i32
      %add3A_555 = arith.constant 2 : i32
      %add3A_556 = arith.addi %mul3A_554, %add3A_555 : i32
      %get3A_557 = arith.index_cast %add3A_556 : i32 to index
      %get3A_558 = arith.constant 112 : index
      %get3A_559 = tpu.vector_load %arg10[%get3A_557, %get3A_558] {strides = array<i32>} : memref<128x128xf32, #tpu.memory_space<vmem>>, vector<16xf32>,
      %mul3A_560 = arith.mulf %get3A_559, %get3A_559 : vector<16xf32>
      %add3A_561 = arith.addf %add3A_489, %mul3A_560 : vector<16xf32>
      %mul3A_562 = arith.constant 4 : i32
      %mul3A_563 = arith.muli %scan3A_338, %mul3A_562 : i32
      %add3A_564 = arith.constant 3 : i32
      %add3A_565 = arith.addi %mul3A_563, %add3A_564 : i32
      %get3A_566 = arith.index_cast %add3A_565 : i32 to index
      %get3A_567 = arith.constant 0 : index
      %get3A_568 = tpu.vector_load %arg10[%get3A_566, %get3A_567] {strides = array<i32>} : memref<128x128xf32, #tpu.memory_space<vmem>>, vector<16xf32>,
      %mul3A_569 = arith.mulf %get3A_568, %get3A_568 : vector<16xf32>
      %add3A_570 = arith.addf %add3A_498, %mul3A_569 : vector<16xf32>
      %mul3A_571 = arith.constant 4 : i32
      %mul3A_572 = arith.muli %scan3A_338, %mul3A_571 : i32
      %add3A_573 = arith.constant 3 : i32
      %add3A_574 = arith.addi %mul3A_572, %add3A_573 : i32
      %get3A_575 = arith.index_cast %add3A_574 : i32 to index
      %get3A_576 = arith.constant 16 : index
      %get3A_577 = tpu.vector_load %arg10[%get3A_575, %get3A_576] {strides = array<i32>} : memref<128x128xf32, #tpu.memory_space<vmem>>, vector<16xf32>,
      %mul3A_578 = arith.mulf %get3A_577, %get3A_577 : vector<16xf32>
      %add3A_579 = arith.addf %add3A_507, %mul3A_578 : vector<16xf32>
      %mul3A_580 = arith.constant 4 : i32
      %mul3A_581 = arith.muli %scan3A_338, %mul3A_580 : i32
      %add3A_582 = arith.constant 3 : i32
      %add3A_583 = arith.addi %mul3A_581, %add3A_582 : i32
      %get3A_584 = arith.index_cast %add3A_583 : i32 to index
      %get3A_585 = arith.constant 32 : index
      %get3A_586 = tpu.vector_load %arg10[%get3A_584, %get3A_585] {strides = array<i32>} : memref<128x128xf32, #tpu.memory_space<vmem>>, vector<16xf32>,
      %mul3A_587 = arith.mulf %get3A_586, %get3A_586 : vector<16xf32>
      %add3A_588 = arith.addf %add3A_516, %mul3A_587 : vector<16xf32>
      %mul3A_589 = arith.constant 4 : i32
      %mul3A_590 = arith.muli %scan3A_338, %mul3A_589 : i32
      %add3A_591 = arith.constant 3 : i32
      %add3A_592 = arith.addi %mul3A_590, %add3A_591 : i32
      %get3A_593 = arith.index_cast %add3A_592 : i32 to index
      %get3A_594 = arith.constant 48 : index
      %get3A_595 = tpu.vector_load %arg10[%get3A_593, %get3A_594] {strides = array<i32>} : memref<128x128xf32, #tpu.memory_space<vmem>>, vector<16xf32>,
      %mul3A_596 = arith.mulf %get3A_595, %get3A_595 : vector<16xf32>
      %add3A_597 = arith.addf %add3A_525, %mul3A_596 : vector<16xf32>
      %mul3A_598 = arith.constant 4 : i32
      %mul3A_599 = arith.muli %scan3A_338, %mul3A_598 : i32
      %add3A_600 = arith.constant 3 : i32
      %add3A_601 = arith.addi %mul3A_599, %add3A_600 : i32
      %get3A_602 = arith.index_cast %add3A_601 : i32 to index
      %get3A_603 = arith.constant 64 : index
      %get3A_604 = tpu.vector_load %arg10[%get3A_602, %get3A_603] {strides = array<i32>} : memref<128x128xf32, #tpu.memory_space<vmem>>, vector<16xf32>,
      %mul3A_605 = arith.mulf %get3A_604, %get3A_604 : vector<16xf32>
      %add3A_606 = arith.addf %add3A_534, %mul3A_605 : vector<16xf32>
      %mul3A_607 = arith.constant 4 : i32
      %mul3A_608 = arith.muli %scan3A_338, %mul3A_607 : i32
      %add3A_609 = arith.constant 3 : i32
      %add3A_610 = arith.addi %mul3A_608, %add3A_609 : i32
      %get3A_611 = arith.index_cast %add3A_610 : i32 to index
      %get3A_612 = arith.constant 80 : index
      %get3A_613 = tpu.vector_load %arg10[%get3A_611, %get3A_612] {strides = array<i32>} : memref<128x128xf32, #tpu.memory_space<vmem>>, vector<16xf32>,
      %mul3A_614 = arith.mulf %get3A_613, %get3A_613 : vector<16xf32>
      %add3A_615 = arith.addf %add3A_543, %mul3A_614 : vector<16xf32>
      %mul3A_616 = arith.constant 4 : i32
      %mul3A_617 = arith.muli %scan3A_338, %mul3A_616 : i32
      %add3A_618 = arith.constant 3 : i32
      %add3A_619 = arith.addi %mul3A_617, %add3A_618 : i32
      %get3A_620 = arith.index_cast %add3A_619 : i32 to index
      %get3A_621 = arith.constant 96 : index
      %get3A_622 = tpu.vector_load %arg10[%get3A_620, %get3A_621] {strides = array<i32>} : memref<128x128xf32, #tpu.memory_space<vmem>>, vector<16xf32>,
      %mul3A_623 = arith.mulf %get3A_622, %get3A_622 : vector<16xf32>
      %add3A_624 = arith.addf %add3A_552, %mul3A_623 : vector<16xf32>
      %mul3A_625 = arith.constant 4 : i32
      %mul3A_626 = arith.muli %scan3A_338, %mul3A_625 : i32
      %add3A_627 = arith.constant 3 : i32
      %add3A_628 = arith.addi %mul3A_626, %add3A_627 : i32
      %get3A_629 = arith.index_cast %add3A_628 : i32 to index
      %get3A_630 = arith.constant 112 : index
      %get3A_631 = tpu.vector_load %arg10[%get3A_629, %get3A_630] {strides = array<i32>} : memref<128x128xf32, #tpu.memory_space<vmem>>, vector<16xf32>,
      %mul3A_632 = arith.mulf %get3A_631, %get3A_631 : vector<16xf32>
      %add3A_633 = arith.addf %add3A_561, %mul3A_632 : vector<16xf32>
      scf.yield %add3A_570, %add3A_579, %add3A_588, %add3A_597, %add3A_606, %add3A_615, %add3A_624, %add3A_633 : vector<16xf32>, vector<16xf32>, vector<16xf32>, vector<16xf32>, vector<16xf32>, vector<16xf32>, vector<16xf32>, vector<16xf32>
    }
    %scan3A_292 = arith.constant 32 : i32
    %dma_wait3A_293 = arith.constant 0 : i32
    %dma_wait3A_294 = arith.constant 0 : i32
    %dma_wait3A_295 = tpu.memref_slice %arg6[%dma_wait3A_293, %dma_wait3A_294] : memref<4x128xi32, #tpu.memory_space<vmem>> -> memref<1x128xi32, #tpu.memory_space<vmem>>
    %dma_wait3A_296 = tpu.memref_squeeze %dma_wait3A_295 : memref<1x128xi32, #tpu.memory_space<vmem>> -> memref<128xi32, #tpu.memory_space<vmem>>
    %dma_wait3A_297 = arith.constant 0 : i32
    %dma_wait3A_298 = arith.constant 0 : i32
    %dma_wait3A_299 = tpu.memref_slice %arg17[%dma_wait3A_297, %dma_wait3A_298] : memref<1024x128xf32, #tpu.memory_space<vmem_shared>> -> memref<1024x128xf32, #tpu.memory_space<vmem_shared>>
    tpu.wait_indirect_dma semaphore(%arg23 : memref<!tpu.dma_semaphore, #tpu.memory_space<semaphore_mem>>) src(%arg7 : memref<128x128xf32, #tpu.memory_space<vmem>>) dst(%dma_wait3A_299 : memref<1024x128xf32, #tpu.memory_space<vmem_shared>>)
    %dma_wait3A_300 = arith.constant 1 : i32
    %dma_wait3A_301 = arith.constant 0 : i32
    %dma_wait3A_302 = tpu.memref_slice %arg6[%dma_wait3A_300, %dma_wait3A_301] : memref<4x128xi32, #tpu.memory_space<vmem>> -> memref<1x128xi32, #tpu.memory_space<vmem>>
    %dma_wait3A_303 = tpu.memref_squeeze %dma_wait3A_302 : memref<1x128xi32, #tpu.memory_space<vmem>> -> memref<128xi32, #tpu.memory_space<vmem>>
    %dma_wait3A_304 = arith.constant 0 : i32
    %dma_wait3A_305 = arith.constant 0 : i32
    %dma_wait3A_306 = tpu.memref_slice %arg17[%dma_wait3A_304, %dma_wait3A_305] : memref<1024x128xf32, #tpu.memory_space<vmem_shared>> -> memref<1024x128xf32, #tpu.memory_space<vmem_shared>>
    tpu.wait_indirect_dma semaphore(%arg24 : memref<!tpu.dma_semaphore, #tpu.memory_space<semaphore_mem>>) src(%arg8 : memref<128x128xf32, #tpu.memory_space<vmem>>) dst(%dma_wait3A_306 : memref<1024x128xf32, #tpu.memory_space<vmem_shared>>)
    %dma_wait3A_307 = arith.constant 2 : i32
    %dma_wait3A_308 = arith.constant 0 : i32
    %dma_wait3A_309 = tpu.memref_slice %arg6[%dma_wait3A_307, %dma_wait3A_308] : memref<4x128xi32, #tpu.memory_space<vmem>> -> memref<1x128xi32, #tpu.memory_space<vmem>>
    %dma_wait3A_310 = tpu.memref_squeeze %dma_wait3A_309 : memref<1x128xi32, #tpu.memory_space<vmem>> -> memref<128xi32, #tpu.memory_space<vmem>>
    %dma_wait3A_311 = arith.constant 0 : i32
    %dma_wait3A_312 = arith.constant 0 : i32
    %dma_wait3A_313 = tpu.memref_slice %arg17[%dma_wait3A_311, %dma_wait3A_312] : memref<1024x128xf32, #tpu.memory_space<vmem_shared>> -> memref<1024x128xf32, #tpu.memory_space<vmem_shared>>
    tpu.wait_indirect_dma semaphore(%arg25 : memref<!tpu.dma_semaphore, #tpu.memory_space<semaphore_mem>>) src(%arg9 : memref<128x128xf32, #tpu.memory_space<vmem>>) dst(%dma_wait3A_313 : memref<1024x128xf32, #tpu.memory_space<vmem_shared>>)
    %dma_wait3A_314 = arith.constant 3 : i32
    %dma_wait3A_315 = arith.constant 0 : i32
    %dma_wait3A_316 = tpu.memref_slice %arg6[%dma_wait3A_314, %dma_wait3A_315] : memref<4x128xi32, #tpu.memory_space<vmem>> -> memref<1x128xi32, #tpu.memory_space<vmem>>
    %dma_wait3A_317 = tpu.memref_squeeze %dma_wait3A_316 : memref<1x128xi32, #tpu.memory_space<vmem>> -> memref<128xi32, #tpu.memory_space<vmem>>
    %dma_wait3A_318 = arith.constant 0 : i32
    %dma_wait3A_319 = arith.constant 0 : i32
    %dma_wait3A_320 = tpu.memref_slice %arg17[%dma_wait3A_318, %dma_wait3A_319] : memref<1024x128xf32, #tpu.memory_space<vmem_shared>> -> memref<1024x128xf32, #tpu.memory_space<vmem_shared>>
    tpu.wait_indirect_dma semaphore(%arg26 : memref<!tpu.dma_semaphore, #tpu.memory_space<semaphore_mem>>) src(%arg10 : memref<128x128xf32, #tpu.memory_space<vmem>>) dst(%dma_wait3A_320 : memref<1024x128xf32, #tpu.memory_space<vmem_shared>>)
    %dma_wait3A_321 = arith.constant 0 : i32
    %dma_wait3A_322 = arith.constant 0 : i32
    %dma_wait3A_323 = tpu.memref_slice %arg18[%dma_wait3A_321, %dma_wait3A_322] : memref<16x128xf32, #tpu.memory_space<vmem_shared>> -> memref<16x128xf32, #tpu.memory_space<vmem_shared>>
    tpu.wait_indirect_dma semaphore(%arg29 : memref<!tpu.dma_semaphore, #tpu.memory_space<semaphore_mem>>) src(%arg11 : memref<16x128xf32, #tpu.memory_space<vmem>>) dst(%dma_wait3A_323 : memref<16x128xf32, #tpu.memory_space<vmem_shared>>)
    %barrier3A_324 = arith.constant 0 : index
    tpu.barrier barrier_id(%barrier3A_324)
    %dma_wait3A_325 = arith.constant 0 : i32
    %dma_wait3A_326 = tpu.memref_slice %arg4[%mul3A_39, %dma_wait3A_325] : memref<1000x128xf32, #tpu.memory_space<hbm>> -> memref<64x128xf32, #tpu.memory_space<hbm>>
    %dma_wait3A_327 = arith.constant 0 : i32
    %dma_wait3A_328 = tpu.memref_slice %arg4[%mul3A_39, %dma_wait3A_327] : memref<1000x128xf32, #tpu.memory_space<hbm>> -> memref<64x128xf32, #tpu.memory_space<hbm>>
    tpu.wait_dma2 semaphore(%arg27 : memref<!tpu.dma_semaphore, #tpu.memory_space<semaphore_mem>>) src(%dma_wait3A_328 : memref<64x128xf32, #tpu.memory_space<hbm>>) dst(%arg13 : memref<64x128xf32, #tpu.memory_space<vmem>>)
    %lt3A = arith.constant 15 : i32
    %lt3A_329 = arith.cmpi slt, %arg1, %lt3A : i32
    %convert_element_type3A_330 = arith.extui %lt3A_329 : i1 to i32
    %cond3A_331 = arith.constant 0 : i32
    %cond3A_332 = arith.cmpi ne, %convert_element_type3A_330, %cond3A_331 : i32
    scf.if %cond3A_332 {
      %mul3A_338 = arith.constant 64 : i32
      %mul3A_339 = arith.muli %arg1, %mul3A_338 : i32
      %dma_start3A_340 = arith.constant 0 : i32
      %dma_start3A_341 = arith.constant 0 : i32
      %dma_start3A_342 = tpu.memref_slice %arg14[%dma_start3A_340, %dma_start3A_341] : memref<64x128xf32, #tpu.memory_space<vmem>> -> memref<64x128xf32, #tpu.memory_space<vmem>>
      %dma_start3A_343 = arith.constant 0 : i32
      %dma_start3A_344 = tpu.memref_slice %arg17[%mul3A_339, %dma_start3A_343] : memref<1024x128xf32, #tpu.memory_space<vmem_shared>> -> memref<64x128xf32, #tpu.memory_space<vmem_shared>>
      %dma_start3A_345 = arith.constant 0 : i32
      %dma_start3A_346 = arith.constant 0 : i32
      %dma_start3A_347 = tpu.memref_slice %arg14[%dma_start3A_345, %dma_start3A_346] : memref<64x128xf32, #tpu.memory_space<vmem>> -> memref<64x128xf32, #tpu.memory_space<vmem>>
      %dma_start3A_348 = arith.constant 0 : i32
      %dma_start3A_349 = tpu.memref_slice %arg17[%mul3A_339, %dma_start3A_348] : memref<1024x128xf32, #tpu.memory_space<vmem_shared>> -> memref<64x128xf32, #tpu.memory_space<vmem_shared>>
      tpu.enqueue_dma source(%dma_start3A_349 : memref<64x128xf32, #tpu.memory_space<vmem_shared>>) target(%dma_start3A_347 : memref<64x128xf32, #tpu.memory_space<vmem>>) target_semaphore(%arg19 : memref<!tpu.dma_semaphore, #tpu.memory_space<semaphore_mem>>)
      tpu.enqueue_dma source(%arg18 : memref<16x128xf32, #tpu.memory_space<vmem_shared>>) target(%arg15 : memref<16x128xf32, #tpu.memory_space<vmem>>) target_semaphore(%arg20 : memref<!tpu.dma_semaphore, #tpu.memory_space<semaphore_mem>>)
      %dma_wait3A_350 = arith.constant 0 : i32
      %dma_wait3A_351 = arith.constant 0 : i32
      %dma_wait3A_352 = tpu.memref_slice %arg14[%dma_wait3A_350, %dma_wait3A_351] : memref<64x128xf32, #tpu.memory_space<vmem>> -> memref<64x128xf32, #tpu.memory_space<vmem>>
      %dma_wait3A_353 = arith.constant 0 : i32
      %dma_wait3A_354 = tpu.memref_slice %arg17[%mul3A_339, %dma_wait3A_353] : memref<1024x128xf32, #tpu.memory_space<vmem_shared>> -> memref<64x128xf32, #tpu.memory_space<vmem_shared>>
      %dma_wait3A_355 = arith.constant 0 : i32
      %dma_wait3A_356 = arith.constant 0 : i32
      %dma_wait3A_357 = tpu.memref_slice %arg14[%dma_wait3A_355, %dma_wait3A_356] : memref<64x128xf32, #tpu.memory_space<vmem>> -> memref<64x128xf32, #tpu.memory_space<vmem>>
      %dma_wait3A_358 = arith.constant 0 : i32
      %dma_wait3A_359 = tpu.memref_slice %arg17[%mul3A_339, %dma_wait3A_358] : memref<1024x128xf32, #tpu.memory_space<vmem_shared>> -> memref<64x128xf32, #tpu.memory_space<vmem_shared>>
      tpu.wait_dma2 semaphore(%arg19 : memref<!tpu.dma_semaphore, #tpu.memory_space<semaphore_mem>>) src(%dma_wait3A_359 : memref<64x128xf32, #tpu.memory_space<vmem_shared>>) dst(%dma_wait3A_357 : memref<64x128xf32, #tpu.memory_space<vmem>>)
      tpu.wait_dma2 semaphore(%arg20 : memref<!tpu.dma_semaphore, #tpu.memory_space<semaphore_mem>>) src(%arg18 : memref<16x128xf32, #tpu.memory_space<vmem_shared>>) dst(%arg15 : memref<16x128xf32, #tpu.memory_space<vmem>>)
      %scan3A_360 = arith.constant 0 : i32
      %scan3A_361 = arith.constant 64 : i32
      %scan3A_362 = arith.addi %scan3A_360, %scan3A_361 : i32
      %scan3A_363 = arith.constant 1 : i32
      %scan3A_364:8 = scf.for %scan3A_375 = %scan3A_360 to %scan3A_362 step %scan3A_363 iter_args(%scan3A_376 = %scan3A_291#0, %scan3A_377 = %scan3A_291#1, %scan3A_378 = %scan3A_291#2, %scan3A_379 = %scan3A_291#3, %scan3A_380 = %scan3A_291#4, %scan3A_381 = %scan3A_291#5, %scan3A_382 = %scan3A_291#6, %scan3A_383 = %scan3A_291#7) -> (vector<16xf32>, vector<16xf32>, vector<16xf32>, vector<16xf32>, vector<16xf32>, vector<16xf32>, vector<16xf32>, vector<16xf32>)  : i32 {
        %add3A_384 = arith.addi %mul3A_339, %scan3A_375 : i32
        %shift_right_logical3A = arith.constant 7 : i32
        %shift_right_logical3A_385 = arith.shrui %add3A_384, %shift_right_logical3A : i32
        %broadcast_in_dim3A_386 = vector.broadcast %shift_right_logical3A_385 : i32 to vector<16xi32>
        %and3A = arith.constant 127 : i32
        %and3A_387 = arith.andi %add3A_384, %and3A : i32
        %broadcast_in_dim3A_388 = vector.broadcast %and3A_387 : i32 to vector<16xi32>
        %gather3A = tpu.vector_load_idx %arg15[%broadcast_in_dim3A_386, %broadcast_in_dim3A_388] : memref<16x128xf32, #tpu.memory_space<vmem>>[vector<16xi32>, vector<16xi32>], vector<16xf32>,
        %get3A = arith.index_cast %scan3A_375 : i32 to index
        %get3A_389 = arith.constant 0 : index
        %get3A_390 = tpu.vector_load %arg13[%get3A, %get3A_389] {strides = array<i32>} : memref<64x128xf32, #tpu.memory_space<vmem>>, vector<16xf32>,
        %get3A_391 = arith.index_cast %scan3A_375 : i32 to index
        %get3A_392 = arith.constant 0 : index
        %get3A_393 = tpu.vector_load %arg14[%get3A_391, %get3A_392] {strides = array<i32>} : memref<64x128xf32, #tpu.memory_space<vmem>>, vector<16xf32>,
        %mul3A_394 = arith.mulf %gather3A, %get3A_390 : vector<16xf32>
        %add3A_395 = arith.addf %get3A_393, %get3A_393 : vector<16xf32>
        %sub3A = arith.subf %mul3A_394, %add3A_395 : vector<16xf32>
        %mul3A_396 = arith.mulf %get3A_390, %sub3A : vector<16xf32>
        %add3A_397 = arith.addf %scan3A_376, %mul3A_396 : vector<16xf32>
        %get3A_398 = arith.index_cast %scan3A_375 : i32 to index
        %get3A_399 = arith.constant 16 : index
        %get3A_400 = tpu.vector_load %arg13[%get3A_398, %get3A_399] {strides = array<i32>} : memref<64x128xf32, #tpu.memory_space<vmem>>, vector<16xf32>,
        %get3A_401 = arith.index_cast %scan3A_375 : i32 to index
        %get3A_402 = arith.constant 16 : index
        %get3A_403 = tpu.vector_load %arg14[%get3A_401, %get3A_402] {strides = array<i32>} : memref<64x128xf32, #tpu.memory_space<vmem>>, vector<16xf32>,
        %mul3A_404 = arith.mulf %gather3A, %get3A_400 : vector<16xf32>
        %add3A_405 = arith.addf %get3A_403, %get3A_403 : vector<16xf32>
        %sub3A_406 = arith.subf %mul3A_404, %add3A_405 : vector<16xf32>
        %mul3A_407 = arith.mulf %get3A_400, %sub3A_406 : vector<16xf32>
        %add3A_408 = arith.addf %scan3A_377, %mul3A_407 : vector<16xf32>
        %get3A_409 = arith.index_cast %scan3A_375 : i32 to index
        %get3A_410 = arith.constant 32 : index
        %get3A_411 = tpu.vector_load %arg13[%get3A_409, %get3A_410] {strides = array<i32>} : memref<64x128xf32, #tpu.memory_space<vmem>>, vector<16xf32>,
        %get3A_412 = arith.index_cast %scan3A_375 : i32 to index
        %get3A_413 = arith.constant 32 : index
        %get3A_414 = tpu.vector_load %arg14[%get3A_412, %get3A_413] {strides = array<i32>} : memref<64x128xf32, #tpu.memory_space<vmem>>, vector<16xf32>,
        %mul3A_415 = arith.mulf %gather3A, %get3A_411 : vector<16xf32>
        %add3A_416 = arith.addf %get3A_414, %get3A_414 : vector<16xf32>
        %sub3A_417 = arith.subf %mul3A_415, %add3A_416 : vector<16xf32>
        %mul3A_418 = arith.mulf %get3A_411, %sub3A_417 : vector<16xf32>
        %add3A_419 = arith.addf %scan3A_378, %mul3A_418 : vector<16xf32>
        %get3A_420 = arith.index_cast %scan3A_375 : i32 to index
        %get3A_421 = arith.constant 48 : index
        %get3A_422 = tpu.vector_load %arg13[%get3A_420, %get3A_421] {strides = array<i32>} : memref<64x128xf32, #tpu.memory_space<vmem>>, vector<16xf32>,
        %get3A_423 = arith.index_cast %scan3A_375 : i32 to index
        %get3A_424 = arith.constant 48 : index
        %get3A_425 = tpu.vector_load %arg14[%get3A_423, %get3A_424] {strides = array<i32>} : memref<64x128xf32, #tpu.memory_space<vmem>>, vector<16xf32>,
        %mul3A_426 = arith.mulf %gather3A, %get3A_422 : vector<16xf32>
        %add3A_427 = arith.addf %get3A_425, %get3A_425 : vector<16xf32>
        %sub3A_428 = arith.subf %mul3A_426, %add3A_427 : vector<16xf32>
        %mul3A_429 = arith.mulf %get3A_422, %sub3A_428 : vector<16xf32>
        %add3A_430 = arith.addf %scan3A_379, %mul3A_429 : vector<16xf32>
        %get3A_431 = arith.index_cast %scan3A_375 : i32 to index
        %get3A_432 = arith.constant 64 : index
        %get3A_433 = tpu.vector_load %arg13[%get3A_431, %get3A_432] {strides = array<i32>} : memref<64x128xf32, #tpu.memory_space<vmem>>, vector<16xf32>,
        %get3A_434 = arith.index_cast %scan3A_375 : i32 to index
        %get3A_435 = arith.constant 64 : index
        %get3A_436 = tpu.vector_load %arg14[%get3A_434, %get3A_435] {strides = array<i32>} : memref<64x128xf32, #tpu.memory_space<vmem>>, vector<16xf32>,
        %mul3A_437 = arith.mulf %gather3A, %get3A_433 : vector<16xf32>
        %add3A_438 = arith.addf %get3A_436, %get3A_436 : vector<16xf32>
        %sub3A_439 = arith.subf %mul3A_437, %add3A_438 : vector<16xf32>
        %mul3A_440 = arith.mulf %get3A_433, %sub3A_439 : vector<16xf32>
        %add3A_441 = arith.addf %scan3A_380, %mul3A_440 : vector<16xf32>
        %get3A_442 = arith.index_cast %scan3A_375 : i32 to index
        %get3A_443 = arith.constant 80 : index
        %get3A_444 = tpu.vector_load %arg13[%get3A_442, %get3A_443] {strides = array<i32>} : memref<64x128xf32, #tpu.memory_space<vmem>>, vector<16xf32>,
        %get3A_445 = arith.index_cast %scan3A_375 : i32 to index
        %get3A_446 = arith.constant 80 : index
        %get3A_447 = tpu.vector_load %arg14[%get3A_445, %get3A_446] {strides = array<i32>} : memref<64x128xf32, #tpu.memory_space<vmem>>, vector<16xf32>,
        %mul3A_448 = arith.mulf %gather3A, %get3A_444 : vector<16xf32>
        %add3A_449 = arith.addf %get3A_447, %get3A_447 : vector<16xf32>
        %sub3A_450 = arith.subf %mul3A_448, %add3A_449 : vector<16xf32>
        %mul3A_451 = arith.mulf %get3A_444, %sub3A_450 : vector<16xf32>
        %add3A_452 = arith.addf %scan3A_381, %mul3A_451 : vector<16xf32>
        %get3A_453 = arith.index_cast %scan3A_375 : i32 to index
        %get3A_454 = arith.constant 96 : index
        %get3A_455 = tpu.vector_load %arg13[%get3A_453, %get3A_454] {strides = array<i32>} : memref<64x128xf32, #tpu.memory_space<vmem>>, vector<16xf32>,
        %get3A_456 = arith.index_cast %scan3A_375 : i32 to index
        %get3A_457 = arith.constant 96 : index
        %get3A_458 = tpu.vector_load %arg14[%get3A_456, %get3A_457] {strides = array<i32>} : memref<64x128xf32, #tpu.memory_space<vmem>>, vector<16xf32>,
        %mul3A_459 = arith.mulf %gather3A, %get3A_455 : vector<16xf32>
        %add3A_460 = arith.addf %get3A_458, %get3A_458 : vector<16xf32>
        %sub3A_461 = arith.subf %mul3A_459, %add3A_460 : vector<16xf32>
        %mul3A_462 = arith.mulf %get3A_455, %sub3A_461 : vector<16xf32>
        %add3A_463 = arith.addf %scan3A_382, %mul3A_462 : vector<16xf32>
        %get3A_464 = arith.index_cast %scan3A_375 : i32 to index
        %get3A_465 = arith.constant 112 : index
        %get3A_466 = tpu.vector_load %arg13[%get3A_464, %get3A_465] {strides = array<i32>} : memref<64x128xf32, #tpu.memory_space<vmem>>, vector<16xf32>,
        %get3A_467 = arith.index_cast %scan3A_375 : i32 to index
        %get3A_468 = arith.constant 112 : index
        %get3A_469 = tpu.vector_load %arg14[%get3A_467, %get3A_468] {strides = array<i32>} : memref<64x128xf32, #tpu.memory_space<vmem>>, vector<16xf32>,
        %mul3A_470 = arith.mulf %gather3A, %get3A_466 : vector<16xf32>
        %add3A_471 = arith.addf %get3A_469, %get3A_469 : vector<16xf32>
        %sub3A_472 = arith.subf %mul3A_470, %add3A_471 : vector<16xf32>
        %mul3A_473 = arith.mulf %get3A_466, %sub3A_472 : vector<16xf32>
        %add3A_474 = arith.addf %scan3A_383, %mul3A_473 : vector<16xf32>
        scf.yield %add3A_397, %add3A_408, %add3A_419, %add3A_430, %add3A_441, %add3A_452, %add3A_463, %add3A_474 : vector<16xf32>, vector<16xf32>, vector<16xf32>, vector<16xf32>, vector<16xf32>, vector<16xf32>, vector<16xf32>, vector<16xf32>
      }
      %scan3A_365 = arith.constant 64 : i32
      %add3A_366 = arith.addf %scan3A_364#0, %scan3A_364#1 : vector<16xf32>
      %add3A_367 = arith.addf %add3A_366, %scan3A_364#2 : vector<16xf32>
      %add3A_368 = arith.addf %add3A_367, %scan3A_364#3 : vector<16xf32>
      %add3A_369 = arith.addf %add3A_368, %scan3A_364#4 : vector<16xf32>
      %add3A_370 = arith.addf %add3A_369, %scan3A_364#5 : vector<16xf32>
      %add3A_371 = arith.addf %add3A_370, %scan3A_364#6 : vector<16xf32>
      %add3A_372 = arith.addf %add3A_371, %scan3A_364#7 : vector<16xf32>
      %swap3A_373 = arith.constant 0 : index
      %swap3A_374 = tpu.vector_load %arg16[%swap3A_373] {strides = array<i32>} : memref<16xf32, #tpu.memory_space<vmem>>, vector<16xf32>,
      tpu.vector_store %arg16[%swap3A_373], %add3A_372 {strides = array<i32>} : memref<16xf32, #tpu.memory_space<vmem>>, vector<16xf32>,
    } else {
    }
    %eq3A_333 = arith.constant 15 : i32
    %eq3A_334 = arith.cmpi eq, %arg1, %eq3A_333 : i32
    %convert_element_type3A_335 = arith.extui %eq3A_334 : i1 to i32
    %cond3A_336 = arith.constant 0 : i32
    %cond3A_337 = arith.cmpi ne, %convert_element_type3A_335, %cond3A_336 : i32
    scf.if %cond3A_337 {
      %mul3A_338 = arith.constant 64 : i32
      %mul3A_339 = arith.muli %arg1, %mul3A_338 : i32
      %dma_start3A_340 = arith.constant 0 : i32
      %dma_start3A_341 = arith.constant 0 : i32
      %dma_start3A_342 = tpu.memref_slice %arg14[%dma_start3A_340, %dma_start3A_341] : memref<64x128xf32, #tpu.memory_space<vmem>> -> memref<40x128xf32, #tpu.memory_space<vmem>>
      %dma_start3A_343 = arith.constant 0 : i32
      %dma_start3A_344 = tpu.memref_slice %arg17[%mul3A_339, %dma_start3A_343] : memref<1024x128xf32, #tpu.memory_space<vmem_shared>> -> memref<40x128xf32, #tpu.memory_space<vmem_shared>>
      %dma_start3A_345 = arith.constant 0 : i32
      %dma_start3A_346 = arith.constant 0 : i32
      %dma_start3A_347 = tpu.memref_slice %arg14[%dma_start3A_345, %dma_start3A_346] : memref<64x128xf32, #tpu.memory_space<vmem>> -> memref<40x128xf32, #tpu.memory_space<vmem>>
      %dma_start3A_348 = arith.constant 0 : i32
      %dma_start3A_349 = tpu.memref_slice %arg17[%mul3A_339, %dma_start3A_348] : memref<1024x128xf32, #tpu.memory_space<vmem_shared>> -> memref<40x128xf32, #tpu.memory_space<vmem_shared>>
      tpu.enqueue_dma source(%dma_start3A_349 : memref<40x128xf32, #tpu.memory_space<vmem_shared>>) target(%dma_start3A_347 : memref<40x128xf32, #tpu.memory_space<vmem>>) target_semaphore(%arg19 : memref<!tpu.dma_semaphore, #tpu.memory_space<semaphore_mem>>)
      tpu.enqueue_dma source(%arg18 : memref<16x128xf32, #tpu.memory_space<vmem_shared>>) target(%arg15 : memref<16x128xf32, #tpu.memory_space<vmem>>) target_semaphore(%arg20 : memref<!tpu.dma_semaphore, #tpu.memory_space<semaphore_mem>>)
      %dma_wait3A_350 = arith.constant 0 : i32
      %dma_wait3A_351 = arith.constant 0 : i32
      %dma_wait3A_352 = tpu.memref_slice %arg14[%dma_wait3A_350, %dma_wait3A_351] : memref<64x128xf32, #tpu.memory_space<vmem>> -> memref<40x128xf32, #tpu.memory_space<vmem>>
      %dma_wait3A_353 = arith.constant 0 : i32
      %dma_wait3A_354 = tpu.memref_slice %arg17[%mul3A_339, %dma_wait3A_353] : memref<1024x128xf32, #tpu.memory_space<vmem_shared>> -> memref<40x128xf32, #tpu.memory_space<vmem_shared>>
      %dma_wait3A_355 = arith.constant 0 : i32
      %dma_wait3A_356 = arith.constant 0 : i32
      %dma_wait3A_357 = tpu.memref_slice %arg14[%dma_wait3A_355, %dma_wait3A_356] : memref<64x128xf32, #tpu.memory_space<vmem>> -> memref<40x128xf32, #tpu.memory_space<vmem>>
      %dma_wait3A_358 = arith.constant 0 : i32
      %dma_wait3A_359 = tpu.memref_slice %arg17[%mul3A_339, %dma_wait3A_358] : memref<1024x128xf32, #tpu.memory_space<vmem_shared>> -> memref<40x128xf32, #tpu.memory_space<vmem_shared>>
      tpu.wait_dma2 semaphore(%arg19 : memref<!tpu.dma_semaphore, #tpu.memory_space<semaphore_mem>>) src(%dma_wait3A_359 : memref<40x128xf32, #tpu.memory_space<vmem_shared>>) dst(%dma_wait3A_357 : memref<40x128xf32, #tpu.memory_space<vmem>>)
      tpu.wait_dma2 semaphore(%arg20 : memref<!tpu.dma_semaphore, #tpu.memory_space<semaphore_mem>>) src(%arg18 : memref<16x128xf32, #tpu.memory_space<vmem_shared>>) dst(%arg15 : memref<16x128xf32, #tpu.memory_space<vmem>>)
      %scan3A_360 = arith.constant 0 : i32
      %scan3A_361 = arith.constant 40 : i32
      %scan3A_362 = arith.addi %scan3A_360, %scan3A_361 : i32
      %scan3A_363 = arith.constant 1 : i32
      %scan3A_364:8 = scf.for %scan3A_375 = %scan3A_360 to %scan3A_362 step %scan3A_363 iter_args(%scan3A_376 = %scan3A_291#0, %scan3A_377 = %scan3A_291#1, %scan3A_378 = %scan3A_291#2, %scan3A_379 = %scan3A_291#3, %scan3A_380 = %scan3A_291#4, %scan3A_381 = %scan3A_291#5, %scan3A_382 = %scan3A_291#6, %scan3A_383 = %scan3A_291#7) -> (vector<16xf32>, vector<16xf32>, vector<16xf32>, vector<16xf32>, vector<16xf32>, vector<16xf32>, vector<16xf32>, vector<16xf32>)  : i32 {
        %add3A_384 = arith.addi %mul3A_339, %scan3A_375 : i32
        %shift_right_logical3A = arith.constant 7 : i32
        %shift_right_logical3A_385 = arith.shrui %add3A_384, %shift_right_logical3A : i32
        %broadcast_in_dim3A_386 = vector.broadcast %shift_right_logical3A_385 : i32 to vector<16xi32>
        %and3A = arith.constant 127 : i32
        %and3A_387 = arith.andi %add3A_384, %and3A : i32
        %broadcast_in_dim3A_388 = vector.broadcast %and3A_387 : i32 to vector<16xi32>
        %gather3A = tpu.vector_load_idx %arg15[%broadcast_in_dim3A_386, %broadcast_in_dim3A_388] : memref<16x128xf32, #tpu.memory_space<vmem>>[vector<16xi32>, vector<16xi32>], vector<16xf32>,
        %get3A = arith.index_cast %scan3A_375 : i32 to index
        %get3A_389 = arith.constant 0 : index
        %get3A_390 = tpu.vector_load %arg13[%get3A, %get3A_389] {strides = array<i32>} : memref<64x128xf32, #tpu.memory_space<vmem>>, vector<16xf32>,
        %get3A_391 = arith.index_cast %scan3A_375 : i32 to index
        %get3A_392 = arith.constant 0 : index
        %get3A_393 = tpu.vector_load %arg14[%get3A_391, %get3A_392] {strides = array<i32>} : memref<64x128xf32, #tpu.memory_space<vmem>>, vector<16xf32>,
        %mul3A_394 = arith.mulf %gather3A, %get3A_390 : vector<16xf32>
        %add3A_395 = arith.addf %get3A_393, %get3A_393 : vector<16xf32>
        %sub3A = arith.subf %mul3A_394, %add3A_395 : vector<16xf32>
        %mul3A_396 = arith.mulf %get3A_390, %sub3A : vector<16xf32>
        %add3A_397 = arith.addf %scan3A_376, %mul3A_396 : vector<16xf32>
        %get3A_398 = arith.index_cast %scan3A_375 : i32 to index
        %get3A_399 = arith.constant 16 : index
        %get3A_400 = tpu.vector_load %arg13[%get3A_398, %get3A_399] {strides = array<i32>} : memref<64x128xf32, #tpu.memory_space<vmem>>, vector<16xf32>,
        %get3A_401 = arith.index_cast %scan3A_375 : i32 to index
        %get3A_402 = arith.constant 16 : index
        %get3A_403 = tpu.vector_load %arg14[%get3A_401, %get3A_402] {strides = array<i32>} : memref<64x128xf32, #tpu.memory_space<vmem>>, vector<16xf32>,
        %mul3A_404 = arith.mulf %gather3A, %get3A_400 : vector<16xf32>
        %add3A_405 = arith.addf %get3A_403, %get3A_403 : vector<16xf32>
        %sub3A_406 = arith.subf %mul3A_404, %add3A_405 : vector<16xf32>
        %mul3A_407 = arith.mulf %get3A_400, %sub3A_406 : vector<16xf32>
        %add3A_408 = arith.addf %scan3A_377, %mul3A_407 : vector<16xf32>
        %get3A_409 = arith.index_cast %scan3A_375 : i32 to index
        %get3A_410 = arith.constant 32 : index
        %get3A_411 = tpu.vector_load %arg13[%get3A_409, %get3A_410] {strides = array<i32>} : memref<64x128xf32, #tpu.memory_space<vmem>>, vector<16xf32>,
        %get3A_412 = arith.index_cast %scan3A_375 : i32 to index
        %get3A_413 = arith.constant 32 : index
        %get3A_414 = tpu.vector_load %arg14[%get3A_412, %get3A_413] {strides = array<i32>} : memref<64x128xf32, #tpu.memory_space<vmem>>, vector<16xf32>,
        %mul3A_415 = arith.mulf %gather3A, %get3A_411 : vector<16xf32>
        %add3A_416 = arith.addf %get3A_414, %get3A_414 : vector<16xf32>
        %sub3A_417 = arith.subf %mul3A_415, %add3A_416 : vector<16xf32>
        %mul3A_418 = arith.mulf %get3A_411, %sub3A_417 : vector<16xf32>
        %add3A_419 = arith.addf %scan3A_378, %mul3A_418 : vector<16xf32>
        %get3A_420 = arith.index_cast %scan3A_375 : i32 to index
        %get3A_421 = arith.constant 48 : index
        %get3A_422 = tpu.vector_load %arg13[%get3A_420, %get3A_421] {strides = array<i32>} : memref<64x128xf32, #tpu.memory_space<vmem>>, vector<16xf32>,
        %get3A_423 = arith.index_cast %scan3A_375 : i32 to index
        %get3A_424 = arith.constant 48 : index
        %get3A_425 = tpu.vector_load %arg14[%get3A_423, %get3A_424] {strides = array<i32>} : memref<64x128xf32, #tpu.memory_space<vmem>>, vector<16xf32>,
        %mul3A_426 = arith.mulf %gather3A, %get3A_422 : vector<16xf32>
        %add3A_427 = arith.addf %get3A_425, %get3A_425 : vector<16xf32>
        %sub3A_428 = arith.subf %mul3A_426, %add3A_427 : vector<16xf32>
        %mul3A_429 = arith.mulf %get3A_422, %sub3A_428 : vector<16xf32>
        %add3A_430 = arith.addf %scan3A_379, %mul3A_429 : vector<16xf32>
        %get3A_431 = arith.index_cast %scan3A_375 : i32 to index
        %get3A_432 = arith.constant 64 : index
        %get3A_433 = tpu.vector_load %arg13[%get3A_431, %get3A_432] {strides = array<i32>} : memref<64x128xf32, #tpu.memory_space<vmem>>, vector<16xf32>,
        %get3A_434 = arith.index_cast %scan3A_375 : i32 to index
        %get3A_435 = arith.constant 64 : index
        %get3A_436 = tpu.vector_load %arg14[%get3A_434, %get3A_435] {strides = array<i32>} : memref<64x128xf32, #tpu.memory_space<vmem>>, vector<16xf32>,
        %mul3A_437 = arith.mulf %gather3A, %get3A_433 : vector<16xf32>
        %add3A_438 = arith.addf %get3A_436, %get3A_436 : vector<16xf32>
        %sub3A_439 = arith.subf %mul3A_437, %add3A_438 : vector<16xf32>
        %mul3A_440 = arith.mulf %get3A_433, %sub3A_439 : vector<16xf32>
        %add3A_441 = arith.addf %scan3A_380, %mul3A_440 : vector<16xf32>
        %get3A_442 = arith.index_cast %scan3A_375 : i32 to index
        %get3A_443 = arith.constant 80 : index
        %get3A_444 = tpu.vector_load %arg13[%get3A_442, %get3A_443] {strides = array<i32>} : memref<64x128xf32, #tpu.memory_space<vmem>>, vector<16xf32>,
        %get3A_445 = arith.index_cast %scan3A_375 : i32 to index
        %get3A_446 = arith.constant 80 : index
        %get3A_447 = tpu.vector_load %arg14[%get3A_445, %get3A_446] {strides = array<i32>} : memref<64x128xf32, #tpu.memory_space<vmem>>, vector<16xf32>,
        %mul3A_448 = arith.mulf %gather3A, %get3A_444 : vector<16xf32>
        %add3A_449 = arith.addf %get3A_447, %get3A_447 : vector<16xf32>
        %sub3A_450 = arith.subf %mul3A_448, %add3A_449 : vector<16xf32>
        %mul3A_451 = arith.mulf %get3A_444, %sub3A_450 : vector<16xf32>
        %add3A_452 = arith.addf %scan3A_381, %mul3A_451 : vector<16xf32>
        %get3A_453 = arith.index_cast %scan3A_375 : i32 to index
        %get3A_454 = arith.constant 96 : index
        %get3A_455 = tpu.vector_load %arg13[%get3A_453, %get3A_454] {strides = array<i32>} : memref<64x128xf32, #tpu.memory_space<vmem>>, vector<16xf32>,
        %get3A_456 = arith.index_cast %scan3A_375 : i32 to index
        %get3A_457 = arith.constant 96 : index
        %get3A_458 = tpu.vector_load %arg14[%get3A_456, %get3A_457] {strides = array<i32>} : memref<64x128xf32, #tpu.memory_space<vmem>>, vector<16xf32>,
        %mul3A_459 = arith.mulf %gather3A, %get3A_455 : vector<16xf32>
        %add3A_460 = arith.addf %get3A_458, %get3A_458 : vector<16xf32>
        %sub3A_461 = arith.subf %mul3A_459, %add3A_460 : vector<16xf32>
        %mul3A_462 = arith.mulf %get3A_455, %sub3A_461 : vector<16xf32>
        %add3A_463 = arith.addf %scan3A_382, %mul3A_462 : vector<16xf32>
        %get3A_464 = arith.index_cast %scan3A_375 : i32 to index
        %get3A_465 = arith.constant 112 : index
        %get3A_466 = tpu.vector_load %arg13[%get3A_464, %get3A_465] {strides = array<i32>} : memref<64x128xf32, #tpu.memory_space<vmem>>, vector<16xf32>,
        %get3A_467 = arith.index_cast %scan3A_375 : i32 to index
        %get3A_468 = arith.constant 112 : index
        %get3A_469 = tpu.vector_load %arg14[%get3A_467, %get3A_468] {strides = array<i32>} : memref<64x128xf32, #tpu.memory_space<vmem>>, vector<16xf32>,
        %mul3A_470 = arith.mulf %gather3A, %get3A_466 : vector<16xf32>
        %add3A_471 = arith.addf %get3A_469, %get3A_469 : vector<16xf32>
        %sub3A_472 = arith.subf %mul3A_470, %add3A_471 : vector<16xf32>
        %mul3A_473 = arith.mulf %get3A_466, %sub3A_472 : vector<16xf32>
        %add3A_474 = arith.addf %scan3A_383, %mul3A_473 : vector<16xf32>
        scf.yield %add3A_397, %add3A_408, %add3A_419, %add3A_430, %add3A_441, %add3A_452, %add3A_463, %add3A_474 : vector<16xf32>, vector<16xf32>, vector<16xf32>, vector<16xf32>, vector<16xf32>, vector<16xf32>, vector<16xf32>, vector<16xf32>
      }
      %scan3A_365 = arith.constant 40 : i32
      %add3A_366 = arith.addf %scan3A_364#0, %scan3A_364#1 : vector<16xf32>
      %add3A_367 = arith.addf %add3A_366, %scan3A_364#2 : vector<16xf32>
      %add3A_368 = arith.addf %add3A_367, %scan3A_364#3 : vector<16xf32>
      %add3A_369 = arith.addf %add3A_368, %scan3A_364#4 : vector<16xf32>
      %add3A_370 = arith.addf %add3A_369, %scan3A_364#5 : vector<16xf32>
      %add3A_371 = arith.addf %add3A_370, %scan3A_364#6 : vector<16xf32>
      %add3A_372 = arith.addf %add3A_371, %scan3A_364#7 : vector<16xf32>
      %swap3A_373 = arith.constant 0 : index
      %swap3A_374 = tpu.vector_load %arg16[%swap3A_373] {strides = array<i32>} : memref<16xf32, #tpu.memory_space<vmem>>, vector<16xf32>,
      tpu.vector_store %arg16[%swap3A_373], %add3A_372 {strides = array<i32>} : memref<16xf32, #tpu.memory_space<vmem>>, vector<16xf32>,
    } else {
    }
    "tpu.region"() ({
      %run_scoped3A = tpu.sem_alloc : memref<!tpu.dma_semaphore, #tpu.memory_space<semaphore_mem>>
      %dma_start3A_338 = arith.constant 0 : i32
      %dma_start3A_339 = tpu.memref_slice %arg5[%add3A, %dma_start3A_338] : memref<32x16xf32, #tpu.memory_space<hbm>> -> memref<1x16xf32, #tpu.memory_space<hbm>>
      %dma_start3A_340 = tpu.memref_squeeze %dma_start3A_339 : memref<1x16xf32, #tpu.memory_space<hbm>> -> memref<16xf32, #tpu.memory_space<hbm>>
      %dma_start3A_341 = arith.constant 0 : i32
      %dma_start3A_342 = tpu.memref_slice %arg5[%add3A, %dma_start3A_341] : memref<32x16xf32, #tpu.memory_space<hbm>> -> memref<1x16xf32, #tpu.memory_space<hbm>>
      %dma_start3A_343 = tpu.memref_squeeze %dma_start3A_342 : memref<1x16xf32, #tpu.memory_space<hbm>> -> memref<16xf32, #tpu.memory_space<hbm>>
      tpu.enqueue_dma source(%arg16 : memref<16xf32, #tpu.memory_space<vmem>>) target(%dma_start3A_343 : memref<16xf32, #tpu.memory_space<hbm>>) target_semaphore(%run_scoped3A : memref<!tpu.dma_semaphore, #tpu.memory_space<semaphore_mem>>)
      %dma_wait3A_344 = arith.constant 0 : i32
      %dma_wait3A_345 = tpu.memref_slice %arg5[%add3A, %dma_wait3A_344] : memref<32x16xf32, #tpu.memory_space<hbm>> -> memref<1x16xf32, #tpu.memory_space<hbm>>
      %dma_wait3A_346 = tpu.memref_squeeze %dma_wait3A_345 : memref<1x16xf32, #tpu.memory_space<hbm>> -> memref<16xf32, #tpu.memory_space<hbm>>
      %dma_wait3A_347 = arith.constant 0 : i32
      %dma_wait3A_348 = tpu.memref_slice %arg5[%add3A, %dma_wait3A_347] : memref<32x16xf32, #tpu.memory_space<hbm>> -> memref<1x16xf32, #tpu.memory_space<hbm>>
      %dma_wait3A_349 = tpu.memref_squeeze %dma_wait3A_348 : memref<1x16xf32, #tpu.memory_space<hbm>> -> memref<16xf32, #tpu.memory_space<hbm>>
      tpu.wait_dma2 semaphore(%run_scoped3A : memref<!tpu.dma_semaphore, #tpu.memory_space<semaphore_mem>>) src(%arg16 : memref<16xf32, #tpu.memory_space<vmem>>) dst(%dma_wait3A_349 : memref<16xf32, #tpu.memory_space<hbm>>)
      tpu.yield
    }) : () -> ()
    return
  }
}

</mosaic_0001>

<sc_bundles>
// kernel: kernel.3.cloned.1.call-start
scs
__scs_entry_jumppad:
0x0: {  	(pc) =	sbr.rel $0x88, $3  }
0x1: {  	(tag) =	ssettag $0x0;
	lr =	simm.s32 $0x1  }
0x2: {  	[smem:$0x3F9E] =	sst lr;
	_ =	strace $0xD0000000  }
0x3: {  	_ = 	snop  }
0x4: {  	_ = 	snop  }
0x5: {  	_ = 	snop  }
0x6: {  	_ = 	snop  }
0x7: {  	_ = 	snop  }
__scs_overlays_trampoline_lowered:
0x8: {  	[smem:$0x3FAD] =	sst s0  }
0x9: {  	[smem:$0x3FAE] =	sst s1  }
0xa: {  	[smem:$0x3FAF] =	sst s2  }
0xb: {  	[smem:$0x3FB0] =	sst s3  }
0xc: {  	[smem:$0x3FB1] =	sst s4  }
0xd: {  	[smem:$0x3FB2] =	sst s5  }
0xe: {  	[smem:$0x3FB3] =	sst s6  }
0xf: {  	[smem:$0x3FB4] =	sst s7  }
0x10: {  	[smem:$0x3FB5] =	sst s8  }
0x11: {  	[smem:$0x3FB6] =	sst s9;
	s0 =	simm.s32 @!p0 $0x0  }
0x12: {  	s1 =	sld [smem:$0x3F9C];
	s0 =	simm.s32 @p0 $0x1  }
0x13: {  	[smem:$0x3FB7] =	sst s0;
	s0 =	simm.s32 @!p1 $0x0  }
0x14: {  	s2 =	sld [smem:$0x3F9B];
	s0 =	simm.s32 @p1 $0x1  }
0x15: {  	[smem:$0x3FB8] =	sst s0;
	s0 =	simm.s32 @!p2 $0x0  }
0x16: {  	s3 =	sld [smem:$0x3FDB];
	s0 =	simm.s32 @p2 $0x1  }
0x17: {  	s4 =	simm.s32 $0x1BF5;
	[smem:$0x3FBA] =	sst s0  }
0x18: {  	s0 =	sld [smem:$0x3F9D];
	_ =	swait.ge [sflag:s4], $0x0  }
0x19: {  	s7 =	sld [smem:$0x3F9E]  }
0x1a: {  	s8 =	sadd.s32 $0xFFFFE003, lr  }
0x1b: {  	s9 =	sadd.s32 $0xFFFFFEF7, lr;
	s5 =	simm.s32 $0xFFFFFFFF;
	p2 =	slt.u32 s8, $0xFFFFF086  }
0x1c: {  	p1 =	slt.u32 s9, $0xF7A;
	s5 =	simm.s32 @!p2 $0x0  }
0x1d: {  	s5 =	simm.s32 @p1 $0x1;
	p0 =	seq.s32 s7, s2  }
0x1e: {  	s7 =	smul.u32 @!p0 $0xF7A, s2;
	p2 =	seq.s32 @!p0 s5, $0x0  }
0x1f: {  	s9 =	smul.u32 $0xF7A, s1;
	s8 =	simm.s32 @!p0 $0x1BF5;
	p2 =	por !p2, p0  }
0x20: {  	[sflag:s8] =	ssyncset.s32 @!p0 $0xFFFFF086;
	s6 =	sadd.s32 @!p0 s3, s7;
	s7 =	simm.s32 @!p0 $0x108  }
0x21: {  	s3 =	sadd.s32 s3, s9;
	s6 =	sadd.s32 @!p0 $0x88, s6;
	s7 =	simm.s32 @p2 $0x1082  }
0x22: {  	[simem:s7], [sflag:s8] =	dma.local @!p0 [hbm:s6], $0xF7A  }
0x23: {  	s9 =	sor.u32 $0xD0000000, s2;
	s6 =	simm.s32 $0x108;
	_ =	swait.ge @!p0 [sflag:s8], $0x0  }
0x24: {  	s3 =	sadd.s32 $0x88, s3;
	s6 =	simm.s32 @!p1 $0x1082;
	[sflag:s4] =	ssyncset.s32 $0xFFFFF086  }
0x25: {  	[simem:s6], [sflag:s4] =	dma.local [hbm:s3], $0xF7A  }
0x26: {  	[smem:$0x3F9E] =	sst s1;
	(tag) =	ssettag s2;
	_ =	strace s9  }
0x27: {  	s1 =	sld [smem:$0x3FAE]  }
0x28: {  	s2 =	sld [smem:$0x3FAF]  }
0x29: {  	s4 =	sld [smem:$0x3FB1]  }
0x2a: {  	p0 =	seq.s32 s5, $0x0;
	s5 =	sld [smem:$0x3FB2]  }
0x2b: {  	s6 =	sld [smem:$0x3FB3]  }
0x2c: {  	s7 =	sld [smem:$0x3FB4]  }
0x2d: {  	s3 =	simm.s32 $0x108;
	s8 =	sld [smem:$0x3FB5]  }
0x2e: {  	s3 =	simm.s32 @!p0 $0x1082;
	s9 =	sld [smem:$0x3FB6]  }
0x2f: {  	lr =	sadd.s32 s0, s3;
	s0 =	sld [smem:$0x3FAD]  }
0x30: {  	s3 =	sld [smem:$0x3FB0]  }
0x31: {  	[smem:$0x3FB9] =	sst s10  }
0x32: {  	s10 =	sld [smem:$0x3FB7];
	_ =	sdelay $0x3  }
0x33: {  	p0 =	seq.s32 s10, $0x1;
	s10 =	sld [smem:$0x3FB9];
	_ =	sdelay $0x3  }
0x34: {  	[smem:$0x3FB9] =	sst s10  }
0x35: {  	s10 =	sld [smem:$0x3FB8];
	_ =	sdelay $0x3  }
0x36: {  	p1 =	seq.s32 s10, $0x1;
	s10 =	sld [smem:$0x3FB9];
	_ =	sdelay $0x3  }
0x37: {  	[smem:$0x3FB9] =	sst s10  }
0x38: {  	s10 =	sld [smem:$0x3FBA]  }
0x39: {  	_ = 	snop;
	(pc) =	sbr.ind lr, $3  }
0x3a: {  	_ = 	snop  }
0x3b: {  	_ = 	snop  }
0x3c: {  	p2 =	seq.s32 s10, $0x1;
	s10 =	sld [smem:$0x3FB9]  }
0x3d: {  	_ =	shalt  }
0x3e: {  	_ =	shalt  }
0x3f: {  	_ =	shalt  }
0x40: {  	_ =	shalt  }
0x41: {  	_ =	shalt  }
0x42: {  	_ =	shalt  }
0x43: {  	_ =	shalt  }
0x44: {  	_ =	shalt  }
0x45: {  	_ =	shalt  }
0x46: {  	_ =	shalt  }
0x47: {  	_ =	shalt  }
0x48: {  	_ =	shalt  }
0x49: {  	_ =	shalt  }
0x4a: {  	_ =	shalt  }
0x4b: {  	_ =	shalt  }
0x4c: {  	_ =	shalt  }
0x4d: {  	_ =	shalt  }
0x4e: {  	_ =	shalt  }
0x4f: {  	_ =	shalt  }
0x50: {  	_ =	shalt  }
0x51: {  	_ =	shalt  }
0x52: {  	_ =	shalt  }
0x53: {  	_ =	shalt  }
0x54: {  	_ =	shalt  }
0x55: {  	_ =	shalt  }
0x56: {  	_ =	shalt  }
0x57: {  	_ =	shalt  }
0x58: {  	_ =	shalt  }
0x59: {  	_ =	shalt  }
0x5a: {  	_ =	shalt  }
0x5b: {  	_ =	shalt  }
0x5c: {  	_ =	shalt  }
0x5d: {  	_ =	shalt  }
0x5e: {  	_ =	shalt  }
0x5f: {  	_ =	shalt  }
0x60: {  	_ =	shalt  }
0x61: {  	_ =	shalt  }
0x62: {  	_ =	shalt  }
0x63: {  	_ =	shalt  }
0x64: {  	_ =	shalt  }
0x65: {  	_ =	shalt  }
0x66: {  	_ =	shalt  }
0x67: {  	_ =	shalt  }
0x68: {  	_ =	shalt  }
0x69: {  	_ =	shalt  }
0x6a: {  	_ =	shalt  }
0x6b: {  	_ =	shalt  }
0x6c: {  	_ =	shalt  }
0x6d: {  	_ =	shalt  }
0x6e: {  	_ =	shalt  }
0x6f: {  	_ =	shalt  }
0x70: {  	_ =	shalt  }
0x71: {  	_ =	shalt  }
0x72: {  	_ =	shalt  }
0x73: {  	_ =	shalt  }
0x74: {  	_ =	shalt  }
0x75: {  	_ =	shalt  }
0x76: {  	_ =	shalt  }
0x77: {  	_ =	shalt  }
0x78: {  	_ =	shalt  }
0x79: {  	_ =	shalt  }
0x7a: {  	_ =	shalt  }
0x7b: {  	_ =	shalt  }
0x7c: {  	_ =	shalt  }
0x7d: {  	_ =	shalt  }
0x7e: {  	_ =	shalt  }
0x7f: {  	_ =	shalt  }
0x80: {  	_ =	shalt  }
0x81: {  	_ =	shalt  }
0x82: {  	_ =	shalt  }
0x83: {  	_ =	shalt  }
0x84: {  	_ =	shalt  }
0x85: {  	_ =	shalt  }
0x86: {  	_ =	shalt  }
0x87: {  	_ =	shalt  }
.Lfunc_end0:
.L_simem_size_0:
called_computation_lowered:
.L_overlay_start_0:
0x88: {  	s2 =	sld [smem:$0x3FD9]  }
0x89: {  	s3 =	sld [smem:$0x3FFE];
	_ =	sdelay $0x1  }
0x8a: {  	s1 =	srdreg.scid  }
0x8b: {  	s0 =	sand.u32 $0x1, s1  }
0x8c: {  	s17 =	sshll.u32 s0, $0xA;
	s2 =	sadd.s32 s3, s2  }
0x8d: {  	s2 =	sadd.s32 s2, s17  }
0x8e: {  	[smem:$0x3FC5] =	sst s2  }
0x8f: {  	_ = 	snop  }
0x90: {  	s2 =	sld [smem:$0x3FC9]  }
0x91: {  	s18 =	sld [smem:$0x3FC8]  }
0x92: {  	s4 =	sld [smem:$0x3FC7];
	(tm) =	ssettm $0x1  }
0x93: {  	s5 =	sld [smem:$0x3FFB];
	_ =	sdelay $0x3  }
0x94: {  	_ =	strace s5  }
0x95: {  	s5 =	sld [smem:$0x3FFC];
	_ =	sdelay $0x3  }
0x96: {  	_ =	strace s5  }
0x97: {  	s5 =	sld [smem:$0x3FFD];
	_ =	sdelay $0x3  }
0x98: {  	_ =	strace s5  }
0x99: {  	_ =	strace $0x8FFFFFFF  }
0x9a: {  	s19 =	sld [smem:$0x3FDB];
	_ =	sdelay $0x1  }
0x9b: {  	s6 =	simm.s32 $_scs_section_size  }
0x9c: {  	s7 =	simm.s32 $_size__tile_overlayer_lowered;
	s8 =	simm.s32 $_tile_overlayer_lowered  }
0x9d: {  	s22 =	simm.s32 $0x1BFF;
	s21 =	sshll.u32 s8, $0x1;
	s5 =	sadd.s32 s6, s19  }
0x9e: {  	s9 =	simm.s32 $0x0;
	s20 =	sshll.u32 s7, $0x1;
	s7 =	sadd.s32 s21, s5  }
0x9f: {  	[timem:s9], [sflag:s22] =	dma.local [hbm:s7], s20  }
0xa0: {  	_ =	swait.ge [sflag:s22], s20  }
0xa1: {  	s6 =	ssub.s32 $0x0, s20;
	[sflag:s22] =	ssyncset.done $0x0  }
0xa2: {  	[sflag:s22] =	ssyncadd.s32 s6;
	_ =	sdelay $0x1  }
0xa3: {  	s23 =	simm.s32 $0x1B8B  }
0xa4: {  	_ =	swait.ge [sflag:s23], $0x1  }
0xa5: {  	[sflag:s23] =	ssyncset.done $0x0  }
0xa6: {  	s25 =	simm.s32 $0x1B8E;
	s24 =	sld [smem:$0x3FFE];
	[sflag:s23] =	ssyncadd.s32 $0xFFFFFFFF  }
0xa7: {  	s26 =	simm.s32 $execute0_lowered;
	[smem:$0x3FD2] =	sst s25  }
0xa8: {  	s7 =	sshll.u32 s26, $0x1;
	_ =	strace $0x80000046;
	[dreg:$0x1] =	wrdreg $0xFFFFFFFF  }
0xa9: {  	s28 =	simm.s32 $_size_execute0_lowered;
	s5 =	sadd.s32 s5, s7;
	[dreg:$0x0] =	wrdreg $0x0  }
0xaa: {  	s7 =	sshll.u32 s28, $0x1;
	[dreg:$0x2] =	wrdreg s5  }
0xab: {  	[dreg:$0x3] =	wrdreg s7  }
0xac: {  	[dreg:$0x4] =	wrdreg $0xC0  }
0xad: {  	_ =	task [dreg:s9], $0x5FFFF  }
0xae: {  	[dreg:$0x1] =	wrdreg $0xFFFFFFFF  }
0xaf: {  	[dreg:$0x0] =	wrdreg $0x60  }
0xb0: {  	[dreg:$0x2] =	wrdreg s2  }
0xb1: {  	[dreg:$0x3] =	wrdreg s18  }
0xb2: {  	[dreg:$0x4] =	wrdreg s4  }
0xb3: {  	[dreg:$0x5] =	wrdreg s24  }
0xb4: {  	[dreg:$0x6] =	wrdreg $0x153000  }
0xb5: {  	[dreg:$0x7] =	wrdreg $0x173000  }
0xb6: {  	[dreg:$0x8] =	wrdreg $0x9  }
0xb7: {  	_ =	task.clear_ibuf [dreg:s9], $0x9FFFF;
	_ =	strace $0x90000046  }
0xb8: {  	s29 =	simm.s32 $0x9;
	_ =	strace $0x80000048  }
0xb9: {  	_ =	swait.ge [sflag:s29], $0x1  }
0xba: {  	[sflag:s29] =	ssyncadd.s32 $0xFFFFFFFF  }
0xbb: {  	_ =	strace $0x90000048  }
0xbc: {  	_ =	sfence  }
0xbd: {  	s30 =	sld [smem:$0x0];
	_ =	sdelay $0x2  }
0xbe: {  	s31 =	sshll.u32 s1, $0xD;
	s1 =	sshrl.u32 s1, $0x2  }
0xbf: {  	s3 =	sand.u32 $0x4000, s31;
	s1 =	sadd.s32 s1, s30  }
0xc0: {  	s0 =	sor.u32 s3, s0;
	s1 =	sshll.u32 s1, $0x11  }
0xc1: {  	s0 =	sor.u32 s1, s0  }
0xc2: {  	s0 =	sadd.s32 $0x8F2B, s0  }
0xc3: {  	[sflag:s0] =	ssyncadd.remote.s32 $0x1  }
0xc4: {  	_ =	sfence.sel $0xFFFF  }
0xc5: {  	[dreg:$0x0] =	wrdreg $0xFFFFFFFF;
	(pc) =	sbr.abs _section_cstart, $3  }
0xc6: {  	[dreg:$0x1] =	wrdreg $0xFFFFFFFF  }
0xc7: {  	_ =	task.clear_ibuf [dreg:s9], $0x2FFFF;
	_ =	strace $0x9FFFFFFF  }
0xc8: {  	(tm) =	ssettm $0x7FFFFFFF  }
0xc9: {  	_ =	shalt  }
tec
execute0_lowered:
.L_overlay_start_1:
0x0: {  	(tag) =	ssettag $0x1  }
0x1: {  	s0 =	rddreg [dreg:$0x0]  }
0x2: {  	s4 =	rddreg [dreg:$0x1]  }
0x3: {  	s6 =	rddreg [dreg:$0x2]  }
0x4: {  	s7 =	rddreg [dreg:$0x3]  }
0x5: {  	s1 =	rddreg [dreg:$0x4]  }
0x6: {  	s2 =	rddreg [dreg:$0x5];
	s3 =	simm.s32 $0x0  }
0x7: {  	s5 =	srdreg.scid;
	s8 =	stileid.u32;
	s29 =	simm.s32 $0x1  }
0x8: {  	s30 =	simm.s32 $0x80;
	s31 =	simm.s32 $0x2;
	s28 =	simm.s32 $0x6  }
0x9: {  	[smem:$0x7FF] =	sst s3;
	s5 =	sand.u32 $0x1, s5;
	s10 =	sshll.u32 s8, $0x1  }
0xa: {  	s12 =	sshll.u32 s8, $0x7;
	s17 =	sshll.u32 s8, $0xD;
	s18 =	sshll.u32 s8, $0xA  }
0xb: {  	s19 =	sshll.u32 s8, $0x6;
	p0 =	sne.s32 s8, $0x0;
	p1 =	seq.s32 s8, $0xF  }
0xc: {  	_ =	strace $0x80000047;
	s9 =	ssub.s32 $0x2, s5;
	s10 =	sor.u32 s5, s10  }
0xd: {  	s5 =	sshll.u32 s5, $0x6;
	s23 =	sand.u32 $0x40, s19;
	s15 =	sand.u32 $0x380, s19  }
0xe: {  	s19 =	simm.s32 $0x8;
	s11 =	sshrl.u32 s9, $0x1;
	s4 =	sadd.s32 s4, s5  }
0xf: {  	s16 =	sshll.u32 s10, $0xD;
	s22 =	sshll.u32 s10, $0x4;
	[dreg:$0x9] =	wrdreg s23  }
0x10: {  	s10 =	simm.s32 $0x4200;
	s23 =	simm.s32 $0x10200;
	s11 =	ssub.s32 s9, s11  }
0x11: {  	s12 =	sadd.s32 s12, s4;
	s5 =	sadd.s32 s0, s16;
	s9 =	sadd.s32 s17, s1  }
0x12: {  	s17 =	sadd.s32 s6, s18;
	s24 =	sadd.s32 s7, s22;
	s22 =	simm.s32 $0x5  }
0x13: {  	s18 =	simm.s32 $0x7;
	s4 =	simm.s32 $0x14A80;
	s6 =	simm.s32 $0x0  }
0x14: {  	s13 =	sadd.s32 $0x800, s5;
	s14 =	sadd.s32 $0x1000, s5;
	s16 =	sadd.s32 $0x1800, s5  }
.Ltmp0:
0x15: {  	s20 =	sadd.s32 $0x1000, s9;
	[dreg:$0xa] =	wrdreg s24;
	(pc) =	sbr.rel .LBB2_1-.Ltmp0, $4  }
0x16: {  	s25 =	sadd.s32 $0x800, s9;
	s21 =	sadd.s32 $0x1800, s9;
	[dreg:$0x7] =	wrdreg s20  }
0x17: {  	s26 =	smax.u32 s11, $0x1;
	s11 =	smov.u32 s2;
	[dreg:$0x8] =	wrdreg s21  }
0x18: {  	s2 =	simm.s32 $0x200;
	s24 =	simm.s32 $0xC;
	[dreg:$0xb] =	wrdreg s26  }
0x19: {  	v0 =	vimm.f32 $0.0e+00;
	v1 =	vlaneseq.u32;
	v2 =	vimm.f32 $1.000000000e+00;
	s26 =	simm.s32 $0x4;
	s20 =	simm.s32 $0xB;
	s21 =	simm.s32 $0x9  }
.LBB2_12:
0x1a: {  	v26 =	vld [tilespmem:s7+$0x10AD0]  }
0x1b: {  	v27 =	vld [tilespmem:s7+$0x12AD0]  }
0x1c: {  	v28 =	vld [tilespmem:s7+$0x10AE0]  }
0x1d: {  	v25 =	vmov s12;
	v29 =	vld [tilespmem:s7+$0x12AE0];
	s12 =	sshra.s32 s8, $0x2  }
0x1e: {  	v30 =	vld [tilespmem:s12+$0x10A80]  }
0x1f: {  	v52 =	vld [tilespmem:s12+$0x12A80]  }
0x20: {  	v31 =	vld [tilespmem:s12+$0x10A90]  }
0x21: {  	v19 =	vadd.f32 v19, v19;
	v17 =	vmul.f32 v22, v17;
	v54 =	vld [tilespmem:s12+$0x12A90]  }
0x22: {  	v21 =	vsub.f32 v21, v23;
	v53 =	vmul.f32 v16, v11;
	v18 =	vadd.f32 v18, v18;
	v58 =	vld [tilespmem:s12+$0x12AA0]  }
0x23: {  	v55 =	vmul.f32 v14, v11;
	v20 =	vadd.f32 v20, v20;
	v32 =	vld [tilespmem:s12+$0x12AB0];
	v19 =	vsub.f32 v24, v19  }
0x24: {  	v36 =	vld [tilespmem:s12+$0x12AC0];
	v15 =	vmul.f32 v21, v15;
	v18 =	vsub.f32 v53, v18  }
0x25: {  	v41 =	vld [tilespmem:s12+$0x12AD0];
	v10 =	vadd.f32 v17, v10;
	v60 =	vsub.f32 v55, v20;
	v13 =	vmul.f32 v19, v13  }
0x26: {  	v9 =	vadd.f32 v15, v9;
	v59 =	vmul.f32 v18, v16;
	v25 =	vld.idx.msk [tilespmem:v25+s4+$0x0], $0xffff;
	v61 =	vadd.f32 v27, v27  }
0x27: {  	v43 =	vld [tilespmem:s12+$0x12AF0];
	v33 =	vmul.f32 v60, v14;
	v29 =	vadd.f32 v29, v29;
	v7 =	vadd.f32 v13, v7  }
0x28: {  	v56 =	vld [tilespmem:s12+$0x10AA0];
	v22 =	vadd.f32 v52, v52;
	v6 =	vadd.f32 v59, v6  }
0x29: {  	v62 =	vld [tilespmem:s12+$0x10AB0];
	v17 =	vadd.f32 v54, v54;
	v8 =	vadd.f32 v33, v8  }
0x2a: {  	v34 =	vld [tilespmem:s12+$0x10AC0];
	v57 =	vmul.f32 v26, v11;
	v19 =	vadd.f32 v58, v58;
	v42 =	vadd.f32 v32, v32  }
0x2b: {  	v46 =	vld [tilespmem:s12+$0x12AE0];
	v20 =	vadd.f32 v36, v36;
	v63 =	vmul.f32 v30, v25;
	v35 =	vmul.f32 v31, v25  }
0x2c: {  	v44 =	vmul.f32 v28, v11;
	v52 =	vadd.f32 v41, v41;
	v54 =	vadd.f32 v43, v43  }
0x2d: {  	v39 =	vld [tilespmem:s12+$0x10AD0];
	v38 =	vmul.f32 v56, v25;
	v13 =	vsub.f32 v63, v22;
	v17 =	vsub.f32 v35, v17  }
0x2e: {  	v15 =	vsub.f32 v57, v61;
	v11 =	vsub.f32 v44, v29;
	v40 =	vmul.f32 v62, v25  }
0x2f: {  	v48 =	vld [tilespmem:s12+$0x10AE0];
	v14 =	vsub.f32 v38, v19;
	v13 =	vmul.f32 v13, v30;
	v17 =	vmul.f32 v17, v31  }
0x30: {  	v57 =	vadd.f32 v46, v46;
	v45 =	vmul.f32 v34, v25;
	v18 =	vsub.f32 v40, v42  }
0x31: {  	v37 =	vld [tilespmem:s12+$0x10AF0];
	v47 =	vmul.f32 v14, v56;
	v10 =	vadd.f32 v13, v10;
	v9 =	vadd.f32 v17, v9  }
0x32: {  	v15 =	vmul.f32 v15, v26;
	v51 =	vmul.f32 v39, v25;
	v50 =	vsub.f32 v45, v20  }
0x33: {  	v49 =	vmul.f32 v18, v62;
	v7 =	vadd.f32 v47, v7;
	v9 =	vadd.f32 v9, v10  }
0x34: {  	v59 =	vmul.f32 v11, v28;
	v58 =	vmul.f32 v48, v25;
	v56 =	vsub.f32 v51, v52  }
0x35: {  	v55 =	vmul.f32 v50, v34;
	v6 =	vadd.f32 v49, v6;
	v7 =	vadd.f32 v7, v9  }
0x36: {  	v53 =	vmul.f32 v37, v25;
	v5 =	vadd.f32 v15, v5;
	v61 =	vsub.f32 v58, v57  }
0x37: {  	v8 =	vadd.f32 v55, v8;
	v60 =	vmul.f32 v56, v39;
	v6 =	vadd.f32 v6, v7  }
0x38: {  	v4 =	vadd.f32 v59, v4;
	v62 =	vsub.f32 v53, v54  }
0x39: {  	v63 =	vmul.f32 v61, v48;
	v5 =	vadd.f32 v60, v5;
	v6 =	vadd.f32 v8, v6  }
0x3a: {  	v3 =	vadd.f32 v12, v3  }
0x3b: {  	v4 =	vadd.f32 v63, v4;
	v7 =	vmul.f32 v62, v37;
	v5 =	vadd.f32 v5, v6;
	_ =	sdelay $0x1  }
0x3c: {  	s11 =	smov.u32 s25;
	s25 =	smov.u32 s0;
	s12 =	smov.u32 s13;
	v3 =	vadd.f32 v7, v3;
	v4 =	vadd.f32 v4, v5  }
0x3d: {  	s13 =	smov.u32 s14;
	s14 =	smov.u32 s16;
	s16 =	smov.u32 s17  }
0x3e: {  	s17 =	smov.u32 s5;
	s5 =	smov.u32 s2;
	s2 =	simm.s32 $0x200;
	v3 =	vadd.f32 v3, v4  }
.LBB2_16:
0x3f: {  	_ = 	snop  }
0x40: {  	s0 =	rddreg [dreg:$0xa];
	s7 =	simm.s32 $0x15280;
	[tilespmem:$0x15280] =	vst v3  }
0x41: {  	[hbm4b:s0+s3] =	stream.linear.scatter [tilespmem:s7], [sflag:$0xC], $0x80, $0x38;
	[tilespmem:$0x17380] =	vst v63  }
0x42: {  	_ =	swait.ge [sflag:s24], $0x80  }
0x43: {  	s6 =	sadd.s32 $0x1, s6;
	s10 =	rddreg [dreg:$0xb]  }
0x44: {  	p2 =	sne.s32 s6, s10  }
.Ltmp1:
0x45: {  	_ = 	snop;
	(pc) =	sbr.rel @!p2 .LBB2_17-.Ltmp1, $3  }
0x46: {  	_ =	sdelay $0x1  }
0x47: {  	[sflag:s24] =	ssyncset.done $0x0  }
0x48: {  	[sflag:s24] =	ssyncadd.s32 $0xFFFFFF80;
	s10 =	simm.s32 $0x4200  }
.LBB2_1:
0x49: {  	[tilespmem:s3], [sflag:$0xA] =	stream.linear.gather [hbm4b:s12+s3], $0x200, $0x38;
	[tilespmem:$0x17380] =	vst v63  }
0x4a: {  	_ = 	snop  }
0x4b: {  	[tilespmem:s2], [sflag:$0x1] =	stream.linear.gather [hbm4b:s5+s3], $0x4000, $0x38;
	[tilespmem:$0x17380] =	vst v63  }
0x4c: {  	_ = 	snop  }
0x4d: {  	[tilespmem:s10], [sflag:$0x2] =	stream.linear.gather [hbm4b:s13+s3], $0x4000, $0x38;
	[tilespmem:$0x17380] =	vst v63  }
0x4e: {  	s0 =	simm.s32 $0x8200  }
0x4f: {  	[tilespmem:s0], [sflag:$0x3] =	stream.linear.gather [hbm4b:s14+s3], $0x4000, $0x38;
	[tilespmem:$0x17380] =	vst v63  }
0x50: {  	s8 =	simm.s32 $0xC200  }
0x51: {  	[tilespmem:s8], [sflag:$0x4] =	stream.linear.gather [hbm4b:s16+s3], $0x4000, $0x38;
	[tilespmem:$0x17380] =	vst v63  }
0x52: {  	s7 =	simm.s32 $0x10A80  }
0x53: {  	[tilespmem:s7], [sflag:$0x9] =	stream.linear.gather [hbm4b:s17+s3], $0x2000, $0x38;
	[tilespmem:$0x17380] =	vst v63  }
0x54: {  	[tilespmem:$0x10200] =	vst v0  }
0x55: {  	[tilespmem:$0x10210] =	vst v0  }
0x56: {  	[tilespmem:$0x10220] =	vst v0  }
0x57: {  	[tilespmem:$0x10230] =	vst v0  }
0x58: {  	[tilespmem:$0x10240] =	vst v0  }
0x59: {  	[tilespmem:$0x10250] =	vst v0  }
0x5a: {  	[tilespmem:$0x10260] =	vst v0  }
0x5b: {  	[tilespmem:$0x10270] =	vst v0  }
0x5c: {  	[tilespmem:$0x10280] =	vst v0  }
0x5d: {  	[tilespmem:$0x10290] =	vst v0  }
0x5e: {  	[tilespmem:$0x102A0] =	vst v0  }
0x5f: {  	[tilespmem:$0x102B0] =	vst v0  }
0x60: {  	[tilespmem:$0x102C0] =	vst v0  }
0x61: {  	[tilespmem:$0x102D0] =	vst v0  }
0x62: {  	[tilespmem:$0x102E0] =	vst v0  }
0x63: {  	[tilespmem:$0x102F0] =	vst v0  }
0x64: {  	[tilespmem:$0x10300] =	vst v0  }
0x65: {  	[tilespmem:$0x10310] =	vst v0  }
0x66: {  	[tilespmem:$0x10320] =	vst v0  }
0x67: {  	[tilespmem:$0x10330] =	vst v0  }
0x68: {  	[tilespmem:$0x10340] =	vst v0  }
0x69: {  	[tilespmem:$0x10350] =	vst v0  }
0x6a: {  	[tilespmem:$0x10360] =	vst v0  }
0x6b: {  	[tilespmem:$0x10370] =	vst v0  }
0x6c: {  	[tilespmem:$0x10380] =	vst v0  }
0x6d: {  	[tilespmem:$0x10390] =	vst v0  }
0x6e: {  	[tilespmem:$0x103A0] =	vst v0  }
0x6f: {  	[tilespmem:$0x103B0] =	vst v0  }
0x70: {  	[tilespmem:$0x103C0] =	vst v0  }
0x71: {  	[tilespmem:$0x103D0] =	vst v0  }
0x72: {  	[tilespmem:$0x103E0] =	vst v0  }
0x73: {  	[tilespmem:$0x103F0] =	vst v0  }
0x74: {  	[tilespmem:$0x10400] =	vst v0  }
0x75: {  	[tilespmem:$0x10410] =	vst v0  }
0x76: {  	[tilespmem:$0x10420] =	vst v0  }
0x77: {  	[tilespmem:$0x10430] =	vst v0  }
0x78: {  	[tilespmem:$0x10440] =	vst v0  }
0x79: {  	[tilespmem:$0x10450] =	vst v0  }
0x7a: {  	[tilespmem:$0x10460] =	vst v0  }
0x7b: {  	[tilespmem:$0x10470] =	vst v0  }
0x7c: {  	[tilespmem:$0x10480] =	vst v0  }
0x7d: {  	[tilespmem:$0x10490] =	vst v0  }
0x7e: {  	[tilespmem:$0x104A0] =	vst v0  }
0x7f: {  	[tilespmem:$0x104B0] =	vst v0  }
0x80: {  	[tilespmem:$0x104C0] =	vst v0  }
0x81: {  	[tilespmem:$0x104D0] =	vst v0  }
0x82: {  	[tilespmem:$0x104E0] =	vst v0  }
0x83: {  	[tilespmem:$0x104F0] =	vst v0  }
0x84: {  	[tilespmem:$0x10500] =	vst v0  }
0x85: {  	[tilespmem:$0x10510] =	vst v0  }
0x86: {  	[tilespmem:$0x10520] =	vst v0  }
0x87: {  	[tilespmem:$0x10530] =	vst v0  }
0x88: {  	[tilespmem:$0x10540] =	vst v0  }
0x89: {  	[tilespmem:$0x10550] =	vst v0  }
0x8a: {  	[tilespmem:$0x10560] =	vst v0  }
0x8b: {  	[tilespmem:$0x10570] =	vst v0  }
0x8c: {  	[tilespmem:$0x10580] =	vst v0  }
0x8d: {  	[tilespmem:$0x10590] =	vst v0  }
0x8e: {  	[tilespmem:$0x105A0] =	vst v0  }
0x8f: {  	[tilespmem:$0x105B0] =	vst v0  }
0x90: {  	[tilespmem:$0x105C0] =	vst v0  }
0x91: {  	[tilespmem:$0x105D0] =	vst v0  }
0x92: {  	[tilespmem:$0x105E0] =	vst v0  }
0x93: {  	[tilespmem:$0x105F0] =	vst v0  }
0x94: {  	[tilespmem:$0x10600] =	vst v0  }
0x95: {  	[tilespmem:$0x10610] =	vst v0  }
0x96: {  	[tilespmem:$0x10620] =	vst v0  }
0x97: {  	[tilespmem:$0x10630] =	vst v0  }
0x98: {  	[tilespmem:$0x10640] =	vst v0  }
0x99: {  	[tilespmem:$0x10650] =	vst v0  }
0x9a: {  	[tilespmem:$0x10660] =	vst v0  }
0x9b: {  	[tilespmem:$0x10670] =	vst v0  }
0x9c: {  	[tilespmem:$0x10680] =	vst v0  }
0x9d: {  	[tilespmem:$0x10690] =	vst v0  }
0x9e: {  	[tilespmem:$0x106A0] =	vst v0  }
0x9f: {  	[tilespmem:$0x106B0] =	vst v0  }
0xa0: {  	[tilespmem:$0x106C0] =	vst v0  }
0xa1: {  	[tilespmem:$0x106D0] =	vst v0  }
0xa2: {  	[tilespmem:$0x106E0] =	vst v0  }
0xa3: {  	[tilespmem:$0x106F0] =	vst v0  }
0xa4: {  	[tilespmem:$0x10700] =	vst v0  }
0xa5: {  	[tilespmem:$0x10710] =	vst v0  }
0xa6: {  	[tilespmem:$0x10720] =	vst v0  }
0xa7: {  	[tilespmem:$0x10730] =	vst v0  }
0xa8: {  	[tilespmem:$0x10740] =	vst v0  }
0xa9: {  	[tilespmem:$0x10750] =	vst v0  }
0xaa: {  	[tilespmem:$0x10760] =	vst v0  }
0xab: {  	[tilespmem:$0x10770] =	vst v0  }
0xac: {  	[tilespmem:$0x10780] =	vst v0  }
0xad: {  	[tilespmem:$0x10790] =	vst v0  }
0xae: {  	[tilespmem:$0x107A0] =	vst v0  }
0xaf: {  	[tilespmem:$0x107B0] =	vst v0  }
0xb0: {  	[tilespmem:$0x107C0] =	vst v0  }
0xb1: {  	[tilespmem:$0x107D0] =	vst v0  }
0xb2: {  	[tilespmem:$0x107E0] =	vst v0  }
0xb3: {  	[tilespmem:$0x107F0] =	vst v0  }
0xb4: {  	[tilespmem:$0x10800] =	vst v0  }
0xb5: {  	[tilespmem:$0x10810] =	vst v0  }
0xb6: {  	[tilespmem:$0x10820] =	vst v0  }
0xb7: {  	[tilespmem:$0x10830] =	vst v0  }
0xb8: {  	[tilespmem:$0x10840] =	vst v0  }
0xb9: {  	[tilespmem:$0x10850] =	vst v0  }
0xba: {  	[tilespmem:$0x10860] =	vst v0  }
0xbb: {  	[tilespmem:$0x10870] =	vst v0  }
0xbc: {  	[tilespmem:$0x10880] =	vst v0  }
0xbd: {  	[tilespmem:$0x10890] =	vst v0  }
0xbe: {  	[tilespmem:$0x108A0] =	vst v0  }
0xbf: {  	[tilespmem:$0x108B0] =	vst v0  }
0xc0: {  	[tilespmem:$0x108C0] =	vst v0  }
0xc1: {  	[tilespmem:$0x108D0] =	vst v0  }
0xc2: {  	[tilespmem:$0x108E0] =	vst v0  }
0xc3: {  	[tilespmem:$0x108F0] =	vst v0  }
0xc4: {  	[tilespmem:$0x10900] =	vst v0  }
0xc5: {  	[tilespmem:$0x10910] =	vst v0  }
0xc6: {  	[tilespmem:$0x10920] =	vst v0  }
0xc7: {  	[tilespmem:$0x10930] =	vst v0  }
0xc8: {  	[tilespmem:$0x10940] =	vst v0  }
0xc9: {  	[tilespmem:$0x10950] =	vst v0  }
0xca: {  	[tilespmem:$0x10960] =	vst v0  }
0xcb: {  	[tilespmem:$0x10970] =	vst v0  }
0xcc: {  	[tilespmem:$0x10980] =	vst v0  }
0xcd: {  	[tilespmem:$0x10990] =	vst v0  }
0xce: {  	[tilespmem:$0x109A0] =	vst v0  }
0xcf: {  	[tilespmem:$0x109B0] =	vst v0  }
0xd0: {  	[tilespmem:$0x109C0] =	vst v0  }
0xd1: {  	[tilespmem:$0x109D0] =	vst v0  }
0xd2: {  	[tilespmem:$0x109E0] =	vst v0  }
0xd3: {  	[tilespmem:$0x109F0] =	vst v0  }
0xd4: {  	[tilespmem:$0x10A00] =	vst v1  }
0xd5: {  	[spmem:s9] =	stream.linear.scatter [tilespmem:s23], [sflag:$0xC], $0x800, $0x38;
	[tilespmem:$0x17380] =	vst v63  }
0xd6: {  	_ =	swait.ge [sflag:s24], $0x800  }
0xd7: {  	[sflag:s24] =	ssyncset.done $0x0  }
0xd8: {  	[sflag:s24] =	ssyncadd.s32 $0xFFFFF800  }
0xd9: {  	[spmem:s25] =	stream.linear.scatter [tilespmem:s23], [sflag:$0xC], $0x800, $0x38;
	[tilespmem:$0x17380] =	vst v63  }
0xda: {  	_ =	swait.ge [sflag:s24], $0x800  }
0xdb: {  	[sflag:s24] =	ssyncset.done $0x0  }
0xdc: {  	s8 =	rddreg [dreg:$0x7];
	[sflag:s24] =	ssyncadd.s32 $0xFFFFF800  }
0xdd: {  	[spmem:s8] =	stream.linear.scatter [tilespmem:s23], [sflag:$0xC], $0x800, $0x38;
	[tilespmem:$0x17380] =	vst v63  }
0xde: {  	_ =	swait.ge [sflag:s24], $0x800  }
0xdf: {  	[sflag:s24] =	ssyncset.done $0x0  }
0xe0: {  	s7 =	rddreg [dreg:$0x8];
	[sflag:s24] =	ssyncadd.s32 $0xFFFFF800  }
0xe1: {  	[spmem:s7] =	stream.linear.scatter [tilespmem:s23], [sflag:$0xC], $0x800, $0x38;
	[tilespmem:$0x17380] =	vst v63  }
0xe2: {  	_ =	swait.ge [sflag:s24], $0x800  }
0xe3: {  	[sflag:s24] =	ssyncset.done $0x0  }
0xe4: {  	s7 =	simm.s32 @!p0 $0x10200;
	[sflag:s24] =	ssyncadd.s32 $0xFFFFF800  }
0xe5: {  	[spmem:s11] =	stream.linear.scatter @!p0 [tilespmem:s7], [sflag:$0xC], $0x800, $0x38;
	[tilespmem:$0x17380] =	vst v63  }
0xe6: {  	s7 =	simm.s32 @!p0 $0xC  }
0xe7: {  	_ =	swait.ge @!p0 [sflag:s7], $0x800  }
0xe8: {  	[sflag:s7] =	ssyncset.done @!p0 $0x0  }
0xe9: {  	s8 =	simm.s32 $0xA;
	[sflag:s7] =	ssyncadd.s32 @!p0 $0xFFFFF800  }
0xea: {  	_ =	swait.ge [sflag:s8], $0x200  }
0xeb: {  	[sflag:s8] =	ssyncset.done $0x0  }
0xec: {  	[sflag:s8] =	ssyncadd.s32 $0xFFFFFE00  }
0xed: {  	v3 =	vld [tilespmem:$0x0];
	_ =	sdelay $0x7  }
0xee: {  	[tilespmem:v3+s23+$0x0] =	vst.idx.add.f32.msk $0xffff, v2  }
0xef: {  	v3 =	vld [tilespmem:$0x10];
	_ =	sdelay $0x7  }
0xf0: {  	[tilespmem:v3+s23+$0x0] =	vst.idx.add.f32.msk $0xffff, v2  }
0xf1: {  	v3 =	vld [tilespmem:$0x20];
	_ =	sdelay $0x7  }
0xf2: {  	[tilespmem:v3+s23+$0x0] =	vst.idx.add.f32.msk $0xffff, v2  }
0xf3: {  	v3 =	vld [tilespmem:$0x30];
	_ =	sdelay $0x7  }
0xf4: {  	[tilespmem:v3+s23+$0x0] =	vst.idx.add.f32.msk $0xffff, v2  }
0xf5: {  	v3 =	vld [tilespmem:$0x40];
	_ =	sdelay $0x7  }
0xf6: {  	[tilespmem:v3+s23+$0x0] =	vst.idx.add.f32.msk $0xffff, v2  }
0xf7: {  	v3 =	vld [tilespmem:$0x50];
	_ =	sdelay $0x7  }
0xf8: {  	[tilespmem:v3+s23+$0x0] =	vst.idx.add.f32.msk $0xffff, v2  }
0xf9: {  	v3 =	vld [tilespmem:$0x60];
	_ =	sdelay $0x7  }
0xfa: {  	[tilespmem:v3+s23+$0x0] =	vst.idx.add.f32.msk $0xffff, v2  }
0xfb: {  	v3 =	vld [tilespmem:$0x70];
	_ =	sdelay $0x7  }
0xfc: {  	[tilespmem:v3+s23+$0x0] =	vst.idx.add.f32.msk $0xffff, v2  }
0xfd: {  	v3 =	vld [tilespmem:$0x80];
	_ =	sdelay $0x7  }
0xfe: {  	[tilespmem:v3+s23+$0x0] =	vst.idx.add.f32.msk $0xffff, v2  }
0xff: {  	v3 =	vld [tilespmem:$0x90];
	_ =	sdelay $0x7  }
0x100: {  	[tilespmem:v3+s23+$0x0] =	vst.idx.add.f32.msk $0xffff, v2  }
0x101: {  	v3 =	vld [tilespmem:$0xA0];
	_ =	sdelay $0x7  }
0x102: {  	[tilespmem:v3+s23+$0x0] =	vst.idx.add.f32.msk $0xffff, v2  }
0x103: {  	v3 =	vld [tilespmem:$0xB0];
	_ =	sdelay $0x7  }
0x104: {  	[tilespmem:v3+s23+$0x0] =	vst.idx.add.f32.msk $0xffff, v2  }
0x105: {  	v3 =	vld [tilespmem:$0xC0];
	_ =	sdelay $0x7  }
0x106: {  	[tilespmem:v3+s23+$0x0] =	vst.idx.add.f32.msk $0xffff, v2  }
0x107: {  	v3 =	vld [tilespmem:$0xD0];
	_ =	sdelay $0x7  }
0x108: {  	[tilespmem:v3+s23+$0x0] =	vst.idx.add.f32.msk $0xffff, v2  }
0x109: {  	v3 =	vld [tilespmem:$0xE0];
	_ =	sdelay $0x7  }
0x10a: {  	[tilespmem:v3+s23+$0x0] =	vst.idx.add.f32.msk $0xffff, v2  }
0x10b: {  	v3 =	vld [tilespmem:$0xF0];
	_ =	sdelay $0x7  }
0x10c: {  	[tilespmem:v3+s23+$0x0] =	vst.idx.add.f32.msk $0xffff, v2  }
0x10d: {  	v3 =	vld [tilespmem:$0x100];
	_ =	sdelay $0x7  }
0x10e: {  	[tilespmem:v3+s23+$0x0] =	vst.idx.add.f32.msk $0xffff, v2  }
0x10f: {  	v3 =	vld [tilespmem:$0x110];
	_ =	sdelay $0x7  }
0x110: {  	[tilespmem:v3+s23+$0x0] =	vst.idx.add.f32.msk $0xffff, v2  }
0x111: {  	v3 =	vld [tilespmem:$0x120];
	_ =	sdelay $0x7  }
0x112: {  	[tilespmem:v3+s23+$0x0] =	vst.idx.add.f32.msk $0xffff, v2  }
0x113: {  	v3 =	vld [tilespmem:$0x130];
	_ =	sdelay $0x7  }
0x114: {  	[tilespmem:v3+s23+$0x0] =	vst.idx.add.f32.msk $0xffff, v2  }
0x115: {  	v3 =	vld [tilespmem:$0x140];
	_ =	sdelay $0x7  }
0x116: {  	[tilespmem:v3+s23+$0x0] =	vst.idx.add.f32.msk $0xffff, v2  }
0x117: {  	v3 =	vld [tilespmem:$0x150];
	_ =	sdelay $0x7  }
0x118: {  	[tilespmem:v3+s23+$0x0] =	vst.idx.add.f32.msk $0xffff, v2  }
0x119: {  	v3 =	vld [tilespmem:$0x160];
	_ =	sdelay $0x7  }
0x11a: {  	[tilespmem:v3+s23+$0x0] =	vst.idx.add.f32.msk $0xffff, v2  }
0x11b: {  	v3 =	vld [tilespmem:$0x170];
	_ =	sdelay $0x7  }
0x11c: {  	[tilespmem:v3+s23+$0x0] =	vst.idx.add.f32.msk $0xffff, v2  }
0x11d: {  	v3 =	vld [tilespmem:$0x180];
	_ =	sdelay $0x7  }
0x11e: {  	[tilespmem:v3+s23+$0x0] =	vst.idx.add.f32.msk $0xffff, v2  }
0x11f: {  	v3 =	vld [tilespmem:$0x190];
	_ =	sdelay $0x7  }
0x120: {  	[tilespmem:v3+s23+$0x0] =	vst.idx.add.f32.msk $0xffff, v2  }
0x121: {  	v3 =	vld [tilespmem:$0x1A0];
	_ =	sdelay $0x7  }
0x122: {  	[tilespmem:v3+s23+$0x0] =	vst.idx.add.f32.msk $0xffff, v2  }
0x123: {  	v3 =	vld [tilespmem:$0x1B0];
	_ =	sdelay $0x7  }
0x124: {  	[tilespmem:v3+s23+$0x0] =	vst.idx.add.f32.msk $0xffff, v2  }
0x125: {  	v3 =	vld [tilespmem:$0x1C0];
	_ =	sdelay $0x7  }
0x126: {  	[tilespmem:v3+s23+$0x0] =	vst.idx.add.f32.msk $0xffff, v2  }
0x127: {  	v3 =	vld [tilespmem:$0x1D0];
	_ =	sdelay $0x7  }
0x128: {  	[tilespmem:v3+s23+$0x0] =	vst.idx.add.f32.msk $0xffff, v2  }
0x129: {  	v3 =	vld [tilespmem:$0x1E0];
	_ =	sdelay $0x7  }
0x12a: {  	[tilespmem:v3+s23+$0x0] =	vst.idx.add.f32.msk $0xffff, v2  }
0x12b: {  	v3 =	vld [tilespmem:$0x1F0];
	_ =	sdelay $0x7  }
0x12c: {  	[tilespmem:v3+s23+$0x0] =	vst.idx.add.f32.msk $0xffff, v2  }
0x12d: {  	s7 =	simm.s32 $0x10;
	s8 =	simm.s32 $0x10A00;
	[bflag:$0x0] =	sbarrier.arrive $0xFFFF  }
0x12e: {  	[spmem:s11] =	stream.indirect.scatter.add.f32 [tilespmem:s23], [sflag:$0xB], $0x80, s8, s7, $0xb8;
	[tilespmem:$0x17380] =	vst v63  }
0x12f: {  	_ =	swait.ge [sflag:s29], $0x4000  }
0x130: {  	[sflag:s29] =	ssyncset.done $0x0  }
0x131: {  	s7 =	simm.s32 $0x0;
	[sflag:s29] =	ssyncadd.s32 $0xFFFFC000  }
0x132: {  	[spmem:s1] =	stream.indirect.scatter.add.f32 [tilespmem:s2], [sflag:$0x5], $0x80, s3, s30, $0xb8;
	[tilespmem:$0x17380] =	vst v63  }
0x133: {  	v3 =	vld [tilespmem:s7+$0x380]  }
0x134: {  	v4 =	vld [tilespmem:s7+$0x390]  }
0x135: {  	v5 =	vld [tilespmem:s7+$0x3A0]  }
0x136: {  	v6 =	vld [tilespmem:s7+$0x3B0]  }
0x137: {  	v7 =	vld [tilespmem:s7+$0x3C0]  }
0x138: {  	v8 =	vld [tilespmem:s7+$0x3D0]  }
0x139: {  	v9 =	vld [tilespmem:s7+$0x300]  }
0x13a: {  	v10 =	vld [tilespmem:s7+$0x310]  }
0x13b: {  	v17 =	vld [tilespmem:s7+$0x320]  }
0x13c: {  	v18 =	vld [tilespmem:s7+$0x330]  }
0x13d: {  	v19 =	vld [tilespmem:s7+$0x340]  }
0x13e: {  	v20 =	vld [tilespmem:s7+$0x350]  }
0x13f: {  	v21 =	vld [tilespmem:s7+$0x280]  }
0x140: {  	v22 =	vld [tilespmem:s7+$0x290]  }
0x141: {  	v23 =	vld [tilespmem:s7+$0x200];
	v13 =	vmul.f32 v3, v3;
	v14 =	vmul.f32 v4, v4  }
0x142: {  	v25 =	vld [tilespmem:s7+$0x210];
	v12 =	vmul.f32 v5, v5;
	v11 =	vmul.f32 v6, v6  }
0x143: {  	v26 =	vld [tilespmem:s7+$0x220];
	v6 =	vmul.f32 v7, v7;
	v4 =	vmul.f32 v8, v8  }
0x144: {  	v7 =	vld [tilespmem:s7+$0x230];
	v15 =	vmul.f32 v9, v9;
	v16 =	vmul.f32 v10, v10  }
0x145: {  	v8 =	vld [tilespmem:s7+$0x2A0];
	v17 =	vmul.f32 v17, v17;
	v18 =	vmul.f32 v18, v18  }
0x146: {  	v9 =	vld [tilespmem:s7+$0x2B0];
	v5 =	vmul.f32 v19, v19;
	v3 =	vmul.f32 v20, v20  }
0x147: {  	v10 =	vmul.f32 v23, v23;
	v23 =	vmul.f32 v25, v25  }
0x148: {  	v24 =	vmul.f32 v21, v21;
	v19 =	vld [tilespmem:s7+$0x2C0];
	v29 =	vmul.f32 v26, v26  }
0x149: {  	v25 =	vmul.f32 v22, v22;
	v20 =	vld [tilespmem:s7+$0x2D0];
	v27 =	vadd.f32 v10, v0;
	v28 =	vadd.f32 v23, v0  }
0x14a: {  	v21 =	vld [tilespmem:s7+$0x240];
	v29 =	vadd.f32 v29, v0;
	v10 =	vimm.f32 $0.0e+00;
	v7 =	vmul.f32 v7, v7  }
0x14b: {  	v22 =	vld [tilespmem:s7+$0x250];
	v26 =	vmul.f32 v8, v8;
	v31 =	vmul.f32 v9, v9;
	v9 =	vimm.f32 $0.0e+00  }
0x14c: {  	s8 =	simm.s32 $0x800;
	v23 =	vld [tilespmem:s7+$0x260];
	v8 =	vimm.f32 $0.0e+00;
	v30 =	vadd.f32 v7, v0;
	v7 =	vimm.f32 $0.0e+00  }
.LBB2_2:
0x14d: {  	p2 =	sne.s32 s8, $0xF800;
	v32 =	vld [tilespmem:s7+$0x270];
	v24 =	vadd.f32 v24, v27;
	v25 =	vadd.f32 v25, v28;
	v19 =	vmul.f32 v19, v19  }
0x14e: {  	v26 =	vadd.f32 v26, v29;
	v27 =	vadd.f32 v31, v30;
	v20 =	vmul.f32 v20, v20;
	v28 =	vld [tilespmem:s7+$0x2E0]  }
0x14f: {  	v21 =	vmul.f32 v21, v21;
	v29 =	vld [tilespmem:s7+$0x2F0];
	v15 =	vadd.f32 v15, v24;
	v16 =	vadd.f32 v16, v25  }
0x150: {  	v22 =	vmul.f32 v22, v22;
	v17 =	vadd.f32 v17, v26;
	v18 =	vadd.f32 v18, v27;
	v24 =	vld [tilespmem:s7+$0x360]  }
0x151: {  	v23 =	vmul.f32 v23, v23;
	v25 =	vld [tilespmem:s7+$0x370];
	v26 =	vadd.f32 v13, v15;
	v30 =	vadd.f32 v14, v16  }
0x152: {  	v13 =	vmul.f32 v32, v32;
	v31 =	vadd.f32 v12, v17;
	v32 =	vadd.f32 v11, v18;
	v11 =	vld [tilespmem:s7+$0x3E0]  }
0x153: {  	v9 =	vadd.f32 v21, v9;
	v10 =	vadd.f32 v22, v10;
	v12 =	vmul.f32 v28, v28;
	v14 =	vld [tilespmem:s7+$0x3F0];
	s7 =	sshra.s32 s8, $0x2  }
0x154: {  	v8 =	vadd.f32 v23, v8;
	v15 =	vld [tilespmem:s7+$0x380];
	v7 =	vadd.f32 v13, v7;
	v13 =	vmul.f32 v29, v29  }
0x155: {  	v9 =	vadd.f32 v19, v9;
	v10 =	vadd.f32 v20, v10;
	v16 =	vld [tilespmem:s7+$0x390];
	v17 =	vmul.f32 v24, v24  }
0x156: {  	v8 =	vadd.f32 v12, v8;
	v18 =	vld [tilespmem:s7+$0x3A0];
	v7 =	vadd.f32 v13, v7;
	v12 =	vmul.f32 v25, v25  }
0x157: {  	v5 =	vadd.f32 v5, v9;
	v3 =	vadd.f32 v3, v10;
	v19 =	vld [tilespmem:s7+$0x3B0];
	v11 =	vmul.f32 v11, v11  }
0x158: {  	v8 =	vadd.f32 v17, v8;
	v20 =	vld [tilespmem:s7+$0x3C0];
	v7 =	vadd.f32 v12, v7;
	v12 =	vmul.f32 v14, v14  }
0x159: {  	v9 =	vadd.f32 v6, v5;
	v10 =	vadd.f32 v4, v3;
	v17 =	vld [tilespmem:s7+$0x3D0]  }
0x15a: {  	v8 =	vadd.f32 v11, v8;
	v3 =	vld [tilespmem:s7+$0x300];
	v7 =	vadd.f32 v12, v7  }
0x15b: {  	v5 =	vld [tilespmem:s7+$0x310]  }
0x15c: {  	v21 =	vld [tilespmem:s7+$0x320]  }
0x15d: {  	v22 =	vld [tilespmem:s7+$0x330]  }
0x15e: {  	v23 =	vld [tilespmem:s7+$0x340]  }
0x15f: {  	v24 =	vld [tilespmem:s7+$0x350]  }
0x160: {  	v25 =	vld [tilespmem:s7+$0x280]  }
0x161: {  	v27 =	vld [tilespmem:s7+$0x290]  }
0x162: {  	v13 =	vmul.f32 v15, v15;
	v14 =	vmul.f32 v16, v16;
	v28 =	vld [tilespmem:s7+$0x200]  }
0x163: {  	v12 =	vmul.f32 v18, v18;
	v11 =	vmul.f32 v19, v19;
	v29 =	vld [tilespmem:s7+$0x210]  }
0x164: {  	v6 =	vmul.f32 v20, v20;
	v4 =	vmul.f32 v17, v17;
	v33 =	vld [tilespmem:s7+$0x220]  }
0x165: {  	v15 =	vmul.f32 v3, v3;
	v16 =	vmul.f32 v5, v5;
	v34 =	vld [tilespmem:s7+$0x230]  }
0x166: {  	v17 =	vmul.f32 v21, v21;
	v18 =	vmul.f32 v22, v22;
	v35 =	vld [tilespmem:s7+$0x2A0]  }
0x167: {  	v5 =	vmul.f32 v23, v23;
	v3 =	vmul.f32 v24, v24;
	v36 =	vld [tilespmem:s7+$0x2B0]  }
.Ltmp2:
0x168: {  	v24 =	vmul.f32 v25, v25;
	v25 =	vmul.f32 v27, v27;
	v19 =	vld [tilespmem:s7+$0x2C0];
	(pc) =	sbr.rel @p2 .LBB2_2-.Ltmp2, $4  }
0x169: {  	v22 =	vmul.f32 v28, v28;
	v23 =	vmul.f32 v29, v29;
	v20 =	vld [tilespmem:s7+$0x2D0]  }
0x16a: {  	v29 =	vmul.f32 v33, v33;
	v33 =	vmul.f32 v34, v34;
	v21 =	vld [tilespmem:s7+$0x240]  }
0x16b: {  	v27 =	vadd.f32 v22, v26;
	v28 =	vadd.f32 v23, v30;
	v22 =	vld [tilespmem:s7+$0x250];
	v26 =	vmul.f32 v35, v35  }
0x16c: {  	s8 =	sadd.s32 $0x800, s8;
	v29 =	vadd.f32 v29, v31;
	v30 =	vadd.f32 v33, v32;
	v23 =	vld [tilespmem:s7+$0x260];
	v31 =	vmul.f32 v36, v36  }
0x16d: {  	v32 =	vld [tilespmem:s7+$0x270]  }
0x16e: {  	v33 =	vld [tilespmem:s7+$0x2E0]  }
0x16f: {  	v34 =	vld [tilespmem:s7+$0x2F0]  }
0x170: {  	v35 =	vld [tilespmem:s7+$0x360]  }
0x171: {  	v36 =	vld [tilespmem:s7+$0x370]  }
0x172: {  	v37 =	vld [tilespmem:s7+$0x3E0]  }
0x173: {  	v38 =	vld [tilespmem:s7+$0x3F0];
	_ =	swait.ge [sflag:s31], $0x4000  }
0x174: {  	[sflag:s31] =	ssyncset.done $0x0  }
0x175: {  	s7 =	simm.s32 $0x0;
	[sflag:s31] =	ssyncadd.s32 $0xFFFFC000  }
0x176: {  	[spmem:s1] =	stream.indirect.scatter.add.f32 [tilespmem:s10], [sflag:$0x6], $0x80, s30, s30, $0xb8;
	[tilespmem:$0x17380] =	vst v63  }
0x177: {  	v39 =	vld [tilespmem:s7+$0x4380]  }
0x178: {  	v24 =	vadd.f32 v24, v27;
	v40 =	vld [tilespmem:s7+$0x4390]  }
0x179: {  	v25 =	vadd.f32 v25, v28;
	v26 =	vadd.f32 v26, v29;
	v27 =	vld [tilespmem:s7+$0x43A0]  }
0x17a: {  	v28 =	vadd.f32 v31, v30;
	v15 =	vadd.f32 v15, v24;
	v29 =	vld [tilespmem:s7+$0x43B0]  }
0x17b: {  	v16 =	vadd.f32 v16, v25;
	v17 =	vadd.f32 v17, v26;
	v24 =	vld [tilespmem:s7+$0x43C0]  }
0x17c: {  	v18 =	vadd.f32 v18, v28;
	v25 =	vld [tilespmem:s7+$0x43D0];
	v26 =	vadd.f32 v13, v15  }
0x17d: {  	v28 =	vadd.f32 v14, v16;
	v15 =	vld [tilespmem:s7+$0x4300];
	v13 =	vmul.f32 v21, v21;
	v14 =	vmul.f32 v22, v22  }
0x17e: {  	v16 =	vld [tilespmem:s7+$0x4310];
	v30 =	vadd.f32 v12, v17;
	v12 =	vmul.f32 v23, v23;
	v17 =	vmul.f32 v32, v32  }
0x17f: {  	v21 =	vld [tilespmem:s7+$0x4350];
	v23 =	vadd.f32 v11, v18;
	v11 =	vmul.f32 v19, v19;
	v22 =	vmul.f32 v36, v36  }
0x180: {  	v31 =	vld [tilespmem:s7+$0x4280];
	v54 =	vmul.f32 v37, v37;
	v55 =	vmul.f32 v38, v38;
	v9 =	vadd.f32 v13, v9  }
0x181: {  	v56 =	vld [tilespmem:s7+$0x4290];
	v10 =	vadd.f32 v14, v10;
	v13 =	vmul.f32 v33, v33;
	v8 =	vadd.f32 v12, v8  }
0x182: {  	v59 =	vld [tilespmem:s7+$0x4230];
	v14 =	vmul.f32 v34, v34;
	v12 =	vmul.f32 v20, v20;
	v7 =	vadd.f32 v17, v7  }
0x183: {  	v58 =	vld [tilespmem:s7+$0x4210];
	v17 =	vmul.f32 v35, v35;
	v9 =	vadd.f32 v11, v9;
	v8 =	vadd.f32 v13, v8  }
0x184: {  	v18 =	vld [tilespmem:s7+$0x4320];
	v7 =	vadd.f32 v14, v7;
	v13 =	vmul.f32 v39, v39;
	v14 =	vmul.f32 v40, v40  }
0x185: {  	v19 =	vld [tilespmem:s7+$0x4330];
	v10 =	vadd.f32 v12, v10;
	v12 =	vmul.f32 v27, v27;
	v11 =	vmul.f32 v29, v29  }
0x186: {  	v20 =	vld [tilespmem:s7+$0x4340];
	v15 =	vmul.f32 v15, v15;
	v16 =	vmul.f32 v16, v16  }
0x187: {  	v57 =	vld [tilespmem:s7+$0x4200];
	v63 =	vmul.f32 v59, v59;
	v9 =	vadd.f32 v5, v9;
	v5 =	vmul.f32 v24, v24  }
0x188: {  	v27 =	vld [tilespmem:s7+$0x4220];
	v24 =	vmul.f32 v31, v31;
	v31 =	vmul.f32 v58, v58  }
0x189: {  	v61 =	vld [tilespmem:s7+$0x42B0];
	v10 =	vadd.f32 v3, v10;
	v3 =	vmul.f32 v25, v25;
	v29 =	vadd.f32 v17, v8  }
0x18a: {  	v60 =	vld [tilespmem:s7+$0x42A0];
	v22 =	vadd.f32 v22, v7;
	v17 =	vmul.f32 v18, v18;
	v18 =	vmul.f32 v19, v19  }
0x18b: {  	v25 =	vmul.f32 v56, v56;
	v19 =	vld [tilespmem:s7+$0x42C0];
	v8 =	vadd.f32 v6, v9;
	v7 =	vmul.f32 v20, v20  }
0x18c: {  	v20 =	vld [tilespmem:s7+$0x42D0];
	v9 =	vadd.f32 v4, v10;
	v4 =	vadd.f32 v54, v29;
	v29 =	vmul.f32 v57, v57  }
0x18d: {  	v6 =	vmul.f32 v21, v21;
	v21 =	vld [tilespmem:s7+$0x4240];
	v28 =	vadd.f32 v31, v28;
	v62 =	vmul.f32 v27, v27  }
0x18e: {  	v31 =	vmul.f32 v61, v61;
	v10 =	vadd.f32 v55, v22;
	v22 =	vld [tilespmem:s7+$0x4250];
	v27 =	vadd.f32 v29, v26  }
0x18f: {  	s8 =	simm.s32 $0x800;
	v26 =	vmul.f32 v60, v60;
	v29 =	vadd.f32 v62, v30;
	v30 =	vadd.f32 v63, v23;
	v23 =	vld [tilespmem:s7+$0x4260]  }
.LBB2_4:
0x190: {  	p2 =	sne.s32 s8, $0xF800;
	v32 =	vld [tilespmem:s7+$0x4270];
	v24 =	vadd.f32 v24, v27;
	v25 =	vadd.f32 v25, v28;
	v19 =	vmul.f32 v19, v19  }
0x191: {  	v26 =	vadd.f32 v26, v29;
	v27 =	vadd.f32 v31, v30;
	v20 =	vmul.f32 v20, v20;
	v28 =	vld [tilespmem:s7+$0x42E0]  }
0x192: {  	v21 =	vmul.f32 v21, v21;
	v29 =	vld [tilespmem:s7+$0x42F0];
	v15 =	vadd.f32 v15, v24;
	v16 =	vadd.f32 v16, v25  }
0x193: {  	v22 =	vmul.f32 v22, v22;
	v17 =	vadd.f32 v17, v26;
	v18 =	vadd.f32 v18, v27;
	v24 =	vld [tilespmem:s7+$0x4360]  }
0x194: {  	v23 =	vmul.f32 v23, v23;
	v25 =	vld [tilespmem:s7+$0x4370];
	v26 =	vadd.f32 v13, v15;
	v30 =	vadd.f32 v14, v16  }
0x195: {  	v13 =	vmul.f32 v32, v32;
	v31 =	vadd.f32 v12, v17;
	v32 =	vadd.f32 v11, v18;
	v11 =	vld [tilespmem:s7+$0x43E0]  }
0x196: {  	v8 =	vadd.f32 v21, v8;
	v9 =	vadd.f32 v22, v9;
	v12 =	vmul.f32 v28, v28;
	v14 =	vld [tilespmem:s7+$0x43F0];
	s7 =	sshra.s32 s8, $0x2  }
0x197: {  	v4 =	vadd.f32 v23, v4;
	v15 =	vld [tilespmem:s7+$0x4380];
	v10 =	vadd.f32 v13, v10;
	v13 =	vmul.f32 v29, v29  }
0x198: {  	v8 =	vadd.f32 v19, v8;
	v9 =	vadd.f32 v20, v9;
	v16 =	vld [tilespmem:s7+$0x4390];
	v17 =	vmul.f32 v24, v24  }
0x199: {  	v4 =	vadd.f32 v12, v4;
	v18 =	vld [tilespmem:s7+$0x43A0];
	v10 =	vadd.f32 v13, v10;
	v12 =	vmul.f32 v25, v25  }
0x19a: {  	v7 =	vadd.f32 v7, v8;
	v6 =	vadd.f32 v6, v9;
	v19 =	vld [tilespmem:s7+$0x43B0];
	v11 =	vmul.f32 v11, v11  }
0x19b: {  	v4 =	vadd.f32 v17, v4;
	v20 =	vld [tilespmem:s7+$0x43C0];
	v10 =	vadd.f32 v12, v10;
	v12 =	vmul.f32 v14, v14  }
0x19c: {  	v8 =	vadd.f32 v5, v7;
	v9 =	vadd.f32 v3, v6;
	v17 =	vld [tilespmem:s7+$0x43D0]  }
0x19d: {  	v4 =	vadd.f32 v11, v4;
	v6 =	vld [tilespmem:s7+$0x4300];
	v10 =	vadd.f32 v12, v10  }
0x19e: {  	v7 =	vld [tilespmem:s7+$0x4310]  }
0x19f: {  	v21 =	vld [tilespmem:s7+$0x4320]  }
0x1a0: {  	v22 =	vld [tilespmem:s7+$0x4330]  }
0x1a1: {  	v23 =	vld [tilespmem:s7+$0x4340]  }
0x1a2: {  	v24 =	vld [tilespmem:s7+$0x4350]  }
0x1a3: {  	v25 =	vld [tilespmem:s7+$0x4280]  }
0x1a4: {  	v27 =	vld [tilespmem:s7+$0x4290]  }
0x1a5: {  	v13 =	vmul.f32 v15, v15;
	v14 =	vmul.f32 v16, v16;
	v28 =	vld [tilespmem:s7+$0x4200]  }
0x1a6: {  	v12 =	vmul.f32 v18, v18;
	v11 =	vmul.f32 v19, v19;
	v29 =	vld [tilespmem:s7+$0x4210]  }
0x1a7: {  	v5 =	vmul.f32 v20, v20;
	v3 =	vmul.f32 v17, v17;
	v33 =	vld [tilespmem:s7+$0x4220]  }
0x1a8: {  	v15 =	vmul.f32 v6, v6;
	v16 =	vmul.f32 v7, v7;
	v34 =	vld [tilespmem:s7+$0x4230]  }
0x1a9: {  	v17 =	vmul.f32 v21, v21;
	v18 =	vmul.f32 v22, v22;
	v35 =	vld [tilespmem:s7+$0x42A0]  }
0x1aa: {  	v7 =	vmul.f32 v23, v23;
	v6 =	vmul.f32 v24, v24;
	v36 =	vld [tilespmem:s7+$0x42B0]  }
.Ltmp3:
0x1ab: {  	v24 =	vmul.f32 v25, v25;
	v25 =	vmul.f32 v27, v27;
	v19 =	vld [tilespmem:s7+$0x42C0];
	(pc) =	sbr.rel @p2 .LBB2_4-.Ltmp3, $4  }
0x1ac: {  	v22 =	vmul.f32 v28, v28;
	v23 =	vmul.f32 v29, v29;
	v20 =	vld [tilespmem:s7+$0x42D0]  }
0x1ad: {  	v29 =	vmul.f32 v33, v33;
	v33 =	vmul.f32 v34, v34;
	v21 =	vld [tilespmem:s7+$0x4240]  }
0x1ae: {  	v27 =	vadd.f32 v22, v26;
	v28 =	vadd.f32 v23, v30;
	v22 =	vld [tilespmem:s7+$0x4250];
	v26 =	vmul.f32 v35, v35  }
0x1af: {  	s8 =	sadd.s32 $0x800, s8;
	v29 =	vadd.f32 v29, v31;
	v30 =	vadd.f32 v33, v32;
	v23 =	vld [tilespmem:s7+$0x4260];
	v31 =	vmul.f32 v36, v36  }
0x1b0: {  	v32 =	vld [tilespmem:s7+$0x4270]  }
0x1b1: {  	v33 =	vld [tilespmem:s7+$0x42E0]  }
0x1b2: {  	v34 =	vld [tilespmem:s7+$0x42F0]  }
0x1b3: {  	v35 =	vld [tilespmem:s7+$0x4360]  }
0x1b4: {  	v36 =	vld [tilespmem:s7+$0x4370]  }
0x1b5: {  	v37 =	vld [tilespmem:s7+$0x43E0];
	s0 =	simm.s32 $0x3  }
0x1b6: {  	v38 =	vld [tilespmem:s7+$0x43F0];
	_ =	swait.ge [sflag:s0], $0x4000  }
0x1b7: {  	s8 =	simm.s32 $0x8200;
	[sflag:s0] =	ssyncset.done $0x0  }
0x1b8: {  	s10 =	simm.s32 $0x100;
	s7 =	simm.s32 $0x0;
	[sflag:s0] =	ssyncadd.s32 $0xFFFFC000  }
0x1b9: {  	[spmem:s1] =	stream.indirect.scatter.add.f32 [tilespmem:s8], [sflag:$0x7], $0x80, s10, s30, $0xb8;
	[tilespmem:$0x17380] =	vst v63  }
0x1ba: {  	v39 =	vld [tilespmem:s7+$0x8380]  }
0x1bb: {  	v24 =	vadd.f32 v24, v27;
	v40 =	vld [tilespmem:s7+$0x8390]  }
0x1bc: {  	v25 =	vadd.f32 v25, v28;
	v26 =	vadd.f32 v26, v29;
	v27 =	vld [tilespmem:s7+$0x83A0]  }
0x1bd: {  	v28 =	vadd.f32 v31, v30;
	v15 =	vadd.f32 v15, v24;
	v29 =	vld [tilespmem:s7+$0x83B0]  }
0x1be: {  	v16 =	vadd.f32 v16, v25;
	v17 =	vadd.f32 v17, v26;
	v24 =	vld [tilespmem:s7+$0x83C0]  }
0x1bf: {  	v18 =	vadd.f32 v18, v28;
	v26 =	vadd.f32 v13, v15;
	v25 =	vld [tilespmem:s7+$0x83D0]  }
0x1c0: {  	v28 =	vadd.f32 v14, v16;
	v13 =	vmul.f32 v21, v21;
	v14 =	vmul.f32 v22, v22;
	v15 =	vld [tilespmem:s7+$0x8300]  }
0x1c1: {  	v30 =	vadd.f32 v12, v17;
	v16 =	vld [tilespmem:s7+$0x8310];
	v12 =	vmul.f32 v23, v23;
	v17 =	vmul.f32 v32, v32  }
0x1c2: {  	v23 =	vadd.f32 v11, v18;
	v18 =	vld [tilespmem:s7+$0x8320];
	v11 =	vmul.f32 v19, v19;
	v22 =	vmul.f32 v36, v36  }
0x1c3: {  	v19 =	vld [tilespmem:s7+$0x8330];
	v56 =	vmul.f32 v37, v37;
	v57 =	vmul.f32 v38, v38  }
0x1c4: {  	v21 =	vld [tilespmem:s7+$0x8350];
	v8 =	vadd.f32 v13, v8;
	v9 =	vadd.f32 v14, v9;
	v13 =	vmul.f32 v33, v33  }
0x1c5: {  	v58 =	vld [tilespmem:s7+$0x8290];
	v14 =	vmul.f32 v34, v34;
	v4 =	vadd.f32 v12, v4;
	v12 =	vmul.f32 v20, v20  }
0x1c6: {  	v61 =	vld [tilespmem:s7+$0x8230];
	v10 =	vadd.f32 v17, v10;
	v17 =	vmul.f32 v35, v35;
	v8 =	vadd.f32 v11, v8  }
0x1c7: {  	v31 =	vld [tilespmem:s7+$0x8280];
	v9 =	vadd.f32 v12, v9;
	v55 =	vadd.f32 v13, v4;
	v13 =	vmul.f32 v39, v39  }
0x1c8: {  	v59 =	vld [tilespmem:s7+$0x8200];
	v10 =	vadd.f32 v14, v10;
	v14 =	vmul.f32 v40, v40;
	v12 =	vmul.f32 v27, v27  }
0x1c9: {  	v20 =	vld [tilespmem:s7+$0x8340];
	v11 =	vmul.f32 v29, v29;
	v4 =	vmul.f32 v25, v25  }
0x1ca: {  	v60 =	vld [tilespmem:s7+$0x8210];
	v7 =	vadd.f32 v7, v8;
	v15 =	vmul.f32 v15, v15;
	v16 =	vmul.f32 v16, v16  }
0x1cb: {  	v27 =	vld [tilespmem:s7+$0x8220];
	v25 =	vmul.f32 v58, v58;
	v32 =	vmul.f32 v61, v61;
	v9 =	vadd.f32 v6, v9  }
0x1cc: {  	v62 =	vld [tilespmem:s7+$0x82A0];
	v6 =	vmul.f32 v24, v24;
	v29 =	vadd.f32 v17, v55;
	v17 =	vmul.f32 v18, v18  }
0x1cd: {  	v63 =	vld [tilespmem:s7+$0x82B0];
	v10 =	vadd.f32 v22, v10;
	v18 =	vmul.f32 v19, v19;
	v24 =	vmul.f32 v31, v31  }
0x1ce: {  	v19 =	vld [tilespmem:s7+$0x82C0];
	v22 =	vmul.f32 v59, v59;
	v8 =	vadd.f32 v5, v7;
	v7 =	vmul.f32 v20, v20  }
0x1cf: {  	v20 =	vld [tilespmem:s7+$0x82D0];
	v9 =	vadd.f32 v3, v9;
	v3 =	vadd.f32 v56, v29;
	v29 =	vmul.f32 v60, v60  }
0x1d0: {  	v5 =	vmul.f32 v21, v21;
	v21 =	vld [tilespmem:s7+$0x8240];
	v10 =	vadd.f32 v57, v10;
	v31 =	vmul.f32 v27, v27  }
0x1d1: {  	v27 =	vadd.f32 v22, v26;
	v28 =	vadd.f32 v29, v28;
	v22 =	vld [tilespmem:s7+$0x8250];
	v26 =	vmul.f32 v62, v62  }
0x1d2: {  	s8 =	simm.s32 $0x800;
	v29 =	vadd.f32 v31, v30;
	v30 =	vadd.f32 v32, v23;
	v23 =	vld [tilespmem:s7+$0x8260];
	v31 =	vmul.f32 v63, v63  }
.LBB2_6:
0x1d3: {  	p2 =	sne.s32 s8, $0xF800;
	v32 =	vld [tilespmem:s7+$0x8270];
	v24 =	vadd.f32 v24, v27;
	v25 =	vadd.f32 v25, v28;
	v19 =	vmul.f32 v19, v19  }
0x1d4: {  	v26 =	vadd.f32 v26, v29;
	v27 =	vadd.f32 v31, v30;
	v20 =	vmul.f32 v20, v20;
	v28 =	vld [tilespmem:s7+$0x82E0]  }
0x1d5: {  	v21 =	vmul.f32 v21, v21;
	v29 =	vld [tilespmem:s7+$0x82F0];
	v15 =	vadd.f32 v15, v24;
	v16 =	vadd.f32 v16, v25  }
0x1d6: {  	v22 =	vmul.f32 v22, v22;
	v17 =	vadd.f32 v17, v26;
	v18 =	vadd.f32 v18, v27;
	v24 =	vld [tilespmem:s7+$0x8360]  }
0x1d7: {  	v23 =	vmul.f32 v23, v23;
	v25 =	vld [tilespmem:s7+$0x8370];
	v26 =	vadd.f32 v13, v15;
	v30 =	vadd.f32 v14, v16  }
0x1d8: {  	v13 =	vmul.f32 v32, v32;
	v31 =	vadd.f32 v12, v17;
	v32 =	vadd.f32 v11, v18;
	v11 =	vld [tilespmem:s7+$0x83E0]  }
0x1d9: {  	v8 =	vadd.f32 v21, v8;
	v9 =	vadd.f32 v22, v9;
	v12 =	vmul.f32 v28, v28;
	v14 =	vld [tilespmem:s7+$0x83F0];
	s7 =	sshra.s32 s8, $0x2  }
0x1da: {  	v3 =	vadd.f32 v23, v3;
	v15 =	vld [tilespmem:s7+$0x8380];
	v10 =	vadd.f32 v13, v10;
	v13 =	vmul.f32 v29, v29  }
0x1db: {  	v8 =	vadd.f32 v19, v8;
	v9 =	vadd.f32 v20, v9;
	v16 =	vld [tilespmem:s7+$0x8390];
	v17 =	vmul.f32 v24, v24  }
0x1dc: {  	v3 =	vadd.f32 v12, v3;
	v18 =	vld [tilespmem:s7+$0x83A0];
	v10 =	vadd.f32 v13, v10;
	v12 =	vmul.f32 v25, v25  }
0x1dd: {  	v7 =	vadd.f32 v7, v8;
	v5 =	vadd.f32 v5, v9;
	v19 =	vld [tilespmem:s7+$0x83B0];
	v11 =	vmul.f32 v11, v11  }
0x1de: {  	v3 =	vadd.f32 v17, v3;
	v20 =	vld [tilespmem:s7+$0x83C0];
	v10 =	vadd.f32 v12, v10;
	v12 =	vmul.f32 v14, v14  }
0x1df: {  	v8 =	vadd.f32 v6, v7;
	v9 =	vadd.f32 v4, v5;
	v17 =	vld [tilespmem:s7+$0x83D0]  }
0x1e0: {  	v3 =	vadd.f32 v11, v3;
	v5 =	vld [tilespmem:s7+$0x8300];
	v10 =	vadd.f32 v12, v10  }
0x1e1: {  	v7 =	vld [tilespmem:s7+$0x8310]  }
0x1e2: {  	v21 =	vld [tilespmem:s7+$0x8320]  }
0x1e3: {  	v22 =	vld [tilespmem:s7+$0x8330]  }
0x1e4: {  	v23 =	vld [tilespmem:s7+$0x8340]  }
0x1e5: {  	v24 =	vld [tilespmem:s7+$0x8350]  }
0x1e6: {  	v25 =	vld [tilespmem:s7+$0x8280]  }
0x1e7: {  	v27 =	vld [tilespmem:s7+$0x8290]  }
0x1e8: {  	v13 =	vmul.f32 v15, v15;
	v14 =	vmul.f32 v16, v16;
	v28 =	vld [tilespmem:s7+$0x8200]  }
0x1e9: {  	v12 =	vmul.f32 v18, v18;
	v11 =	vmul.f32 v19, v19;
	v29 =	vld [tilespmem:s7+$0x8210]  }
0x1ea: {  	v6 =	vmul.f32 v20, v20;
	v4 =	vmul.f32 v17, v17;
	v33 =	vld [tilespmem:s7+$0x8220]  }
0x1eb: {  	v15 =	vmul.f32 v5, v5;
	v16 =	vmul.f32 v7, v7;
	v34 =	vld [tilespmem:s7+$0x8230]  }
0x1ec: {  	v17 =	vmul.f32 v21, v21;
	v18 =	vmul.f32 v22, v22;
	v35 =	vld [tilespmem:s7+$0x82A0]  }
0x1ed: {  	v7 =	vmul.f32 v23, v23;
	v5 =	vmul.f32 v24, v24;
	v36 =	vld [tilespmem:s7+$0x82B0]  }
.Ltmp4:
0x1ee: {  	v24 =	vmul.f32 v25, v25;
	v25 =	vmul.f32 v27, v27;
	v19 =	vld [tilespmem:s7+$0x82C0];
	(pc) =	sbr.rel @p2 .LBB2_6-.Ltmp4, $4  }
0x1ef: {  	v22 =	vmul.f32 v28, v28;
	v23 =	vmul.f32 v29, v29;
	v20 =	vld [tilespmem:s7+$0x82D0]  }
0x1f0: {  	v29 =	vmul.f32 v33, v33;
	v33 =	vmul.f32 v34, v34;
	v21 =	vld [tilespmem:s7+$0x8240]  }
0x1f1: {  	v27 =	vadd.f32 v22, v26;
	v28 =	vadd.f32 v23, v30;
	v22 =	vld [tilespmem:s7+$0x8250];
	v26 =	vmul.f32 v35, v35  }
0x1f2: {  	s8 =	sadd.s32 $0x800, s8;
	v29 =	vadd.f32 v29, v31;
	v30 =	vadd.f32 v33, v32;
	v23 =	vld [tilespmem:s7+$0x8260];
	v31 =	vmul.f32 v36, v36  }
0x1f3: {  	v32 =	vld [tilespmem:s7+$0x8270]  }
0x1f4: {  	v33 =	vld [tilespmem:s7+$0x82E0]  }
0x1f5: {  	v34 =	vld [tilespmem:s7+$0x82F0]  }
0x1f6: {  	v35 =	vld [tilespmem:s7+$0x8360]  }
0x1f7: {  	v36 =	vld [tilespmem:s7+$0x8370]  }
0x1f8: {  	v37 =	vld [tilespmem:s7+$0x83E0]  }
0x1f9: {  	v38 =	vld [tilespmem:s7+$0x83F0];
	_ =	swait.ge [sflag:s26], $0x4000  }
0x1fa: {  	s0 =	simm.s32 $0xC200;
	[sflag:s26] =	ssyncset.done $0x0  }
0x1fb: {  	s10 =	simm.s32 $0x180;
	s7 =	simm.s32 $0x0;
	[sflag:s26] =	ssyncadd.s32 $0xFFFFC000  }
0x1fc: {  	[spmem:s1] =	stream.indirect.scatter.add.f32 [tilespmem:s0], [sflag:$0x8], $0x80, s10, s30, $0xb8;
	[tilespmem:$0x17380] =	vst v63  }
0x1fd: {  	v39 =	vld [tilespmem:s7+$0xC380]  }
0x1fe: {  	v40 =	vld [tilespmem:s7+$0xC390]  }
0x1ff: {  	v24 =	vadd.f32 v24, v27;
	v25 =	vadd.f32 v25, v28;
	v27 =	vld [tilespmem:s7+$0xC3A0]  }
0x200: {  	v26 =	vadd.f32 v26, v29;
	v28 =	vadd.f32 v31, v30;
	v29 =	vld [tilespmem:s7+$0xC3B0]  }
0x201: {  	v15 =	vadd.f32 v15, v24;
	v16 =	vadd.f32 v16, v25;
	v24 =	vld [tilespmem:s7+$0xC3C0]  }
0x202: {  	v17 =	vadd.f32 v17, v26;
	v18 =	vadd.f32 v18, v28;
	v25 =	vld [tilespmem:s7+$0xC3D0]  }
0x203: {  	v26 =	vadd.f32 v13, v15;
	v30 =	vadd.f32 v14, v16;
	v13 =	vld [tilespmem:s7+$0xC300];
	v14 =	vmul.f32 v21, v21  }
0x204: {  	v15 =	vmul.f32 v22, v22;
	v16 =	vmul.f32 v23, v23;
	v21 =	vld [tilespmem:s7+$0xC330];
	v31 =	vadd.f32 v12, v17  }
0x205: {  	v23 =	vld [tilespmem:s7+$0xC280];
	v17 =	vmul.f32 v32, v32;
	v56 =	vadd.f32 v11, v18;
	v22 =	vmul.f32 v36, v36  }
0x206: {  	v59 =	vld [tilespmem:s7+$0xC290];
	v57 =	vmul.f32 v37, v37;
	v58 =	vmul.f32 v38, v38;
	v8 =	vadd.f32 v14, v8  }
0x207: {  	v60 =	vld [tilespmem:s7+$0xC200];
	v14 =	vmul.f32 v19, v19;
	v9 =	vadd.f32 v15, v9;
	v15 =	vmul.f32 v20, v20  }
0x208: {  	v61 =	vld [tilespmem:s7+$0xC210];
	v3 =	vadd.f32 v16, v3;
	v16 =	vmul.f32 v33, v33;
	v19 =	vmul.f32 v35, v35  }
0x209: {  	v12 =	vld [tilespmem:s7+$0xC310];
	v10 =	vadd.f32 v17, v10;
	v17 =	vmul.f32 v34, v34;
	v8 =	vadd.f32 v14, v8  }
0x20a: {  	v11 =	vld [tilespmem:s7+$0xC320];
	v18 =	vadd.f32 v15, v9;
	v9 =	vmul.f32 v39, v39;
	v15 =	vmul.f32 v40, v40  }
0x20b: {  	v20 =	vld [tilespmem:s7+$0xC340];
	v28 =	vadd.f32 v16, v3;
	v16 =	vmul.f32 v29, v29;
	v3 =	vmul.f32 v24, v24  }
0x20c: {  	v14 =	vld [tilespmem:s7+$0xC350];
	v10 =	vadd.f32 v17, v10;
	v17 =	vmul.f32 v21, v21;
	v21 =	vmul.f32 v59, v59  }
0x20d: {  	v29 =	vld [tilespmem:s7+$0xC220];
	v8 =	vadd.f32 v7, v8;
	v7 =	vmul.f32 v27, v27;
	v27 =	vadd.f32 v5, v18  }
0x20e: {  	v5 =	vmul.f32 v25, v25;
	v24 =	vadd.f32 v19, v28;
	v25 =	vld [tilespmem:s7+$0xC230];
	v19 =	vmul.f32 v13, v13  }
0x20f: {  	v62 =	vld [tilespmem:s7+$0xC2A0];
	v18 =	vmul.f32 v12, v12;
	v12 =	vadd.f32 v22, v10;
	v10 =	vmul.f32 v11, v11  }
0x210: {  	v63 =	vld [tilespmem:s7+$0xC2B0];
	v13 =	vmul.f32 v20, v20;
	v22 =	vmul.f32 v23, v23;
	v8 =	vadd.f32 v6, v8  }
0x211: {  	v11 =	vadd.f32 v4, v27;
	v6 =	vld [tilespmem:s7+$0xC2C0];
	v4 =	vadd.f32 v57, v24;
	v24 =	vmul.f32 v60, v60  }
0x212: {  	v20 =	vld [tilespmem:s7+$0xC2D0];
	v27 =	vmul.f32 v61, v61;
	v14 =	vmul.f32 v14, v14  }
0x213: {  	v23 =	vld [tilespmem:s7+$0xC240];
	v12 =	vadd.f32 v58, v12;
	v29 =	vmul.f32 v29, v29;
	v25 =	vmul.f32 v25, v25  }
0x214: {  	v28 =	vadd.f32 v24, v26;
	v26 =	vadd.f32 v27, v30;
	v24 =	vld [tilespmem:s7+$0xC250];
	v27 =	vmul.f32 v62, v62  }
0x215: {  	s8 =	simm.s32 $0x800;
	v30 =	vadd.f32 v29, v31;
	v31 =	vmul.f32 v63, v63;
	v29 =	vadd.f32 v25, v56;
	v25 =	vld [tilespmem:s7+$0xC260]  }
.LBB2_8:
0x216: {  	p2 =	sne.s32 s8, $0xF800;
	v32 =	vld [tilespmem:s7+$0xC270];
	v22 =	vadd.f32 v22, v28;
	v21 =	vadd.f32 v21, v26;
	v6 =	vmul.f32 v6, v6  }
0x217: {  	v26 =	vadd.f32 v27, v30;
	v27 =	vadd.f32 v31, v29;
	v20 =	vmul.f32 v20, v20;
	v28 =	vld [tilespmem:s7+$0xC2E0]  }
0x218: {  	v23 =	vmul.f32 v23, v23;
	v29 =	vld [tilespmem:s7+$0xC2F0];
	v19 =	vadd.f32 v19, v22;
	v18 =	vadd.f32 v18, v21  }
0x219: {  	v21 =	vmul.f32 v24, v24;
	v10 =	vadd.f32 v10, v26;
	v17 =	vadd.f32 v17, v27;
	v22 =	vld [tilespmem:s7+$0xC360]  }
0x21a: {  	v24 =	vmul.f32 v25, v25;
	v25 =	vld [tilespmem:s7+$0xC370];
	v26 =	vadd.f32 v9, v19;
	v27 =	vadd.f32 v15, v18  }
0x21b: {  	v9 =	vmul.f32 v32, v32;
	v30 =	vadd.f32 v7, v10;
	v31 =	vadd.f32 v16, v17;
	v7 =	vld [tilespmem:s7+$0xC3E0]  }
0x21c: {  	v8 =	vadd.f32 v23, v8;
	v10 =	vadd.f32 v21, v11;
	v11 =	vmul.f32 v28, v28;
	v15 =	vld [tilespmem:s7+$0xC3F0];
	s7 =	sshra.s32 s8, $0x2  }
0x21d: {  	v4 =	vadd.f32 v24, v4;
	v16 =	vld [tilespmem:s7+$0xC380];
	v9 =	vadd.f32 v9, v12;
	v12 =	vmul.f32 v29, v29  }
0x21e: {  	v6 =	vadd.f32 v6, v8;
	v8 =	vadd.f32 v20, v10;
	v17 =	vld [tilespmem:s7+$0xC390];
	v10 =	vmul.f32 v22, v22  }
0x21f: {  	v4 =	vadd.f32 v11, v4;
	v18 =	vld [tilespmem:s7+$0xC3A0];
	v9 =	vadd.f32 v12, v9;
	v11 =	vmul.f32 v25, v25  }
0x220: {  	v6 =	vadd.f32 v13, v6;
	v12 =	vadd.f32 v14, v8;
	v19 =	vld [tilespmem:s7+$0xC3B0];
	v7 =	vmul.f32 v7, v7  }
0x221: {  	v4 =	vadd.f32 v10, v4;
	v13 =	vld [tilespmem:s7+$0xC3C0];
	v9 =	vadd.f32 v11, v9;
	v10 =	vmul.f32 v15, v15  }
0x222: {  	v8 =	vadd.f32 v3, v6;
	v11 =	vadd.f32 v5, v12;
	v14 =	vld [tilespmem:s7+$0xC3D0]  }
0x223: {  	v4 =	vadd.f32 v7, v4;
	v6 =	vld [tilespmem:s7+$0xC300];
	v12 =	vadd.f32 v10, v9  }
0x224: {  	v10 =	vld [tilespmem:s7+$0xC310]  }
0x225: {  	v20 =	vld [tilespmem:s7+$0xC320]  }
0x226: {  	v21 =	vld [tilespmem:s7+$0xC330]  }
0x227: {  	v22 =	vld [tilespmem:s7+$0xC340]  }
0x228: {  	v23 =	vld [tilespmem:s7+$0xC350]  }
0x229: {  	v24 =	vld [tilespmem:s7+$0xC280]  }
0x22a: {  	v25 =	vld [tilespmem:s7+$0xC290]  }
0x22b: {  	v9 =	vmul.f32 v16, v16;
	v15 =	vmul.f32 v17, v17;
	v28 =	vld [tilespmem:s7+$0xC200]  }
0x22c: {  	v7 =	vmul.f32 v18, v18;
	v16 =	vmul.f32 v19, v19;
	v29 =	vld [tilespmem:s7+$0xC210]  }
0x22d: {  	v3 =	vmul.f32 v13, v13;
	v5 =	vmul.f32 v14, v14;
	v32 =	vld [tilespmem:s7+$0xC220]  }
0x22e: {  	v19 =	vmul.f32 v6, v6;
	v18 =	vmul.f32 v10, v10;
	v33 =	vld [tilespmem:s7+$0xC230]  }
0x22f: {  	v10 =	vmul.f32 v20, v20;
	v17 =	vmul.f32 v21, v21;
	v34 =	vld [tilespmem:s7+$0xC2A0]  }
0x230: {  	v13 =	vmul.f32 v22, v22;
	v14 =	vmul.f32 v23, v23;
	v35 =	vld [tilespmem:s7+$0xC2B0]  }
.Ltmp5:
0x231: {  	v22 =	vmul.f32 v24, v24;
	v21 =	vmul.f32 v25, v25;
	v6 =	vld [tilespmem:s7+$0xC2C0];
	(pc) =	sbr.rel @p2 .LBB2_8-.Ltmp5, $4  }
0x232: {  	v24 =	vmul.f32 v28, v28;
	v25 =	vmul.f32 v29, v29;
	v20 =	vld [tilespmem:s7+$0xC2D0]  }
0x233: {  	v29 =	vmul.f32 v32, v32;
	v32 =	vmul.f32 v33, v33;
	v23 =	vld [tilespmem:s7+$0xC240]  }
0x234: {  	v28 =	vadd.f32 v24, v26;
	v26 =	vadd.f32 v25, v27;
	v24 =	vld [tilespmem:s7+$0xC250];
	v27 =	vmul.f32 v34, v34  }
0x235: {  	s8 =	sadd.s32 $0x800, s8;
	v30 =	vadd.f32 v29, v30;
	v29 =	vadd.f32 v32, v31;
	v25 =	vld [tilespmem:s7+$0xC260];
	v31 =	vmul.f32 v35, v35  }
0x236: {  	v32 =	vld [tilespmem:s7+$0xC270]  }
0x237: {  	v33 =	vld [tilespmem:s7+$0xC2E0]  }
0x238: {  	v34 =	vld [tilespmem:s7+$0xC2F0]  }
0x239: {  	v35 =	vld [tilespmem:s7+$0xC360]  }
0x23a: {  	v36 =	vld [tilespmem:s7+$0xC370]  }
0x23b: {  	v37 =	vld [tilespmem:s7+$0xC3E0]  }
0x23c: {  	v38 =	vld [tilespmem:s7+$0xC3F0];
	_ =	swait.ge [sflag:s22], $0x4000  }
0x23d: {  	[sflag:s22] =	ssyncset.done $0x0  }
0x23e: {  	[sflag:s22] =	ssyncadd.s32 $0xFFFFC000  }
0x23f: {  	_ =	swait.ge [sflag:s28], $0x4000  }
0x240: {  	[sflag:s28] =	ssyncset.done $0x0  }
0x241: {  	v22 =	vadd.f32 v22, v28;
	v21 =	vadd.f32 v21, v26;
	v51 =	vmul.f32 v6, v6;
	[sflag:s28] =	ssyncadd.s32 $0xFFFFC000  }
0x242: {  	v49 =	vadd.f32 v27, v30;
	v50 =	vadd.f32 v31, v29;
	v52 =	vmul.f32 v20, v20;
	_ =	swait.ge [sflag:s18], $0x4000  }
0x243: {  	v19 =	vadd.f32 v19, v22;
	v6 =	vadd.f32 v18, v21;
	v53 =	vmul.f32 v23, v23;
	[sflag:s18] =	ssyncset.done $0x0  }
0x244: {  	v54 =	vmul.f32 v24, v24;
	v55 =	vadd.f32 v10, v49;
	v17 =	vadd.f32 v17, v50;
	[sflag:s18] =	ssyncadd.s32 $0xFFFFC000  }
0x245: {  	v10 =	vadd.f32 v9, v19;
	v9 =	vadd.f32 v15, v6;
	v57 =	vmul.f32 v32, v32;
	_ =	swait.ge [sflag:s19], $0x4000  }
0x246: {  	v56 =	vmul.f32 v25, v25;
	v8 =	vadd.f32 v53, v8;
	v7 =	vadd.f32 v7, v55;
	[sflag:s19] =	ssyncset.done $0x0  }
0x247: {  	v6 =	vadd.f32 v16, v17;
	v59 =	vmul.f32 v34, v34;
	v12 =	vadd.f32 v57, v12;
	[sflag:s19] =	ssyncadd.s32 $0xFFFFC000  }
0x248: {  	v11 =	vadd.f32 v54, v11;
	v58 =	vmul.f32 v33, v33;
	v4 =	vadd.f32 v56, v4;
	_ =	swait.ge [sflag:s20], $0x800  }
0x249: {  	v61 =	vmul.f32 v36, v36;
	v8 =	vadd.f32 v51, v8;
	v12 =	vadd.f32 v59, v12;
	[sflag:s20] =	ssyncset.done $0x0  }
.Ltmp6:
0x24a: {  	v60 =	vmul.f32 v35, v35;
	v11 =	vadd.f32 v52, v11;
	v4 =	vadd.f32 v58, v4;
	[sflag:s20] =	ssyncadd.s32 $0xFFFFF800;
	(pc) =	sbr.rel @!p1 .LBB2_10-.Ltmp6, $4  }
0x24b: {  	v63 =	vmul.f32 v38, v38;
	v8 =	vadd.f32 v13, v8;
	v12 =	vadd.f32 v61, v12;
	[bflag:$0x0] =	sbarrier.arrive $0xFFFF  }
0x24c: {  	v62 =	vmul.f32 v37, v37;
	v11 =	vadd.f32 v14, v11;
	v4 =	vadd.f32 v60, v4;
	_ =	swait.ge [sflag:s21], $0x2000  }
0x24d: {  	v8 =	vadd.f32 v3, v8;
	v3 =	vadd.f32 v63, v12;
	[sflag:s21] =	ssyncset.done $0x0  }
0x24e: {  	v5 =	vadd.f32 v5, v11;
	v4 =	vadd.f32 v62, v4;
	[sflag:s21] =	ssyncadd.s32 $0xFFFFE000  }
0x24f: {  	s0 =	simm.s32 $0x12A80  }
0x250: {  	[tilespmem:s0], [sflag:$0x1] =	stream.linear.gather [spmem:s9], $0x1400, $0x38;
	[tilespmem:$0x17380] =	vst v63  }
0x251: {  	s7 =	simm.s32 $0x40  }
0x252: {  	v11 =	vmov s7;
	[tilespmem:s4], [sflag:$0x2] =	stream.linear.gather [spmem:s11], $0x800, $0x38;
	[tilespmem:$0x17380] =	vst v63  }
0x253: {  	v11 =	vadd.s32 $0x380, v11;
	_ =	swait.ge [sflag:s29], $0x1400  }
0x254: {  	v12 =	vbroadcast v11, $0x0;
	[sflag:s29] =	ssyncset.done $0x0  }
0x255: {  	[sflag:s29] =	ssyncadd.s32 $0xFFFFEC00  }
0x256: {  	_ =	swait.ge [sflag:s31], $0x800  }
0x257: {  	[sflag:s31] =	ssyncset.done $0x0  }
0x258: {  	s8 =	simm.s32 $0x10AC0;
	[sflag:s31] =	ssyncadd.s32 $0xFFFFF800  }
0x259: {  	v11 =	vld [tilespmem:s8+$0x30]  }
0x25a: {  	s7 =	simm.s32 $0x12AC0;
	v12 =	vld.idx.msk [tilespmem:v12+s4+$0x0], $0xffff  }
0x25b: {  	v13 =	vld [tilespmem:s7+$0x30]  }
0x25c: {  	v17 =	vld [tilespmem:s8+$0xFFFFFFC0]  }
0x25d: {  	v16 =	vld [tilespmem:s7+$0xFFFFFFC0]  }
0x25e: {  	v15 =	vld [tilespmem:s8+$0xFFFFFFD0]  }
0x25f: {  	v19 =	vld [tilespmem:s7+$0xFFFFFFD0]  }
0x260: {  	v14 =	vld [tilespmem:s8+$0xFFFFFFE0];
	v20 =	vmul.f32 v11, v12;
	v13 =	vadd.f32 v13, v13  }
0x261: {  	v18 =	vld [tilespmem:s7+$0xFFFFFFE0]  }
0x262: {  	s10 =	simm.s32 $0x41;
	v23 =	vadd.f32 v16, v16;
	v16 =	vld [tilespmem:s8+$0xFFFFFFF0];
	v13 =	vsub.f32 v20, v13  }
0x263: {  	v24 =	vmov s10;
	s10 =	simm.s32 $0x42;
	v21 =	vmul.f32 v17, v12;
	v22 =	vmul.f32 v15, v12;
	v20 =	vld [tilespmem:s7+$0xFFFFFFF0]  }
.LBB2_14:
0x264: {  	p2 =	sne.s32 s10, $0x67;
	v24 =	vadd.s32 $0x380, v24;
	v19 =	vadd.f32 v19, v19;
	v25 =	vld [tilespmem:s8+$0x0];
	v11 =	vmul.f32 v13, v11  }
0x265: {  	v21 =	vsub.f32 v21, v23;
	v13 =	vbroadcast v24, $0x0;
	v23 =	vmul.f32 v14, v12;
	v24 =	vld [tilespmem:s7+$0x0]  }
0x266: {  	v18 =	vadd.f32 v18, v18;
	v26 =	vld [tilespmem:s8+$0x10];
	v3 =	vadd.f32 v11, v3  }
0x267: {  	v11 =	vmul.f32 v21, v17;
	v17 =	vsub.f32 v22, v19;
	v19 =	vmul.f32 v16, v12;
	v21 =	vld [tilespmem:s7+$0x10]  }
0x268: {  	v18 =	vsub.f32 v23, v18;
	v20 =	vadd.f32 v20, v20;
	v22 =	vld [tilespmem:s8+$0x20]  }
0x269: {  	v10 =	vadd.f32 v11, v10;
	v15 =	vmul.f32 v17, v15;
	s8 =	sadd.s32 $0x80, s8;
	v17 =	vmul.f32 v25, v12;
	v23 =	vld [tilespmem:s7+$0x20]  }
0x26a: {  	v11 =	vld [tilespmem:s8+$0x30];
	v14 =	vmul.f32 v18, v14;
	v18 =	vsub.f32 v19, v20;
	v19 =	vadd.f32 v24, v24  }
0x26b: {  	s7 =	sadd.s32 $0x80, s7;
	v9 =	vadd.f32 v15, v9;
	v13 =	vld.idx.msk [tilespmem:v13+s4+$0x0], $0xffff;
	v15 =	vmul.f32 v26, v12  }
0x26c: {  	v20 =	vld [tilespmem:s7+$0x30];
	v16 =	vmul.f32 v18, v16;
	v18 =	vsub.f32 v17, v19;
	v19 =	vadd.f32 v21, v21  }
0x26d: {  	v7 =	vadd.f32 v14, v7;
	v17 =	vld [tilespmem:s8+$0xFFFFFFC0];
	v12 =	vmul.f32 v22, v12  }
0x26e: {  	v24 =	vld [tilespmem:s7+$0xFFFFFFC0];
	v14 =	vmul.f32 v18, v25;
	v18 =	vsub.f32 v15, v19;
	v21 =	vadd.f32 v23, v23  }
0x26f: {  	v6 =	vadd.f32 v16, v6;
	v15 =	vld [tilespmem:s8+$0xFFFFFFD0]  }
.Ltmp7:
0x270: {  	v19 =	vld [tilespmem:s7+$0xFFFFFFD0];
	v8 =	vadd.f32 v14, v8;
	v16 =	vmul.f32 v18, v26;
	v23 =	vsub.f32 v12, v21;
	(pc) =	sbr.rel @p2 .LBB2_14-.Ltmp7, $4  }
0x271: {  	v25 =	vmul.f32 v11, v13;
	v14 =	vld [tilespmem:s8+$0xFFFFFFE0];
	v20 =	vadd.f32 v20, v20;
	v12 =	vmov v13  }
0x272: {  	v21 =	vmul.f32 v17, v12;
	v18 =	vld [tilespmem:s7+$0xFFFFFFE0];
	v5 =	vadd.f32 v16, v5;
	v26 =	vmul.f32 v23, v22  }
0x273: {  	v23 =	vadd.f32 v24, v24;
	v16 =	vld [tilespmem:s8+$0xFFFFFFF0];
	v13 =	vsub.f32 v25, v20  }
0x274: {  	v24 =	vmov s10;
	s10 =	sadd.s32 $0x1, s10;
	v22 =	vmul.f32 v15, v12;
	v20 =	vld [tilespmem:s7+$0xFFFFFFF0];
	v4 =	vadd.f32 v26, v4  }
0x275: {  	v25 =	vld [tilespmem:s8+$0x0]  }
0x276: {  	v26 =	vld [tilespmem:s7+$0x0]  }
0x277: {  	v27 =	vld [tilespmem:s8+$0x10]  }
0x278: {  	v28 =	vld [tilespmem:s7+$0x10]  }
0x279: {  	v29 =	vld [tilespmem:s8+$0x20]  }
0x27a: {  	v30 =	vld [tilespmem:s7+$0x20];
	s0 =	sadd.s32 $0x80, s8  }
0x27b: {  	s10 =	sadd.s32 $0x80, s7;
	v31 =	vld [tilespmem:s0+$0xFFFFFFC0]  }
0x27c: {  	v52 =	vld [tilespmem:s10+$0xFFFFFFC0]  }
0x27d: {  	v24 =	vadd.s32 $0x380, v24;
	v21 =	vsub.f32 v21, v23;
	v32 =	vld [tilespmem:s0+$0xFFFFFFD0]  }
0x27e: {  	v19 =	vadd.f32 v19, v19;
	v24 =	vbroadcast v24, $0x0;
	v54 =	vld [tilespmem:s10+$0xFFFFFFD0]  }
0x27f: {  	v51 =	vmul.f32 v14, v12;
	v60 =	vld [tilespmem:s10+$0xFFFFFFE0];
	v18 =	vadd.f32 v18, v18;
	v17 =	vmul.f32 v21, v17  }
0x280: {  	v34 =	vld [tilespmem:s10+$0xFFFFFFF0];
	v19 =	vsub.f32 v22, v19;
	v20 =	vadd.f32 v20, v20  }
0x281: {  	v42 =	vld [tilespmem:s10+$0x10];
	v53 =	vmul.f32 v16, v12;
	v18 =	vsub.f32 v51, v18;
	v10 =	vadd.f32 v17, v10  }
0x282: {  	v44 =	vld [tilespmem:s10+$0x30];
	v15 =	vmul.f32 v19, v15;
	v56 =	vadd.f32 v26, v26;
	v62 =	vadd.f32 v28, v28  }
0x283: {  	v47 =	vld [tilespmem:s10+$0x20];
	v55 =	vmul.f32 v25, v12;
	v30 =	vadd.f32 v30, v30;
	v20 =	vsub.f32 v53, v20  }
0x284: {  	v59 =	vmul.f32 v27, v12;
	v9 =	vadd.f32 v15, v9;
	v21 =	vadd.f32 v52, v52;
	v23 =	vld.idx.msk [tilespmem:v24+s4+$0x0], $0xffff  }
0x285: {  	v58 =	vmul.f32 v18, v14;
	v17 =	vadd.f32 v54, v54;
	v18 =	vadd.f32 v60, v60  }
0x286: {  	v57 =	vld [tilespmem:s0+$0xFFFFFFE0];
	v45 =	vmul.f32 v29, v12;
	v43 =	vadd.f32 v34, v34;
	v53 =	vadd.f32 v42, v42  }
0x287: {  	v63 =	vld [tilespmem:s0+$0xFFFFFFF0];
	v19 =	vsub.f32 v55, v56;
	v15 =	vsub.f32 v59, v62  }
0x288: {  	v35 =	vld [tilespmem:s0+$0x0];
	v12 =	vsub.f32 v45, v30;
	v55 =	vadd.f32 v44, v44  }
0x289: {  	v37 =	vld [tilespmem:s10+$0x0];
	v56 =	vadd.f32 v47, v47;
	v33 =	vmul.f32 v31, v23;
	v36 =	vmul.f32 v32, v23  }
0x28a: {  	v61 =	vmul.f32 v20, v16;
	v7 =	vadd.f32 v58, v7;
	v19 =	vmul.f32 v19, v25  }
0x28b: {  	v40 =	vld [tilespmem:s0+$0x10];
	v39 =	vmul.f32 v57, v23;
	v14 =	vsub.f32 v33, v21;
	v17 =	vsub.f32 v36, v17  }
0x28c: {  	v15 =	vmul.f32 v15, v27;
	v8 =	vadd.f32 v19, v8;
	v41 =	vmul.f32 v63, v23  }
0x28d: {  	v49 =	vld [tilespmem:s0+$0x20];
	v18 =	vsub.f32 v39, v18;
	v14 =	vmul.f32 v14, v31;
	v17 =	vmul.f32 v17, v32  }
0x28e: {  	v46 =	vmul.f32 v35, v23;
	v19 =	vsub.f32 v41, v43;
	v21 =	vadd.f32 v37, v37  }
0x28f: {  	v38 =	vld [tilespmem:s0+$0x30];
	v48 =	vmul.f32 v18, v57;
	v10 =	vadd.f32 v14, v10;
	v9 =	vadd.f32 v17, v9  }
0x290: {  	v6 =	vadd.f32 v61, v6;
	v52 =	vmul.f32 v40, v23;
	v51 =	vsub.f32 v46, v21  }
0x291: {  	v50 =	vmul.f32 v19, v63;
	v7 =	vadd.f32 v48, v7;
	v9 =	vadd.f32 v9, v10  }
0x292: {  	v58 =	vmul.f32 v12, v29;
	v57 =	vmul.f32 v49, v23;
	v14 =	vsub.f32 v52, v53  }
0x293: {  	v16 =	vmul.f32 v51, v35;
	v6 =	vadd.f32 v50, v6;
	v7 =	vadd.f32 v7, v9  }
0x294: {  	v5 =	vadd.f32 v15, v5;
	v54 =	vmul.f32 v38, v23;
	v60 =	vsub.f32 v57, v56  }
0x295: {  	v8 =	vadd.f32 v16, v8;
	v59 =	vmul.f32 v14, v40;
	v6 =	vadd.f32 v6, v7  }
0x296: {  	v61 =	vmul.f32 v13, v11;
	v4 =	vadd.f32 v58, v4;
	v10 =	vsub.f32 v54, v55  }
0x297: {  	v62 =	vmul.f32 v60, v49;
	v5 =	vadd.f32 v59, v5;
	v6 =	vadd.f32 v8, v6  }
0x298: {  	v3 =	vadd.f32 v61, v3  }
.Ltmp8:
0x299: {  	v63 =	vmul.f32 v10, v38;
	v4 =	vadd.f32 v62, v4;
	v5 =	vadd.f32 v5, v6;
	(pc) =	sbr.rel .LBB2_16-.Ltmp8, $3  }
0x29a: {  	_ = 	snop  }
0x29b: {  	v3 =	vadd.f32 v63, v3;
	v4 =	vadd.f32 v4, v5;
	_ =	sdelay $0x1  }
0x29c: {  	v3 =	vadd.f32 v3, v4  }
.LBB2_10:
0x29d: {  	s7 =	simm.s32 $0x12A80  }
0x29e: {  	[tilespmem:s7], [sflag:$0x1] =	stream.linear.gather [spmem:s9], $0x2000, $0x38;
	[tilespmem:$0x17380] =	vst v63  }
0x29f: {  	s2 =	smov.u32 s5;
	s5 =	smov.u32 s17  }
0x2a0: {  	[tilespmem:s4], [sflag:$0x2] =	stream.linear.gather [spmem:s11], $0x800, $0x38;
	[tilespmem:$0x17380] =	vst v63  }
0x2a1: {  	s17 =	smov.u32 s16;
	s16 =	smov.u32 s14;
	_ =	swait.ge [sflag:s29], $0x2000  }
0x2a2: {  	s14 =	smov.u32 s13;
	[sflag:s29] =	ssyncset.done $0x0;
	s8 =	rddreg [dreg:$0x9]  }
0x2a3: {  	s13 =	smov.u32 s12;
	s12 =	sadd.s32 s15, s8;
	[sflag:s29] =	ssyncadd.s32 $0xFFFFE000  }
0x2a4: {  	v11 =	vmov s12;
	_ =	swait.ge [sflag:s31], $0x800  }
0x2a5: {  	[sflag:s31] =	ssyncset.done $0x0  }
0x2a6: {  	s7 =	simm.s32 $0x0;
	[sflag:s31] =	ssyncadd.s32 $0xFFFFF800  }
0x2a7: {  	v12 =	vld [tilespmem:s7+$0x10AF0]  }
0x2a8: {  	v14 =	vld [tilespmem:s7+$0x12AF0]  }
0x2a9: {  	v11 =	vld.idx.msk [tilespmem:v11+s4+$0x0], $0xffff  }
0x2aa: {  	v17 =	vld [tilespmem:s7+$0x10A80]  }
0x2ab: {  	v16 =	vld [tilespmem:s7+$0x12A80]  }
0x2ac: {  	v15 =	vld [tilespmem:s7+$0x10A90]  }
0x2ad: {  	v20 =	vld [tilespmem:s7+$0x12A90]  }
0x2ae: {  	v13 =	vld [tilespmem:s7+$0x10AA0];
	v14 =	vadd.f32 v14, v14;
	v18 =	vmul.f32 v12, v11  }
0x2af: {  	v19 =	vld [tilespmem:s7+$0x12AA0]  }
0x2b0: {  	v23 =	vadd.f32 v16, v16;
	v16 =	vld [tilespmem:s7+$0x10AB0];
	v24 =	vsub.f32 v18, v14  }
0x2b1: {  	v22 =	vmul.f32 v17, v11;
	v18 =	vld [tilespmem:s7+$0x12AB0]  }
0x2b2: {  	s0 =	smov.u32 s25;
	s25 =	smov.u32 s11;
	s10 =	sadd.s32 $0x1, s8;
	v21 =	vmul.f32 v15, v11;
	v14 =	vld [tilespmem:s7+$0x10AC0];
	v12 =	vmul.f32 v24, v12  }
0x2b3: {  	s11 =	simm.s32 $0x400;
	s8 =	simm.s32 $0x200;
	s12 =	sadd.s32 s15, s10;
	v22 =	vsub.f32 v22, v23;
	v23 =	vadd.f32 v20, v20;
	v20 =	vld [tilespmem:s7+$0x12AC0];
	v24 =	vmul.f32 v13, v11  }
.LBB2_11:
0x2b4: {  	p2 =	sne.s32 s11, $0x7E00;
	v25 =	vmov s12;
	v19 =	vadd.f32 v19, v19;
	v26 =	vld [tilespmem:s7+$0x10AD0];
	v3 =	vadd.f32 v12, v3  }
0x2b5: {  	v12 =	vmul.f32 v22, v17;
	v17 =	vsub.f32 v21, v23;
	v21 =	vmul.f32 v16, v11;
	v22 =	vld [tilespmem:s7+$0x12AD0]  }
0x2b6: {  	v18 =	vadd.f32 v18, v18;
	v19 =	vsub.f32 v24, v19;
	v23 =	vld [tilespmem:s7+$0x10AE0]  }
0x2b7: {  	v10 =	vadd.f32 v12, v10;
	v12 =	vmul.f32 v17, v15;
	v15 =	vmul.f32 v14, v11;
	v24 =	vld [tilespmem:s7+$0x12AE0];
	s7 =	sshra.s32 s8, $0x2;
	s8 =	smov.u32 s11  }
0x2b8: {  	v17 =	vsub.f32 v21, v18;
	v18 =	vadd.f32 v20, v20;
	v27 =	vld [tilespmem:s7+$0x10AF0];
	v13 =	vmul.f32 v19, v13  }
0x2b9: {  	v9 =	vadd.f32 v12, v9;
	v19 =	vld.idx.msk [tilespmem:v25+s4+$0x0], $0xffff;
	v12 =	vmul.f32 v26, v11  }
0x2ba: {  	v16 =	vmul.f32 v17, v16;
	v15 =	vsub.f32 v15, v18;
	v20 =	vld [tilespmem:s7+$0x12AF0];
	v18 =	vadd.f32 v22, v22  }
0x2bb: {  	v7 =	vadd.f32 v13, v7;
	v17 =	vld [tilespmem:s7+$0x10A80];
	v11 =	vmul.f32 v23, v11  }
0x2bc: {  	v13 =	vmul.f32 v15, v14;
	v21 =	vld [tilespmem:s7+$0x12A80];
	v12 =	vsub.f32 v12, v18;
	v14 =	vadd.f32 v24, v24  }
0x2bd: {  	v6 =	vadd.f32 v16, v6;
	v15 =	vld [tilespmem:s7+$0x10A90]  }
0x2be: {  	v8 =	vadd.f32 v13, v8;
	v24 =	vld [tilespmem:s7+$0x12A90];
	v12 =	vmul.f32 v12, v26;
	v14 =	vsub.f32 v11, v14  }
0x2bf: {  	v18 =	vmul.f32 v27, v19;
	v13 =	vld [tilespmem:s7+$0x10AA0];
	v20 =	vadd.f32 v20, v20;
	v11 =	vmov v19  }
.Ltmp9:
0x2c0: {  	v22 =	vmul.f32 v17, v11;
	v19 =	vld [tilespmem:s7+$0x12AA0];
	v5 =	vadd.f32 v12, v5;
	v12 =	vmul.f32 v14, v23;
	(pc) =	sbr.rel @p2 .LBB2_11-.Ltmp9, $4  }
0x2c1: {  	v14 =	vadd.f32 v21, v21;
	v16 =	vld [tilespmem:s7+$0x10AB0];
	v20 =	vsub.f32 v18, v20  }
0x2c2: {  	v21 =	vmul.f32 v15, v11;
	v18 =	vld [tilespmem:s7+$0x12AB0];
	v4 =	vadd.f32 v12, v4  }
0x2c3: {  	s10 =	sadd.s32 $0x1, s10;
	v22 =	vsub.f32 v22, v14;
	v23 =	vadd.f32 v24, v24;
	v14 =	vld [tilespmem:s7+$0x10AC0];
	v12 =	vmul.f32 v20, v27  }
0x2c4: {  	s12 =	sadd.s32 s15, s10;
	s11 =	sadd.s32 $0x200, s11;
	v24 =	vmul.f32 v13, v11;
	v20 =	vld [tilespmem:s7+$0x12AC0]  }
.Ltmp10:
0x2c5: {  	_ = 	snop;
	(pc) =	sbr.rel .LBB2_12-.Ltmp10, $1  }
0x2c6: {  	_ =	sdelay $0x3  }
.LBB2_17:
0x2c7: {  	_ =	sfence.sel $0x180000  }
0x2c8: {  	[bflag:$0x0] =	sbarrier.arrive $0xFFFF  }
0x2c9: {  	_ =	strace $0x90000047  }
0x2ca: {  	[bflag:$0x2] =	sbarrier.arrive $0xFFFF  }
0x2cb: {  	s0 =	rddreg [dreg:$0x6]  }
0x2cc: {  	s0 =	sadd.s32 @!p0 $0x100000, s0  }
0x2cd: {  	[sflag:s0] =	ssyncadd.tile.s32 @!p0 $0x1;
	_ =	shalt  }
.Lfunc_end2:
_tile_overlayer_lowered:
.L_overlay_start_2:
0x2ce: {  	(tag) =	ssettag $0x2  }
0x2cf: {  	s0 =	rddreg [dreg:$0x0];
	s2 =	stileid.u32  }
0x2d0: {  	s1 =	rddreg [dreg:$0x1];
	p0 =	sne.s32 s2, $0x0  }
0x2d1: {  	s3 =	rddreg [dreg:$0x2];
	[bflag:$0x3] =	sbarrier.arrive $0xFFFF;
	s2 =	simm.s32 @!p0 $0x1C0C  }
0x2d2: {  	[timem:s3], [sflag:s2] =	dma.local @!p0 [hbm:s0], s1  }
0x2d3: {  	s0 =	simm.s32 @!p0 $0xC  }
0x2d4: {  	_ =	swait.ge @!p0 [sflag:s0], s1  }
0x2d5: {  	s1 =	ssub.s32 @!p0 $0x0, s1;
	[sflag:s0] =	ssyncset.done @!p0 $0x0  }
0x2d6: {  	[sflag:s0] =	ssyncadd.s32 @!p0 s1  }
0x2d7: {  	[bflag:$0x3] =	sbarrier.arrive $0xFFFF  }
0x2d8: {  	_ =	shalt  }

</sc_bundles>
